<compile_context>
chip_gen: v7x
topology: tpu7x:2x2x1
jax: 0.10.2.dev20260603
libtpu: 0.0.44.dev20260713+nightly
codegen_flags: <defaults>
</compile_context>

<pallas_src>
import functools

import jax
import jax.numpy as jnp
import numpy as np
from jax import lax
from jax.experimental import pallas as pl
from jax.experimental.pallas import tpu as pltpu
from jax.experimental.pallas import tpu_sc as plsc

DIM = 16
NUM_CLASSES = 100000
DELTA = np.float32(1.0) / np.float32(100000.0)
SCALE = np.float32(100000.0)

LANES = 16
XCOLS = 100
NJG = 4
CH_J = XCOLS // NJG
CH_I = 128
CHUNK = CH_I * CH_J


def _bin_index(xx):
    k0 = (xx * SCALE).astype(jnp.int32)
    kk = k0 + 3
    for off in (2, 1, 0, -1):
        kc = k0 + off
        gv = kc.astype(jnp.float32) * DELTA
        kk = jnp.where(gv >= xx, kc, kk)
    kk = jnp.minimum(jnp.maximum(kk, 0), NUM_CLASSES)
    return kk + 2


def _make_sc_kernel(R, n_rows):
    info = plsc.get_sparse_core_info()
    NC, NS = info.num_cores, info.num_subcores
    NW = NC * NS
    NIG = NW // NJG
    rows_per_w = R // NIG
    n_chunks = rows_per_w // CH_I
    nsegs = CHUNK // 128
    mesh = plsc.VectorSubcoreMesh(core_axis_name="c", subcore_axis_name="s")

    @functools.partial(
        pl.kernel,
        mesh=mesh,
        out_type=jax.ShapeDtypeStruct((XCOLS, 2, R // 128, 8, 128), jnp.float32),
        scratch_types=[
            pltpu.VMEM((CH_J, CH_I), jnp.float32),
            pltpu.VMEM((CHUNK,), jnp.int32),
            pltpu.VMEM((CHUNK, DIM), jnp.float32),
            pltpu.VMEM((CH_J, 2, 8, CH_I), jnp.float32),
            pltpu.SemaphoreType.DMA,
            pltpu.SemaphoreType.DMA,
            pltpu.SemaphoreType.DMA,
        ],
        compiler_params=pltpu.CompilerParams(
            use_tc_tiling_on_sc=False, needs_layout_passes=False
        ),
    )
    def sc_embed(x_hbm, table_hbm, out_hbm, xv, idxv, rowsv, outtv, sem, osem, xsem):
        wid = lax.axis_index("s") * NC + lax.axis_index("c")
        jg = lax.bitwise_and(wid, NJG - 1)
        ig = lax.shift_right_logical(wid, 2)
        j0 = jg * CH_J
        i_base = ig * rows_per_w
        lane = lax.iota(jnp.int32, LANES)
        fds = [jnp.bitwise_and(f0 + lane, DIM - 1) for f0 in range(DIM)]
        tfs = [lax.shift_right_logical(fd, 3) for fd in fds]
        frs = [jnp.bitwise_and(fd, 7) for fd in fds]
        lane25 = lane * CH_J

        pltpu.async_copy(
            x_hbm.at[pl.ds(j0, CH_J), pl.ds(i_base, CH_I)], xv, xsem
        )

        def chunk_body(g, carry):
            i0 = i_base + g * CH_I
            pltpu.make_async_copy(
                x_hbm.at[pl.ds(j0, CH_J), pl.ds(i0, CH_I)], xv, xsem
            ).wait()

            def make_bin(ib):
                def bin_body(jj, c2):
                    xx = xv[jj, pl.ds(ib * LANES, LANES)]
                    pv = (ib * (LANES * CH_J) + jj) + lane25
                    plsc.store_scatter(idxv, [pv], _bin_index(xx))
                    return c2

                return bin_body

            copies = []
            fired = 0
            for ib in range(CH_I // LANES):
                lax.fori_loop(0, CH_J, make_bin(ib), 0)
                can_fire = (LANES * CH_J * (ib + 1)) // 128
                for o in range(fired, can_fire):
                    copies.append(
                        pltpu.async_copy(
                            table_hbm.at[idxv.at[pl.ds(o * 128, 128)]],
                            rowsv.at[pl.ds(o * 128, 128)],
                            sem,
                        )
                    )
                fired = can_fire

            i0n = i_base + jnp.minimum(g + 1, n_chunks - 1) * CH_I
            pltpu.async_copy(
                x_hbm.at[pl.ds(j0, CH_J), pl.ds(i0n, CH_I)], xv, xsem
            )

            def tr_outer(ilb, c2):
                ilv = ilb * LANES + lane

                def tr_jj(jj, c3):
                    jv = jnp.full((LANES,), jj, jnp.int32)
                    pv = (ilb * (LANES * CH_J) + jj) + lane25
                    for f0 in range(DIM):
                        vals = plsc.load_gather(rowsv, [pv, fds[f0]])
                        plsc.store_scatter(
                            outtv, [jv, tfs[f0], frs[f0], ilv], vals
                        )
                    return c3

                lax.fori_loop(0, CH_J, tr_jj, 0)
                return c2

            @pl.when(g > 0)
            def _():
                pltpu.make_async_copy(
                    outtv,
                    out_hbm.at[pl.ds(j0, CH_J), :, i0 // CH_I, :, :],
                    osem,
                ).wait()

            half = CH_I // LANES // 2
            need_a = (half * LANES * CH_J - 1) // 128 + 1
            for k in range(need_a):
                copies[k].wait()
            lax.fori_loop(0, half, tr_outer, 0)
            for k in range(need_a, nsegs):
                copies[k].wait()
            lax.fori_loop(half, CH_I // LANES, tr_outer, 0)

            pltpu.async_copy(
                outtv,
                out_hbm.at[pl.ds(j0, CH_J), :, i0 // CH_I, :, :],
                osem,
            )
            return carry

        lax.fori_loop(0, n_chunks, chunk_body, 0)
        pltpu.make_async_copy(
            x_hbm.at[pl.ds(j0, CH_J), pl.ds(i_base, CH_I)], xv, xsem
        ).wait()
        last_i0 = i_base + (n_chunks - 1) * CH_I
        pltpu.make_async_copy(
            outtv,
            out_hbm.at[pl.ds(j0, CH_J), :, last_i0 // CH_I, :, :],
            osem,
        ).wait()

    return sc_embed


def kernel(x, table):
    R, C = x.shape
    out = _make_sc_kernel(R, table.shape[0])(x.T, table)
    return out.transpose(2, 4, 0, 1, 3).reshape(R, C, DIM)

# --- scband reference (transcript-rebuilt; emitter-appended) ---
"""Pipeline reference for scband-continuous-embedding-62225486184686 (READ-ONLY COPY).

The authoritative reference and input builder live on the scoring server;
editing this copy changes nothing except your own understanding.
"""

import jax, jax.numpy as jnp
import numpy as np

NUM_CLASSES = 100000
DIM = 16
VMIN, VMAX = 0.0, 1.0


def _boundaries():
    # torch.cat([tensor([-2., -1.]), linspace(vmin, vmax, num_classes+1)])
    return jnp.concatenate([
        jnp.array([-2.0, -1.0], dtype=jnp.float32),
        jnp.linspace(VMIN, VMAX, NUM_CLASSES + 1, dtype=jnp.float32),
    ])


def setup_inputs(seed: int = 0) -> dict:
    key = jax.random.key(seed)
    k1, k2 = jax.random.split(key)
    x = jax.random.uniform(k1, (16384, 100), dtype=jnp.float32)  # fill=rand, in [0,1)
    # learned embedding table: (num_classes + 3, dim)
    table = jax.random.normal(k2, (NUM_CLASSES + 3, DIM), dtype=jnp.float32)
    return {"x": x, "table": table}


def reference(x, table):
    # Note: original torch code has `hasattr('self', 'discretized')` which is always
    # False, so `not hasattr(...)` is True and the discretized branch ALWAYS runs:
    #   i = torch.bucketize(x, boundaries[:-1]); feat = embed(i)
    # torch.bucketize(right=False) == jnp.searchsorted(side='left')
    b = _boundaries()
    i = jnp.searchsorted(b[:-1], x, side="left")
    feat = jnp.take(table, i, axis=0)
    return feat

if __name__ == "__main__":
    import jax
    _d = setup_inputs()
    print(jax.jit(kernel)(*tuple(_d.values())))

</pallas_src>

<mosaic_0001>
#map = affine_map<(d0, d1) -> (0, 0)>
#map1 = affine_map<(d0, d1) -> (0, 0, 0, 0, 0)>
module attributes {stable_mosaic.version = 14 : i64} {
  func.func @sc_embed(%arg0: i32, %arg1: i32, %arg2: memref<100x16384xf32, #tpu.memory_space<hbm>>, %arg3: memref<100003x16xf32, #tpu.memory_space<hbm>>, %arg4: memref<100x2x128x8x128xf32, #tpu.memory_space<hbm>>, %arg5: memref<25x128xf32, #tpu.memory_space<vmem>>, %arg6: memref<3200xi32, #tpu.memory_space<vmem>>, %arg7: memref<3200x16xf32, #tpu.memory_space<vmem>>, %arg8: memref<25x2x8x128xf32, #tpu.memory_space<vmem>>, %arg9: memref<!tpu.dma_semaphore, #tpu.memory_space<semaphore_mem>>, %arg10: memref<!tpu.dma_semaphore, #tpu.memory_space<semaphore_mem>>, %arg11: memref<!tpu.dma_semaphore, #tpu.memory_space<semaphore_mem>>) attributes {dimension_semantics = [#tpu.dimension_semantics<core_parallel>, #tpu.dimension_semantics<subcore_parallel>], iteration_bounds = array<i64: 2, 16>, scalar_prefetch = 0 : i64, scratch_operands = 7 : i64, tpu.core_type = #tpu.core_type<sc_vector_subcore>, window_params = [{transform_indices = #map}, {transform_indices = #map}, {transform_indices = #map1}]} {
    %mul3A = arith.constant 2 : i32
    %mul3A_0 = arith.muli %arg1, %mul3A : i32
    %add3A = arith.addi %mul3A_0, %arg0 : i32
    %and3A = arith.constant 3 : i32
    %and3A_1 = arith.andi %add3A, %and3A : i32
    %shift_right_logical3A = arith.constant 2 : i32
    %shift_right_logical3A_2 = arith.shrui %add3A, %shift_right_logical3A : i32
    %mul3A_3 = arith.constant 25 : i32
    %mul3A_4 = arith.muli %and3A_1, %mul3A_3 : i32
    %mul3A_5 = arith.constant 2048 : i32
    %mul3A_6 = arith.muli %shift_right_logical3A_2, %mul3A_5 : i32
    %iota3A = tpu.iota {dimensions = array<i32: 0>} : vector<16xi32>
    %add3A_7 = arith.constant 0 : i32
    %add3A_8 = vector.broadcast %add3A_7 : i32 to vector<16xi32>
    %add3A_9 = arith.addi %add3A_8, %iota3A : vector<16xi32>
    %and3A_10 = arith.constant 15 : i32
    %and3A_11 = vector.broadcast %and3A_10 : i32 to vector<16xi32>
    %and3A_12 = arith.andi %add3A_9, %and3A_11 : vector<16xi32>
    %add3A_13 = arith.constant 1 : i32
    %add3A_14 = vector.broadcast %add3A_13 : i32 to vector<16xi32>
    %add3A_15 = arith.addi %add3A_14, %iota3A : vector<16xi32>
    %and3A_16 = arith.constant 15 : i32
    %and3A_17 = vector.broadcast %and3A_16 : i32 to vector<16xi32>
    %and3A_18 = arith.andi %add3A_15, %and3A_17 : vector<16xi32>
    %add3A_19 = arith.constant 2 : i32
    %add3A_20 = vector.broadcast %add3A_19 : i32 to vector<16xi32>
    %add3A_21 = arith.addi %add3A_20, %iota3A : vector<16xi32>
    %and3A_22 = arith.constant 15 : i32
    %and3A_23 = vector.broadcast %and3A_22 : i32 to vector<16xi32>
    %and3A_24 = arith.andi %add3A_21, %and3A_23 : vector<16xi32>
    %add3A_25 = arith.constant 3 : i32
    %add3A_26 = vector.broadcast %add3A_25 : i32 to vector<16xi32>
    %add3A_27 = arith.addi %add3A_26, %iota3A : vector<16xi32>
    %and3A_28 = arith.constant 15 : i32
    %and3A_29 = vector.broadcast %and3A_28 : i32 to vector<16xi32>
    %and3A_30 = arith.andi %add3A_27, %and3A_29 : vector<16xi32>
    %add3A_31 = arith.constant 4 : i32
    %add3A_32 = vector.broadcast %add3A_31 : i32 to vector<16xi32>
    %add3A_33 = arith.addi %add3A_32, %iota3A : vector<16xi32>
    %and3A_34 = arith.constant 15 : i32
    %and3A_35 = vector.broadcast %and3A_34 : i32 to vector<16xi32>
    %and3A_36 = arith.andi %add3A_33, %and3A_35 : vector<16xi32>
    %add3A_37 = arith.constant 5 : i32
    %add3A_38 = vector.broadcast %add3A_37 : i32 to vector<16xi32>
    %add3A_39 = arith.addi %add3A_38, %iota3A : vector<16xi32>
    %and3A_40 = arith.constant 15 : i32
    %and3A_41 = vector.broadcast %and3A_40 : i32 to vector<16xi32>
    %and3A_42 = arith.andi %add3A_39, %and3A_41 : vector<16xi32>
    %add3A_43 = arith.constant 6 : i32
    %add3A_44 = vector.broadcast %add3A_43 : i32 to vector<16xi32>
    %add3A_45 = arith.addi %add3A_44, %iota3A : vector<16xi32>
    %and3A_46 = arith.constant 15 : i32
    %and3A_47 = vector.broadcast %and3A_46 : i32 to vector<16xi32>
    %and3A_48 = arith.andi %add3A_45, %and3A_47 : vector<16xi32>
    %add3A_49 = arith.constant 7 : i32
    %add3A_50 = vector.broadcast %add3A_49 : i32 to vector<16xi32>
    %add3A_51 = arith.addi %add3A_50, %iota3A : vector<16xi32>
    %and3A_52 = arith.constant 15 : i32
    %and3A_53 = vector.broadcast %and3A_52 : i32 to vector<16xi32>
    %and3A_54 = arith.andi %add3A_51, %and3A_53 : vector<16xi32>
    %add3A_55 = arith.constant 8 : i32
    %add3A_56 = vector.broadcast %add3A_55 : i32 to vector<16xi32>
    %add3A_57 = arith.addi %add3A_56, %iota3A : vector<16xi32>
    %and3A_58 = arith.constant 15 : i32
    %and3A_59 = vector.broadcast %and3A_58 : i32 to vector<16xi32>
    %and3A_60 = arith.andi %add3A_57, %and3A_59 : vector<16xi32>
    %add3A_61 = arith.constant 9 : i32
    %add3A_62 = vector.broadcast %add3A_61 : i32 to vector<16xi32>
    %add3A_63 = arith.addi %add3A_62, %iota3A : vector<16xi32>
    %and3A_64 = arith.constant 15 : i32
    %and3A_65 = vector.broadcast %and3A_64 : i32 to vector<16xi32>
    %and3A_66 = arith.andi %add3A_63, %and3A_65 : vector<16xi32>
    %add3A_67 = arith.constant 10 : i32
    %add3A_68 = vector.broadcast %add3A_67 : i32 to vector<16xi32>
    %add3A_69 = arith.addi %add3A_68, %iota3A : vector<16xi32>
    %and3A_70 = arith.constant 15 : i32
    %and3A_71 = vector.broadcast %and3A_70 : i32 to vector<16xi32>
    %and3A_72 = arith.andi %add3A_69, %and3A_71 : vector<16xi32>
    %add3A_73 = arith.constant 11 : i32
    %add3A_74 = vector.broadcast %add3A_73 : i32 to vector<16xi32>
    %add3A_75 = arith.addi %add3A_74, %iota3A : vector<16xi32>
    %and3A_76 = arith.constant 15 : i32
    %and3A_77 = vector.broadcast %and3A_76 : i32 to vector<16xi32>
    %and3A_78 = arith.andi %add3A_75, %and3A_77 : vector<16xi32>
    %add3A_79 = arith.constant 12 : i32
    %add3A_80 = vector.broadcast %add3A_79 : i32 to vector<16xi32>
    %add3A_81 = arith.addi %add3A_80, %iota3A : vector<16xi32>
    %and3A_82 = arith.constant 15 : i32
    %and3A_83 = vector.broadcast %and3A_82 : i32 to vector<16xi32>
    %and3A_84 = arith.andi %add3A_81, %and3A_83 : vector<16xi32>
    %add3A_85 = arith.constant 13 : i32
    %add3A_86 = vector.broadcast %add3A_85 : i32 to vector<16xi32>
    %add3A_87 = arith.addi %add3A_86, %iota3A : vector<16xi32>
    %and3A_88 = arith.constant 15 : i32
    %and3A_89 = vector.broadcast %and3A_88 : i32 to vector<16xi32>
    %and3A_90 = arith.andi %add3A_87, %and3A_89 : vector<16xi32>
    %add3A_91 = arith.constant 14 : i32
    %add3A_92 = vector.broadcast %add3A_91 : i32 to vector<16xi32>
    %add3A_93 = arith.addi %add3A_92, %iota3A : vector<16xi32>
    %and3A_94 = arith.constant 15 : i32
    %and3A_95 = vector.broadcast %and3A_94 : i32 to vector<16xi32>
    %and3A_96 = arith.andi %add3A_93, %and3A_95 : vector<16xi32>
    %add3A_97 = arith.constant 15 : i32
    %add3A_98 = vector.broadcast %add3A_97 : i32 to vector<16xi32>
    %add3A_99 = arith.addi %add3A_98, %iota3A : vector<16xi32>
    %and3A_100 = arith.constant 15 : i32
    %and3A_101 = vector.broadcast %and3A_100 : i32 to vector<16xi32>
    %and3A_102 = arith.andi %add3A_99, %and3A_101 : vector<16xi32>
    %shift_right_logical3A_103 = arith.constant 3 : i32
    %shift_right_logical3A_104 = vector.broadcast %shift_right_logical3A_103 : i32 to vector<16xi32>
    %shift_right_logical3A_105 = arith.shrui %and3A_12, %shift_right_logical3A_104 : vector<16xi32>
    %shift_right_logical3A_106 = arith.constant 3 : i32
    %shift_right_logical3A_107 = vector.broadcast %shift_right_logical3A_106 : i32 to vector<16xi32>
    %shift_right_logical3A_108 = arith.shrui %and3A_18, %shift_right_logical3A_107 : vector<16xi32>
    %shift_right_logical3A_109 = arith.constant 3 : i32
    %shift_right_logical3A_110 = vector.broadcast %shift_right_logical3A_109 : i32 to vector<16xi32>
    %shift_right_logical3A_111 = arith.shrui %and3A_24, %shift_right_logical3A_110 : vector<16xi32>
    %shift_right_logical3A_112 = arith.constant 3 : i32
    %shift_right_logical3A_113 = vector.broadcast %shift_right_logical3A_112 : i32 to vector<16xi32>
    %shift_right_logical3A_114 = arith.shrui %and3A_30, %shift_right_logical3A_113 : vector<16xi32>
    %shift_right_logical3A_115 = arith.constant 3 : i32
    %shift_right_logical3A_116 = vector.broadcast %shift_right_logical3A_115 : i32 to vector<16xi32>
    %shift_right_logical3A_117 = arith.shrui %and3A_36, %shift_right_logical3A_116 : vector<16xi32>
    %shift_right_logical3A_118 = arith.constant 3 : i32
    %shift_right_logical3A_119 = vector.broadcast %shift_right_logical3A_118 : i32 to vector<16xi32>
    %shift_right_logical3A_120 = arith.shrui %and3A_42, %shift_right_logical3A_119 : vector<16xi32>
    %shift_right_logical3A_121 = arith.constant 3 : i32
    %shift_right_logical3A_122 = vector.broadcast %shift_right_logical3A_121 : i32 to vector<16xi32>
    %shift_right_logical3A_123 = arith.shrui %and3A_48, %shift_right_logical3A_122 : vector<16xi32>
    %shift_right_logical3A_124 = arith.constant 3 : i32
    %shift_right_logical3A_125 = vector.broadcast %shift_right_logical3A_124 : i32 to vector<16xi32>
    %shift_right_logical3A_126 = arith.shrui %and3A_54, %shift_right_logical3A_125 : vector<16xi32>
    %shift_right_logical3A_127 = arith.constant 3 : i32
    %shift_right_logical3A_128 = vector.broadcast %shift_right_logical3A_127 : i32 to vector<16xi32>
    %shift_right_logical3A_129 = arith.shrui %and3A_60, %shift_right_logical3A_128 : vector<16xi32>
    %shift_right_logical3A_130 = arith.constant 3 : i32
    %shift_right_logical3A_131 = vector.broadcast %shift_right_logical3A_130 : i32 to vector<16xi32>
    %shift_right_logical3A_132 = arith.shrui %and3A_66, %shift_right_logical3A_131 : vector<16xi32>
    %shift_right_logical3A_133 = arith.constant 3 : i32
    %shift_right_logical3A_134 = vector.broadcast %shift_right_logical3A_133 : i32 to vector<16xi32>
    %shift_right_logical3A_135 = arith.shrui %and3A_72, %shift_right_logical3A_134 : vector<16xi32>
    %shift_right_logical3A_136 = arith.constant 3 : i32
    %shift_right_logical3A_137 = vector.broadcast %shift_right_logical3A_136 : i32 to vector<16xi32>
    %shift_right_logical3A_138 = arith.shrui %and3A_78, %shift_right_logical3A_137 : vector<16xi32>
    %shift_right_logical3A_139 = arith.constant 3 : i32
    %shift_right_logical3A_140 = vector.broadcast %shift_right_logical3A_139 : i32 to vector<16xi32>
    %shift_right_logical3A_141 = arith.shrui %and3A_84, %shift_right_logical3A_140 : vector<16xi32>
    %shift_right_logical3A_142 = arith.constant 3 : i32
    %shift_right_logical3A_143 = vector.broadcast %shift_right_logical3A_142 : i32 to vector<16xi32>
    %shift_right_logical3A_144 = arith.shrui %and3A_90, %shift_right_logical3A_143 : vector<16xi32>
    %shift_right_logical3A_145 = arith.constant 3 : i32
    %shift_right_logical3A_146 = vector.broadcast %shift_right_logical3A_145 : i32 to vector<16xi32>
    %shift_right_logical3A_147 = arith.shrui %and3A_96, %shift_right_logical3A_146 : vector<16xi32>
    %shift_right_logical3A_148 = arith.constant 3 : i32
    %shift_right_logical3A_149 = vector.broadcast %shift_right_logical3A_148 : i32 to vector<16xi32>
    %shift_right_logical3A_150 = arith.shrui %and3A_102, %shift_right_logical3A_149 : vector<16xi32>
    %and3A_151 = arith.constant 7 : i32
    %and3A_152 = vector.broadcast %and3A_151 : i32 to vector<16xi32>
    %and3A_153 = arith.andi %and3A_12, %and3A_152 : vector<16xi32>
    %and3A_154 = arith.constant 7 : i32
    %and3A_155 = vector.broadcast %and3A_154 : i32 to vector<16xi32>
    %and3A_156 = arith.andi %and3A_18, %and3A_155 : vector<16xi32>
    %and3A_157 = arith.constant 7 : i32
    %and3A_158 = vector.broadcast %and3A_157 : i32 to vector<16xi32>
    %and3A_159 = arith.andi %and3A_24, %and3A_158 : vector<16xi32>
    %and3A_160 = arith.constant 7 : i32
    %and3A_161 = vector.broadcast %and3A_160 : i32 to vector<16xi32>
    %and3A_162 = arith.andi %and3A_30, %and3A_161 : vector<16xi32>
    %and3A_163 = arith.constant 7 : i32
    %and3A_164 = vector.broadcast %and3A_163 : i32 to vector<16xi32>
    %and3A_165 = arith.andi %and3A_36, %and3A_164 : vector<16xi32>
    %and3A_166 = arith.constant 7 : i32
    %and3A_167 = vector.broadcast %and3A_166 : i32 to vector<16xi32>
    %and3A_168 = arith.andi %and3A_42, %and3A_167 : vector<16xi32>
    %and3A_169 = arith.constant 7 : i32
    %and3A_170 = vector.broadcast %and3A_169 : i32 to vector<16xi32>
    %and3A_171 = arith.andi %and3A_48, %and3A_170 : vector<16xi32>
    %and3A_172 = arith.constant 7 : i32
    %and3A_173 = vector.broadcast %and3A_172 : i32 to vector<16xi32>
    %and3A_174 = arith.andi %and3A_54, %and3A_173 : vector<16xi32>
    %and3A_175 = arith.constant 7 : i32
    %and3A_176 = vector.broadcast %and3A_175 : i32 to vector<16xi32>
    %and3A_177 = arith.andi %and3A_60, %and3A_176 : vector<16xi32>
    %and3A_178 = arith.constant 7 : i32
    %and3A_179 = vector.broadcast %and3A_178 : i32 to vector<16xi32>
    %and3A_180 = arith.andi %and3A_66, %and3A_179 : vector<16xi32>
    %and3A_181 = arith.constant 7 : i32
    %and3A_182 = vector.broadcast %and3A_181 : i32 to vector<16xi32>
    %and3A_183 = arith.andi %and3A_72, %and3A_182 : vector<16xi32>
    %and3A_184 = arith.constant 7 : i32
    %and3A_185 = vector.broadcast %and3A_184 : i32 to vector<16xi32>
    %and3A_186 = arith.andi %and3A_78, %and3A_185 : vector<16xi32>
    %and3A_187 = arith.constant 7 : i32
    %and3A_188 = vector.broadcast %and3A_187 : i32 to vector<16xi32>
    %and3A_189 = arith.andi %and3A_84, %and3A_188 : vector<16xi32>
    %and3A_190 = arith.constant 7 : i32
    %and3A_191 = vector.broadcast %and3A_190 : i32 to vector<16xi32>
    %and3A_192 = arith.andi %and3A_90, %and3A_191 : vector<16xi32>
    %and3A_193 = arith.constant 7 : i32
    %and3A_194 = vector.broadcast %and3A_193 : i32 to vector<16xi32>
    %and3A_195 = arith.andi %and3A_96, %and3A_194 : vector<16xi32>
    %and3A_196 = arith.constant 7 : i32
    %and3A_197 = vector.broadcast %and3A_196 : i32 to vector<16xi32>
    %and3A_198 = arith.andi %and3A_102, %and3A_197 : vector<16xi32>
    %mul3A_199 = arith.constant 25 : i32
    %mul3A_200 = vector.broadcast %mul3A_199 : i32 to vector<16xi32>
    %mul3A_201 = arith.muli %iota3A, %mul3A_200 : vector<16xi32>
    %dma_start3A = tpu.memref_slice %arg2[%mul3A_4, %mul3A_6] : memref<100x16384xf32, #tpu.memory_space<hbm>> -> memref<25x128xf32, #tpu.memory_space<hbm>>
    %dma_start3A_202 = tpu.memref_slice %arg2[%mul3A_4, %mul3A_6] : memref<100x16384xf32, #tpu.memory_space<hbm>> -> memref<25x128xf32, #tpu.memory_space<hbm>>
    tpu.enqueue_dma source(%dma_start3A_202 : memref<25x128xf32, #tpu.memory_space<hbm>>) target(%arg5 : memref<25x128xf32, #tpu.memory_space<vmem>>) target_semaphore(%arg11 : memref<!tpu.dma_semaphore, #tpu.memory_space<semaphore_mem>>)
    %scan3A = arith.constant 0 : i32
    %scan3A_203 = arith.constant 0 : i32
    %scan3A_204 = arith.constant 16 : i32
    %scan3A_205 = arith.addi %scan3A_203, %scan3A_204 : i32
    %scan3A_206 = arith.constant 1 : i32
    scf.for %scan3A_238 = %scan3A_203 to %scan3A_205 step %scan3A_206  : i32 {
      %mul3A_239 = arith.constant 128 : i32
      %mul3A_240 = arith.muli %scan3A_238, %mul3A_239 : i32
      %add3A_241 = arith.addi %mul3A_6, %mul3A_240 : i32
      %dma_wait3A_242 = tpu.memref_slice %arg2[%mul3A_4, %add3A_241] : memref<100x16384xf32, #tpu.memory_space<hbm>> -> memref<25x128xf32, #tpu.memory_space<hbm>>
      %dma_wait3A_243 = tpu.memref_slice %arg2[%mul3A_4, %add3A_241] : memref<100x16384xf32, #tpu.memory_space<hbm>> -> memref<25x128xf32, #tpu.memory_space<hbm>>
      tpu.wait_dma2 semaphore(%arg11 : memref<!tpu.dma_semaphore, #tpu.memory_space<semaphore_mem>>) src(%dma_wait3A_243 : memref<25x128xf32, #tpu.memory_space<hbm>>) dst(%arg5 : memref<25x128xf32, #tpu.memory_space<vmem>>)
      %scan3A_244 = arith.constant 0 : i32
      %scan3A_245 = arith.constant 0 : i32
      %scan3A_246 = arith.constant 25 : i32
      %scan3A_247 = arith.addi %scan3A_245, %scan3A_246 : i32
      %scan3A_248 = arith.constant 1 : i32
      scf.for %scan3A_748 = %scan3A_245 to %scan3A_247 step %scan3A_248  : i32 {
        %get3A = arith.index_cast %scan3A_748 : i32 to index
        %get3A_749 = arith.constant 0 : index
        %get3A_750 = tpu.vector_load %arg5[%get3A, %get3A_749] {strides = array<i32>} : memref<25x128xf32, #tpu.memory_space<vmem>>, vector<16xf32>,
        %add3A_751 = arith.constant 0 : i32
        %add3A_752 = arith.addi %add3A_751, %scan3A_748 : i32
        %add3A_753 = vector.broadcast %add3A_752 : i32 to vector<16xi32>
        %add3A_754 = arith.addi %add3A_753, %mul3A_201 : vector<16xi32>
        %mul3A_755 = arith.constant 1.000000e+05 : f32
        %mul3A_756 = vector.broadcast %mul3A_755 : f32 to vector<16xf32>
        %mul3A_757 = arith.mulf %get3A_750, %mul3A_756 : vector<16xf32>
        %convert_element_type3A_758 = arith.fptosi %mul3A_757 : vector<16xf32> to vector<16xi32>
        %add3A_759 = arith.constant 3 : i32
        %add3A_760 = vector.broadcast %add3A_759 : i32 to vector<16xi32>
        %add3A_761 = arith.addi %convert_element_type3A_758, %add3A_760 : vector<16xi32>
        %add3A_762 = arith.constant 2 : i32
        %add3A_763 = vector.broadcast %add3A_762 : i32 to vector<16xi32>
        %add3A_764 = arith.addi %convert_element_type3A_758, %add3A_763 : vector<16xi32>
        %convert_element_type3A_765 = arith.sitofp %add3A_764 : vector<16xi32> to vector<16xf32>
        %mul3A_766 = arith.constant 9.99999974E-6 : f32
        %mul3A_767 = vector.broadcast %mul3A_766 : f32 to vector<16xf32>
        %mul3A_768 = arith.mulf %convert_element_type3A_765, %mul3A_767 : vector<16xf32>
        %ge3A = arith.cmpf oge, %mul3A_768, %get3A_750 : vector<16xf32>
        %select_n3A_769 = arith.select %ge3A, %add3A_764, %add3A_761 : vector<16xi1>, vector<16xi32>
        %add3A_770 = arith.constant 1 : i32
        %add3A_771 = vector.broadcast %add3A_770 : i32 to vector<16xi32>
        %add3A_772 = arith.addi %convert_element_type3A_758, %add3A_771 : vector<16xi32>
        %convert_element_type3A_773 = arith.sitofp %add3A_772 : vector<16xi32> to vector<16xf32>
        %mul3A_774 = arith.constant 9.99999974E-6 : f32
        %mul3A_775 = vector.broadcast %mul3A_774 : f32 to vector<16xf32>
        %mul3A_776 = arith.mulf %convert_element_type3A_773, %mul3A_775 : vector<16xf32>
        %ge3A_777 = arith.cmpf oge, %mul3A_776, %get3A_750 : vector<16xf32>
        %select_n3A_778 = arith.select %ge3A_777, %add3A_772, %select_n3A_769 : vector<16xi1>, vector<16xi32>
        %add3A_779 = arith.constant 0 : i32
        %add3A_780 = vector.broadcast %add3A_779 : i32 to vector<16xi32>
        %add3A_781 = arith.addi %convert_element_type3A_758, %add3A_780 : vector<16xi32>
        %convert_element_type3A_782 = arith.sitofp %add3A_781 : vector<16xi32> to vector<16xf32>
        %mul3A_783 = arith.constant 9.99999974E-6 : f32
        %mul3A_784 = vector.broadcast %mul3A_783 : f32 to vector<16xf32>
        %mul3A_785 = arith.mulf %convert_element_type3A_782, %mul3A_784 : vector<16xf32>
        %ge3A_786 = arith.cmpf oge, %mul3A_785, %get3A_750 : vector<16xf32>
        %select_n3A_787 = arith.select %ge3A_786, %add3A_781, %select_n3A_778 : vector<16xi1>, vector<16xi32>
        %add3A_788 = arith.constant -1 : i32
        %add3A_789 = vector.broadcast %add3A_788 : i32 to vector<16xi32>
        %add3A_790 = arith.addi %convert_element_type3A_758, %add3A_789 : vector<16xi32>
        %convert_element_type3A_791 = arith.sitofp %add3A_790 : vector<16xi32> to vector<16xf32>
        %mul3A_792 = arith.constant 9.99999974E-6 : f32
        %mul3A_793 = vector.broadcast %mul3A_792 : f32 to vector<16xf32>
        %mul3A_794 = arith.mulf %convert_element_type3A_791, %mul3A_793 : vector<16xf32>
        %ge3A_795 = arith.cmpf oge, %mul3A_794, %get3A_750 : vector<16xf32>
        %select_n3A_796 = arith.select %ge3A_795, %add3A_790, %select_n3A_787 : vector<16xi1>, vector<16xi32>
        %max3A = arith.constant 0 : i32
        %max3A_797 = vector.broadcast %max3A : i32 to vector<16xi32>
        %max3A_798 = arith.maxsi %select_n3A_796, %max3A_797 : vector<16xi32>
        %min3A_799 = arith.constant 100000 : i32
        %min3A_800 = vector.broadcast %min3A_799 : i32 to vector<16xi32>
        %min3A_801 = arith.minsi %max3A_798, %min3A_800 : vector<16xi32>
        %add3A_802 = arith.constant 2 : i32
        %add3A_803 = vector.broadcast %add3A_802 : i32 to vector<16xi32>
        %add3A_804 = arith.addi %min3A_801, %add3A_803 : vector<16xi32>
        tpu.vector_store_idx %arg6[%add3A_754], %add3A_804 : memref<3200xi32, #tpu.memory_space<vmem>>[vector<16xi32>], vector<16xi32>,
      }
      %scan3A_249 = arith.constant 25 : i32
      %dma_start3A_250 = arith.constant 0 : i32
      %dma_start3A_251 = arith.constant 0 : i32
      %dma_start3A_252 = tpu.memref_slice %arg7[%dma_start3A_250, %dma_start3A_251] : memref<3200x16xf32, #tpu.memory_space<vmem>> -> memref<128x16xf32, #tpu.memory_space<vmem>>
      %dma_start3A_253 = arith.constant 0 : i32
      %dma_start3A_254 = tpu.memref_slice %arg6[%dma_start3A_253] : memref<3200xi32, #tpu.memory_space<vmem>> -> memref<128xi32, #tpu.memory_space<vmem>>
      %dma_start3A_255 = arith.constant 0 : i32
      %dma_start3A_256 = arith.constant 0 : i32
      %dma_start3A_257 = tpu.memref_slice %arg3[%dma_start3A_255, %dma_start3A_256] : memref<100003x16xf32, #tpu.memory_space<hbm>> -> memref<100003x16xf32, #tpu.memory_space<hbm>>
      tpu.enqueue_indirect_dma source(%dma_start3A_257 : memref<100003x16xf32, #tpu.memory_space<hbm>>) target(%dma_start3A_252 : memref<128x16xf32, #tpu.memory_space<vmem>>) offsets(%dma_start3A_254 : memref<128xi32, #tpu.memory_space<vmem>>) semaphore(%arg9 : memref<!tpu.dma_semaphore, #tpu.memory_space<semaphore_mem>>)
      %dma_start3A_258 = arith.constant 128 : i32
      %dma_start3A_259 = arith.constant 0 : i32
      %dma_start3A_260 = tpu.memref_slice %arg7[%dma_start3A_258, %dma_start3A_259] : memref<3200x16xf32, #tpu.memory_space<vmem>> -> memref<128x16xf32, #tpu.memory_space<vmem>>
      %dma_start3A_261 = arith.constant 128 : i32
      %dma_start3A_262 = tpu.memref_slice %arg6[%dma_start3A_261] : memref<3200xi32, #tpu.memory_space<vmem>> -> memref<128xi32, #tpu.memory_space<vmem>>
      %dma_start3A_263 = arith.constant 0 : i32
      %dma_start3A_264 = arith.constant 0 : i32
      %dma_start3A_265 = tpu.memref_slice %arg3[%dma_start3A_263, %dma_start3A_264] : memref<100003x16xf32, #tpu.memory_space<hbm>> -> memref<100003x16xf32, #tpu.memory_space<hbm>>
      tpu.enqueue_indirect_dma source(%dma_start3A_265 : memref<100003x16xf32, #tpu.memory_space<hbm>>) target(%dma_start3A_260 : memref<128x16xf32, #tpu.memory_space<vmem>>) offsets(%dma_start3A_262 : memref<128xi32, #tpu.memory_space<vmem>>) semaphore(%arg9 : memref<!tpu.dma_semaphore, #tpu.memory_space<semaphore_mem>>)
      %dma_start3A_266 = arith.constant 256 : i32
      %dma_start3A_267 = arith.constant 0 : i32
      %dma_start3A_268 = tpu.memref_slice %arg7[%dma_start3A_266, %dma_start3A_267] : memref<3200x16xf32, #tpu.memory_space<vmem>> -> memref<128x16xf32, #tpu.memory_space<vmem>>
      %dma_start3A_269 = arith.constant 256 : i32
      %dma_start3A_270 = tpu.memref_slice %arg6[%dma_start3A_269] : memref<3200xi32, #tpu.memory_space<vmem>> -> memref<128xi32, #tpu.memory_space<vmem>>
      %dma_start3A_271 = arith.constant 0 : i32
      %dma_start3A_272 = arith.constant 0 : i32
      %dma_start3A_273 = tpu.memref_slice %arg3[%dma_start3A_271, %dma_start3A_272] : memref<100003x16xf32, #tpu.memory_space<hbm>> -> memref<100003x16xf32, #tpu.memory_space<hbm>>
      tpu.enqueue_indirect_dma source(%dma_start3A_273 : memref<100003x16xf32, #tpu.memory_space<hbm>>) target(%dma_start3A_268 : memref<128x16xf32, #tpu.memory_space<vmem>>) offsets(%dma_start3A_270 : memref<128xi32, #tpu.memory_space<vmem>>) semaphore(%arg9 : memref<!tpu.dma_semaphore, #tpu.memory_space<semaphore_mem>>)
      %scan3A_274 = arith.constant 0 : i32
      %scan3A_275 = arith.constant 0 : i32
      %scan3A_276 = arith.constant 25 : i32
      %scan3A_277 = arith.addi %scan3A_275, %scan3A_276 : i32
      %scan3A_278 = arith.constant 1 : i32
      scf.for %scan3A_748 = %scan3A_275 to %scan3A_277 step %scan3A_278  : i32 {
        %get3A = arith.index_cast %scan3A_748 : i32 to index
        %get3A_749 = arith.constant 16 : index
        %get3A_750 = tpu.vector_load %arg5[%get3A, %get3A_749] {strides = array<i32>} : memref<25x128xf32, #tpu.memory_space<vmem>>, vector<16xf32>,
        %add3A_751 = arith.constant 400 : i32
        %add3A_752 = arith.addi %add3A_751, %scan3A_748 : i32
        %add3A_753 = vector.broadcast %add3A_752 : i32 to vector<16xi32>
        %add3A_754 = arith.addi %add3A_753, %mul3A_201 : vector<16xi32>
        %mul3A_755 = arith.constant 1.000000e+05 : f32
        %mul3A_756 = vector.broadcast %mul3A_755 : f32 to vector<16xf32>
        %mul3A_757 = arith.mulf %get3A_750, %mul3A_756 : vector<16xf32>
        %convert_element_type3A_758 = arith.fptosi %mul3A_757 : vector<16xf32> to vector<16xi32>
        %add3A_759 = arith.constant 3 : i32
        %add3A_760 = vector.broadcast %add3A_759 : i32 to vector<16xi32>
        %add3A_761 = arith.addi %convert_element_type3A_758, %add3A_760 : vector<16xi32>
        %add3A_762 = arith.constant 2 : i32
        %add3A_763 = vector.broadcast %add3A_762 : i32 to vector<16xi32>
        %add3A_764 = arith.addi %convert_element_type3A_758, %add3A_763 : vector<16xi32>
        %convert_element_type3A_765 = arith.sitofp %add3A_764 : vector<16xi32> to vector<16xf32>
        %mul3A_766 = arith.constant 9.99999974E-6 : f32
        %mul3A_767 = vector.broadcast %mul3A_766 : f32 to vector<16xf32>
        %mul3A_768 = arith.mulf %convert_element_type3A_765, %mul3A_767 : vector<16xf32>
        %ge3A = arith.cmpf oge, %mul3A_768, %get3A_750 : vector<16xf32>
        %select_n3A_769 = arith.select %ge3A, %add3A_764, %add3A_761 : vector<16xi1>, vector<16xi32>
        %add3A_770 = arith.constant 1 : i32
        %add3A_771 = vector.broadcast %add3A_770 : i32 to vector<16xi32>
        %add3A_772 = arith.addi %convert_element_type3A_758, %add3A_771 : vector<16xi32>
        %convert_element_type3A_773 = arith.sitofp %add3A_772 : vector<16xi32> to vector<16xf32>
        %mul3A_774 = arith.constant 9.99999974E-6 : f32
        %mul3A_775 = vector.broadcast %mul3A_774 : f32 to vector<16xf32>
        %mul3A_776 = arith.mulf %convert_element_type3A_773, %mul3A_775 : vector<16xf32>
        %ge3A_777 = arith.cmpf oge, %mul3A_776, %get3A_750 : vector<16xf32>
        %select_n3A_778 = arith.select %ge3A_777, %add3A_772, %select_n3A_769 : vector<16xi1>, vector<16xi32>
        %add3A_779 = arith.constant 0 : i32
        %add3A_780 = vector.broadcast %add3A_779 : i32 to vector<16xi32>
        %add3A_781 = arith.addi %convert_element_type3A_758, %add3A_780 : vector<16xi32>
        %convert_element_type3A_782 = arith.sitofp %add3A_781 : vector<16xi32> to vector<16xf32>
        %mul3A_783 = arith.constant 9.99999974E-6 : f32
        %mul3A_784 = vector.broadcast %mul3A_783 : f32 to vector<16xf32>
        %mul3A_785 = arith.mulf %convert_element_type3A_782, %mul3A_784 : vector<16xf32>
        %ge3A_786 = arith.cmpf oge, %mul3A_785, %get3A_750 : vector<16xf32>
        %select_n3A_787 = arith.select %ge3A_786, %add3A_781, %select_n3A_778 : vector<16xi1>, vector<16xi32>
        %add3A_788 = arith.constant -1 : i32
        %add3A_789 = vector.broadcast %add3A_788 : i32 to vector<16xi32>
        %add3A_790 = arith.addi %convert_element_type3A_758, %add3A_789 : vector<16xi32>
        %convert_element_type3A_791 = arith.sitofp %add3A_790 : vector<16xi32> to vector<16xf32>
        %mul3A_792 = arith.constant 9.99999974E-6 : f32
        %mul3A_793 = vector.broadcast %mul3A_792 : f32 to vector<16xf32>
        %mul3A_794 = arith.mulf %convert_element_type3A_791, %mul3A_793 : vector<16xf32>
        %ge3A_795 = arith.cmpf oge, %mul3A_794, %get3A_750 : vector<16xf32>
        %select_n3A_796 = arith.select %ge3A_795, %add3A_790, %select_n3A_787 : vector<16xi1>, vector<16xi32>
        %max3A = arith.constant 0 : i32
        %max3A_797 = vector.broadcast %max3A : i32 to vector<16xi32>
        %max3A_798 = arith.maxsi %select_n3A_796, %max3A_797 : vector<16xi32>
        %min3A_799 = arith.constant 100000 : i32
        %min3A_800 = vector.broadcast %min3A_799 : i32 to vector<16xi32>
        %min3A_801 = arith.minsi %max3A_798, %min3A_800 : vector<16xi32>
        %add3A_802 = arith.constant 2 : i32
        %add3A_803 = vector.broadcast %add3A_802 : i32 to vector<16xi32>
        %add3A_804 = arith.addi %min3A_801, %add3A_803 : vector<16xi32>
        tpu.vector_store_idx %arg6[%add3A_754], %add3A_804 : memref<3200xi32, #tpu.memory_space<vmem>>[vector<16xi32>], vector<16xi32>,
      }
      %scan3A_279 = arith.constant 25 : i32
      %dma_start3A_280 = arith.constant 384 : i32
      %dma_start3A_281 = arith.constant 0 : i32
      %dma_start3A_282 = tpu.memref_slice %arg7[%dma_start3A_280, %dma_start3A_281] : memref<3200x16xf32, #tpu.memory_space<vmem>> -> memref<128x16xf32, #tpu.memory_space<vmem>>
      %dma_start3A_283 = arith.constant 384 : i32
      %dma_start3A_284 = tpu.memref_slice %arg6[%dma_start3A_283] : memref<3200xi32, #tpu.memory_space<vmem>> -> memref<128xi32, #tpu.memory_space<vmem>>
      %dma_start3A_285 = arith.constant 0 : i32
      %dma_start3A_286 = arith.constant 0 : i32
      %dma_start3A_287 = tpu.memref_slice %arg3[%dma_start3A_285, %dma_start3A_286] : memref<100003x16xf32, #tpu.memory_space<hbm>> -> memref<100003x16xf32, #tpu.memory_space<hbm>>
      tpu.enqueue_indirect_dma source(%dma_start3A_287 : memref<100003x16xf32, #tpu.memory_space<hbm>>) target(%dma_start3A_282 : memref<128x16xf32, #tpu.memory_space<vmem>>) offsets(%dma_start3A_284 : memref<128xi32, #tpu.memory_space<vmem>>) semaphore(%arg9 : memref<!tpu.dma_semaphore, #tpu.memory_space<semaphore_mem>>)
      %dma_start3A_288 = arith.constant 512 : i32
      %dma_start3A_289 = arith.constant 0 : i32
      %dma_start3A_290 = tpu.memref_slice %arg7[%dma_start3A_288, %dma_start3A_289] : memref<3200x16xf32, #tpu.memory_space<vmem>> -> memref<128x16xf32, #tpu.memory_space<vmem>>
      %dma_start3A_291 = arith.constant 512 : i32
      %dma_start3A_292 = tpu.memref_slice %arg6[%dma_start3A_291] : memref<3200xi32, #tpu.memory_space<vmem>> -> memref<128xi32, #tpu.memory_space<vmem>>
      %dma_start3A_293 = arith.constant 0 : i32
      %dma_start3A_294 = arith.constant 0 : i32
      %dma_start3A_295 = tpu.memref_slice %arg3[%dma_start3A_293, %dma_start3A_294] : memref<100003x16xf32, #tpu.memory_space<hbm>> -> memref<100003x16xf32, #tpu.memory_space<hbm>>
      tpu.enqueue_indirect_dma source(%dma_start3A_295 : memref<100003x16xf32, #tpu.memory_space<hbm>>) target(%dma_start3A_290 : memref<128x16xf32, #tpu.memory_space<vmem>>) offsets(%dma_start3A_292 : memref<128xi32, #tpu.memory_space<vmem>>) semaphore(%arg9 : memref<!tpu.dma_semaphore, #tpu.memory_space<semaphore_mem>>)
      %dma_start3A_296 = arith.constant 640 : i32
      %dma_start3A_297 = arith.constant 0 : i32
      %dma_start3A_298 = tpu.memref_slice %arg7[%dma_start3A_296, %dma_start3A_297] : memref<3200x16xf32, #tpu.memory_space<vmem>> -> memref<128x16xf32, #tpu.memory_space<vmem>>
      %dma_start3A_299 = arith.constant 640 : i32
      %dma_start3A_300 = tpu.memref_slice %arg6[%dma_start3A_299] : memref<3200xi32, #tpu.memory_space<vmem>> -> memref<128xi32, #tpu.memory_space<vmem>>
      %dma_start3A_301 = arith.constant 0 : i32
      %dma_start3A_302 = arith.constant 0 : i32
      %dma_start3A_303 = tpu.memref_slice %arg3[%dma_start3A_301, %dma_start3A_302] : memref<100003x16xf32, #tpu.memory_space<hbm>> -> memref<100003x16xf32, #tpu.memory_space<hbm>>
      tpu.enqueue_indirect_dma source(%dma_start3A_303 : memref<100003x16xf32, #tpu.memory_space<hbm>>) target(%dma_start3A_298 : memref<128x16xf32, #tpu.memory_space<vmem>>) offsets(%dma_start3A_300 : memref<128xi32, #tpu.memory_space<vmem>>) semaphore(%arg9 : memref<!tpu.dma_semaphore, #tpu.memory_space<semaphore_mem>>)
      %scan3A_304 = arith.constant 0 : i32
      %scan3A_305 = arith.constant 0 : i32
      %scan3A_306 = arith.constant 25 : i32
      %scan3A_307 = arith.addi %scan3A_305, %scan3A_306 : i32
      %scan3A_308 = arith.constant 1 : i32
      scf.for %scan3A_748 = %scan3A_305 to %scan3A_307 step %scan3A_308  : i32 {
        %get3A = arith.index_cast %scan3A_748 : i32 to index
        %get3A_749 = arith.constant 32 : index
        %get3A_750 = tpu.vector_load %arg5[%get3A, %get3A_749] {strides = array<i32>} : memref<25x128xf32, #tpu.memory_space<vmem>>, vector<16xf32>,
        %add3A_751 = arith.constant 800 : i32
        %add3A_752 = arith.addi %add3A_751, %scan3A_748 : i32
        %add3A_753 = vector.broadcast %add3A_752 : i32 to vector<16xi32>
        %add3A_754 = arith.addi %add3A_753, %mul3A_201 : vector<16xi32>
        %mul3A_755 = arith.constant 1.000000e+05 : f32
        %mul3A_756 = vector.broadcast %mul3A_755 : f32 to vector<16xf32>
        %mul3A_757 = arith.mulf %get3A_750, %mul3A_756 : vector<16xf32>
        %convert_element_type3A_758 = arith.fptosi %mul3A_757 : vector<16xf32> to vector<16xi32>
        %add3A_759 = arith.constant 3 : i32
        %add3A_760 = vector.broadcast %add3A_759 : i32 to vector<16xi32>
        %add3A_761 = arith.addi %convert_element_type3A_758, %add3A_760 : vector<16xi32>
        %add3A_762 = arith.constant 2 : i32
        %add3A_763 = vector.broadcast %add3A_762 : i32 to vector<16xi32>
        %add3A_764 = arith.addi %convert_element_type3A_758, %add3A_763 : vector<16xi32>
        %convert_element_type3A_765 = arith.sitofp %add3A_764 : vector<16xi32> to vector<16xf32>
        %mul3A_766 = arith.constant 9.99999974E-6 : f32
        %mul3A_767 = vector.broadcast %mul3A_766 : f32 to vector<16xf32>
        %mul3A_768 = arith.mulf %convert_element_type3A_765, %mul3A_767 : vector<16xf32>
        %ge3A = arith.cmpf oge, %mul3A_768, %get3A_750 : vector<16xf32>
        %select_n3A_769 = arith.select %ge3A, %add3A_764, %add3A_761 : vector<16xi1>, vector<16xi32>
        %add3A_770 = arith.constant 1 : i32
        %add3A_771 = vector.broadcast %add3A_770 : i32 to vector<16xi32>
        %add3A_772 = arith.addi %convert_element_type3A_758, %add3A_771 : vector<16xi32>
        %convert_element_type3A_773 = arith.sitofp %add3A_772 : vector<16xi32> to vector<16xf32>
        %mul3A_774 = arith.constant 9.99999974E-6 : f32
        %mul3A_775 = vector.broadcast %mul3A_774 : f32 to vector<16xf32>
        %mul3A_776 = arith.mulf %convert_element_type3A_773, %mul3A_775 : vector<16xf32>
        %ge3A_777 = arith.cmpf oge, %mul3A_776, %get3A_750 : vector<16xf32>
        %select_n3A_778 = arith.select %ge3A_777, %add3A_772, %select_n3A_769 : vector<16xi1>, vector<16xi32>
        %add3A_779 = arith.constant 0 : i32
        %add3A_780 = vector.broadcast %add3A_779 : i32 to vector<16xi32>
        %add3A_781 = arith.addi %convert_element_type3A_758, %add3A_780 : vector<16xi32>
        %convert_element_type3A_782 = arith.sitofp %add3A_781 : vector<16xi32> to vector<16xf32>
        %mul3A_783 = arith.constant 9.99999974E-6 : f32
        %mul3A_784 = vector.broadcast %mul3A_783 : f32 to vector<16xf32>
        %mul3A_785 = arith.mulf %convert_element_type3A_782, %mul3A_784 : vector<16xf32>
        %ge3A_786 = arith.cmpf oge, %mul3A_785, %get3A_750 : vector<16xf32>
        %select_n3A_787 = arith.select %ge3A_786, %add3A_781, %select_n3A_778 : vector<16xi1>, vector<16xi32>
        %add3A_788 = arith.constant -1 : i32
        %add3A_789 = vector.broadcast %add3A_788 : i32 to vector<16xi32>
        %add3A_790 = arith.addi %convert_element_type3A_758, %add3A_789 : vector<16xi32>
        %convert_element_type3A_791 = arith.sitofp %add3A_790 : vector<16xi32> to vector<16xf32>
        %mul3A_792 = arith.constant 9.99999974E-6 : f32
        %mul3A_793 = vector.broadcast %mul3A_792 : f32 to vector<16xf32>
        %mul3A_794 = arith.mulf %convert_element_type3A_791, %mul3A_793 : vector<16xf32>
        %ge3A_795 = arith.cmpf oge, %mul3A_794, %get3A_750 : vector<16xf32>
        %select_n3A_796 = arith.select %ge3A_795, %add3A_790, %select_n3A_787 : vector<16xi1>, vector<16xi32>
        %max3A = arith.constant 0 : i32
        %max3A_797 = vector.broadcast %max3A : i32 to vector<16xi32>
        %max3A_798 = arith.maxsi %select_n3A_796, %max3A_797 : vector<16xi32>
        %min3A_799 = arith.constant 100000 : i32
        %min3A_800 = vector.broadcast %min3A_799 : i32 to vector<16xi32>
        %min3A_801 = arith.minsi %max3A_798, %min3A_800 : vector<16xi32>
        %add3A_802 = arith.constant 2 : i32
        %add3A_803 = vector.broadcast %add3A_802 : i32 to vector<16xi32>
        %add3A_804 = arith.addi %min3A_801, %add3A_803 : vector<16xi32>
        tpu.vector_store_idx %arg6[%add3A_754], %add3A_804 : memref<3200xi32, #tpu.memory_space<vmem>>[vector<16xi32>], vector<16xi32>,
      }
      %scan3A_309 = arith.constant 25 : i32
      %dma_start3A_310 = arith.constant 768 : i32
      %dma_start3A_311 = arith.constant 0 : i32
      %dma_start3A_312 = tpu.memref_slice %arg7[%dma_start3A_310, %dma_start3A_311] : memref<3200x16xf32, #tpu.memory_space<vmem>> -> memref<128x16xf32, #tpu.memory_space<vmem>>
      %dma_start3A_313 = arith.constant 768 : i32
      %dma_start3A_314 = tpu.memref_slice %arg6[%dma_start3A_313] : memref<3200xi32, #tpu.memory_space<vmem>> -> memref<128xi32, #tpu.memory_space<vmem>>
      %dma_start3A_315 = arith.constant 0 : i32
      %dma_start3A_316 = arith.constant 0 : i32
      %dma_start3A_317 = tpu.memref_slice %arg3[%dma_start3A_315, %dma_start3A_316] : memref<100003x16xf32, #tpu.memory_space<hbm>> -> memref<100003x16xf32, #tpu.memory_space<hbm>>
      tpu.enqueue_indirect_dma source(%dma_start3A_317 : memref<100003x16xf32, #tpu.memory_space<hbm>>) target(%dma_start3A_312 : memref<128x16xf32, #tpu.memory_space<vmem>>) offsets(%dma_start3A_314 : memref<128xi32, #tpu.memory_space<vmem>>) semaphore(%arg9 : memref<!tpu.dma_semaphore, #tpu.memory_space<semaphore_mem>>)
      %dma_start3A_318 = arith.constant 896 : i32
      %dma_start3A_319 = arith.constant 0 : i32
      %dma_start3A_320 = tpu.memref_slice %arg7[%dma_start3A_318, %dma_start3A_319] : memref<3200x16xf32, #tpu.memory_space<vmem>> -> memref<128x16xf32, #tpu.memory_space<vmem>>
      %dma_start3A_321 = arith.constant 896 : i32
      %dma_start3A_322 = tpu.memref_slice %arg6[%dma_start3A_321] : memref<3200xi32, #tpu.memory_space<vmem>> -> memref<128xi32, #tpu.memory_space<vmem>>
      %dma_start3A_323 = arith.constant 0 : i32
      %dma_start3A_324 = arith.constant 0 : i32
      %dma_start3A_325 = tpu.memref_slice %arg3[%dma_start3A_323, %dma_start3A_324] : memref<100003x16xf32, #tpu.memory_space<hbm>> -> memref<100003x16xf32, #tpu.memory_space<hbm>>
      tpu.enqueue_indirect_dma source(%dma_start3A_325 : memref<100003x16xf32, #tpu.memory_space<hbm>>) target(%dma_start3A_320 : memref<128x16xf32, #tpu.memory_space<vmem>>) offsets(%dma_start3A_322 : memref<128xi32, #tpu.memory_space<vmem>>) semaphore(%arg9 : memref<!tpu.dma_semaphore, #tpu.memory_space<semaphore_mem>>)
      %dma_start3A_326 = arith.constant 1024 : i32
      %dma_start3A_327 = arith.constant 0 : i32
      %dma_start3A_328 = tpu.memref_slice %arg7[%dma_start3A_326, %dma_start3A_327] : memref<3200x16xf32, #tpu.memory_space<vmem>> -> memref<128x16xf32, #tpu.memory_space<vmem>>
      %dma_start3A_329 = arith.constant 1024 : i32
      %dma_start3A_330 = tpu.memref_slice %arg6[%dma_start3A_329] : memref<3200xi32, #tpu.memory_space<vmem>> -> memref<128xi32, #tpu.memory_space<vmem>>
      %dma_start3A_331 = arith.constant 0 : i32
      %dma_start3A_332 = arith.constant 0 : i32
      %dma_start3A_333 = tpu.memref_slice %arg3[%dma_start3A_331, %dma_start3A_332] : memref<100003x16xf32, #tpu.memory_space<hbm>> -> memref<100003x16xf32, #tpu.memory_space<hbm>>
      tpu.enqueue_indirect_dma source(%dma_start3A_333 : memref<100003x16xf32, #tpu.memory_space<hbm>>) target(%dma_start3A_328 : memref<128x16xf32, #tpu.memory_space<vmem>>) offsets(%dma_start3A_330 : memref<128xi32, #tpu.memory_space<vmem>>) semaphore(%arg9 : memref<!tpu.dma_semaphore, #tpu.memory_space<semaphore_mem>>)
      %scan3A_334 = arith.constant 0 : i32
      %scan3A_335 = arith.constant 0 : i32
      %scan3A_336 = arith.constant 25 : i32
      %scan3A_337 = arith.addi %scan3A_335, %scan3A_336 : i32
      %scan3A_338 = arith.constant 1 : i32
      scf.for %scan3A_748 = %scan3A_335 to %scan3A_337 step %scan3A_338  : i32 {
        %get3A = arith.index_cast %scan3A_748 : i32 to index
        %get3A_749 = arith.constant 48 : index
        %get3A_750 = tpu.vector_load %arg5[%get3A, %get3A_749] {strides = array<i32>} : memref<25x128xf32, #tpu.memory_space<vmem>>, vector<16xf32>,
        %add3A_751 = arith.constant 1200 : i32
        %add3A_752 = arith.addi %add3A_751, %scan3A_748 : i32
        %add3A_753 = vector.broadcast %add3A_752 : i32 to vector<16xi32>
        %add3A_754 = arith.addi %add3A_753, %mul3A_201 : vector<16xi32>
        %mul3A_755 = arith.constant 1.000000e+05 : f32
        %mul3A_756 = vector.broadcast %mul3A_755 : f32 to vector<16xf32>
        %mul3A_757 = arith.mulf %get3A_750, %mul3A_756 : vector<16xf32>
        %convert_element_type3A_758 = arith.fptosi %mul3A_757 : vector<16xf32> to vector<16xi32>
        %add3A_759 = arith.constant 3 : i32
        %add3A_760 = vector.broadcast %add3A_759 : i32 to vector<16xi32>
        %add3A_761 = arith.addi %convert_element_type3A_758, %add3A_760 : vector<16xi32>
        %add3A_762 = arith.constant 2 : i32
        %add3A_763 = vector.broadcast %add3A_762 : i32 to vector<16xi32>
        %add3A_764 = arith.addi %convert_element_type3A_758, %add3A_763 : vector<16xi32>
        %convert_element_type3A_765 = arith.sitofp %add3A_764 : vector<16xi32> to vector<16xf32>
        %mul3A_766 = arith.constant 9.99999974E-6 : f32
        %mul3A_767 = vector.broadcast %mul3A_766 : f32 to vector<16xf32>
        %mul3A_768 = arith.mulf %convert_element_type3A_765, %mul3A_767 : vector<16xf32>
        %ge3A = arith.cmpf oge, %mul3A_768, %get3A_750 : vector<16xf32>
        %select_n3A_769 = arith.select %ge3A, %add3A_764, %add3A_761 : vector<16xi1>, vector<16xi32>
        %add3A_770 = arith.constant 1 : i32
        %add3A_771 = vector.broadcast %add3A_770 : i32 to vector<16xi32>
        %add3A_772 = arith.addi %convert_element_type3A_758, %add3A_771 : vector<16xi32>
        %convert_element_type3A_773 = arith.sitofp %add3A_772 : vector<16xi32> to vector<16xf32>
        %mul3A_774 = arith.constant 9.99999974E-6 : f32
        %mul3A_775 = vector.broadcast %mul3A_774 : f32 to vector<16xf32>
        %mul3A_776 = arith.mulf %convert_element_type3A_773, %mul3A_775 : vector<16xf32>
        %ge3A_777 = arith.cmpf oge, %mul3A_776, %get3A_750 : vector<16xf32>
        %select_n3A_778 = arith.select %ge3A_777, %add3A_772, %select_n3A_769 : vector<16xi1>, vector<16xi32>
        %add3A_779 = arith.constant 0 : i32
        %add3A_780 = vector.broadcast %add3A_779 : i32 to vector<16xi32>
        %add3A_781 = arith.addi %convert_element_type3A_758, %add3A_780 : vector<16xi32>
        %convert_element_type3A_782 = arith.sitofp %add3A_781 : vector<16xi32> to vector<16xf32>
        %mul3A_783 = arith.constant 9.99999974E-6 : f32
        %mul3A_784 = vector.broadcast %mul3A_783 : f32 to vector<16xf32>
        %mul3A_785 = arith.mulf %convert_element_type3A_782, %mul3A_784 : vector<16xf32>
        %ge3A_786 = arith.cmpf oge, %mul3A_785, %get3A_750 : vector<16xf32>
        %select_n3A_787 = arith.select %ge3A_786, %add3A_781, %select_n3A_778 : vector<16xi1>, vector<16xi32>
        %add3A_788 = arith.constant -1 : i32
        %add3A_789 = vector.broadcast %add3A_788 : i32 to vector<16xi32>
        %add3A_790 = arith.addi %convert_element_type3A_758, %add3A_789 : vector<16xi32>
        %convert_element_type3A_791 = arith.sitofp %add3A_790 : vector<16xi32> to vector<16xf32>
        %mul3A_792 = arith.constant 9.99999974E-6 : f32
        %mul3A_793 = vector.broadcast %mul3A_792 : f32 to vector<16xf32>
        %mul3A_794 = arith.mulf %convert_element_type3A_791, %mul3A_793 : vector<16xf32>
        %ge3A_795 = arith.cmpf oge, %mul3A_794, %get3A_750 : vector<16xf32>
        %select_n3A_796 = arith.select %ge3A_795, %add3A_790, %select_n3A_787 : vector<16xi1>, vector<16xi32>
        %max3A = arith.constant 0 : i32
        %max3A_797 = vector.broadcast %max3A : i32 to vector<16xi32>
        %max3A_798 = arith.maxsi %select_n3A_796, %max3A_797 : vector<16xi32>
        %min3A_799 = arith.constant 100000 : i32
        %min3A_800 = vector.broadcast %min3A_799 : i32 to vector<16xi32>
        %min3A_801 = arith.minsi %max3A_798, %min3A_800 : vector<16xi32>
        %add3A_802 = arith.constant 2 : i32
        %add3A_803 = vector.broadcast %add3A_802 : i32 to vector<16xi32>
        %add3A_804 = arith.addi %min3A_801, %add3A_803 : vector<16xi32>
        tpu.vector_store_idx %arg6[%add3A_754], %add3A_804 : memref<3200xi32, #tpu.memory_space<vmem>>[vector<16xi32>], vector<16xi32>,
      }
      %scan3A_339 = arith.constant 25 : i32
      %dma_start3A_340 = arith.constant 1152 : i32
      %dma_start3A_341 = arith.constant 0 : i32
      %dma_start3A_342 = tpu.memref_slice %arg7[%dma_start3A_340, %dma_start3A_341] : memref<3200x16xf32, #tpu.memory_space<vmem>> -> memref<128x16xf32, #tpu.memory_space<vmem>>
      %dma_start3A_343 = arith.constant 1152 : i32
      %dma_start3A_344 = tpu.memref_slice %arg6[%dma_start3A_343] : memref<3200xi32, #tpu.memory_space<vmem>> -> memref<128xi32, #tpu.memory_space<vmem>>
      %dma_start3A_345 = arith.constant 0 : i32
      %dma_start3A_346 = arith.constant 0 : i32
      %dma_start3A_347 = tpu.memref_slice %arg3[%dma_start3A_345, %dma_start3A_346] : memref<100003x16xf32, #tpu.memory_space<hbm>> -> memref<100003x16xf32, #tpu.memory_space<hbm>>
      tpu.enqueue_indirect_dma source(%dma_start3A_347 : memref<100003x16xf32, #tpu.memory_space<hbm>>) target(%dma_start3A_342 : memref<128x16xf32, #tpu.memory_space<vmem>>) offsets(%dma_start3A_344 : memref<128xi32, #tpu.memory_space<vmem>>) semaphore(%arg9 : memref<!tpu.dma_semaphore, #tpu.memory_space<semaphore_mem>>)
      %dma_start3A_348 = arith.constant 1280 : i32
      %dma_start3A_349 = arith.constant 0 : i32
      %dma_start3A_350 = tpu.memref_slice %arg7[%dma_start3A_348, %dma_start3A_349] : memref<3200x16xf32, #tpu.memory_space<vmem>> -> memref<128x16xf32, #tpu.memory_space<vmem>>
      %dma_start3A_351 = arith.constant 1280 : i32
      %dma_start3A_352 = tpu.memref_slice %arg6[%dma_start3A_351] : memref<3200xi32, #tpu.memory_space<vmem>> -> memref<128xi32, #tpu.memory_space<vmem>>
      %dma_start3A_353 = arith.constant 0 : i32
      %dma_start3A_354 = arith.constant 0 : i32
      %dma_start3A_355 = tpu.memref_slice %arg3[%dma_start3A_353, %dma_start3A_354] : memref<100003x16xf32, #tpu.memory_space<hbm>> -> memref<100003x16xf32, #tpu.memory_space<hbm>>
      tpu.enqueue_indirect_dma source(%dma_start3A_355 : memref<100003x16xf32, #tpu.memory_space<hbm>>) target(%dma_start3A_350 : memref<128x16xf32, #tpu.memory_space<vmem>>) offsets(%dma_start3A_352 : memref<128xi32, #tpu.memory_space<vmem>>) semaphore(%arg9 : memref<!tpu.dma_semaphore, #tpu.memory_space<semaphore_mem>>)
      %dma_start3A_356 = arith.constant 1408 : i32
      %dma_start3A_357 = arith.constant 0 : i32
      %dma_start3A_358 = tpu.memref_slice %arg7[%dma_start3A_356, %dma_start3A_357] : memref<3200x16xf32, #tpu.memory_space<vmem>> -> memref<128x16xf32, #tpu.memory_space<vmem>>
      %dma_start3A_359 = arith.constant 1408 : i32
      %dma_start3A_360 = tpu.memref_slice %arg6[%dma_start3A_359] : memref<3200xi32, #tpu.memory_space<vmem>> -> memref<128xi32, #tpu.memory_space<vmem>>
      %dma_start3A_361 = arith.constant 0 : i32
      %dma_start3A_362 = arith.constant 0 : i32
      %dma_start3A_363 = tpu.memref_slice %arg3[%dma_start3A_361, %dma_start3A_362] : memref<100003x16xf32, #tpu.memory_space<hbm>> -> memref<100003x16xf32, #tpu.memory_space<hbm>>
      tpu.enqueue_indirect_dma source(%dma_start3A_363 : memref<100003x16xf32, #tpu.memory_space<hbm>>) target(%dma_start3A_358 : memref<128x16xf32, #tpu.memory_space<vmem>>) offsets(%dma_start3A_360 : memref<128xi32, #tpu.memory_space<vmem>>) semaphore(%arg9 : memref<!tpu.dma_semaphore, #tpu.memory_space<semaphore_mem>>)
      %scan3A_364 = arith.constant 0 : i32
      %scan3A_365 = arith.constant 0 : i32
      %scan3A_366 = arith.constant 25 : i32
      %scan3A_367 = arith.addi %scan3A_365, %scan3A_366 : i32
      %scan3A_368 = arith.constant 1 : i32
      scf.for %scan3A_748 = %scan3A_365 to %scan3A_367 step %scan3A_368  : i32 {
        %get3A = arith.index_cast %scan3A_748 : i32 to index
        %get3A_749 = arith.constant 64 : index
        %get3A_750 = tpu.vector_load %arg5[%get3A, %get3A_749] {strides = array<i32>} : memref<25x128xf32, #tpu.memory_space<vmem>>, vector<16xf32>,
        %add3A_751 = arith.constant 1600 : i32
        %add3A_752 = arith.addi %add3A_751, %scan3A_748 : i32
        %add3A_753 = vector.broadcast %add3A_752 : i32 to vector<16xi32>
        %add3A_754 = arith.addi %add3A_753, %mul3A_201 : vector<16xi32>
        %mul3A_755 = arith.constant 1.000000e+05 : f32
        %mul3A_756 = vector.broadcast %mul3A_755 : f32 to vector<16xf32>
        %mul3A_757 = arith.mulf %get3A_750, %mul3A_756 : vector<16xf32>
        %convert_element_type3A_758 = arith.fptosi %mul3A_757 : vector<16xf32> to vector<16xi32>
        %add3A_759 = arith.constant 3 : i32
        %add3A_760 = vector.broadcast %add3A_759 : i32 to vector<16xi32>
        %add3A_761 = arith.addi %convert_element_type3A_758, %add3A_760 : vector<16xi32>
        %add3A_762 = arith.constant 2 : i32
        %add3A_763 = vector.broadcast %add3A_762 : i32 to vector<16xi32>
        %add3A_764 = arith.addi %convert_element_type3A_758, %add3A_763 : vector<16xi32>
        %convert_element_type3A_765 = arith.sitofp %add3A_764 : vector<16xi32> to vector<16xf32>
        %mul3A_766 = arith.constant 9.99999974E-6 : f32
        %mul3A_767 = vector.broadcast %mul3A_766 : f32 to vector<16xf32>
        %mul3A_768 = arith.mulf %convert_element_type3A_765, %mul3A_767 : vector<16xf32>
        %ge3A = arith.cmpf oge, %mul3A_768, %get3A_750 : vector<16xf32>
        %select_n3A_769 = arith.select %ge3A, %add3A_764, %add3A_761 : vector<16xi1>, vector<16xi32>
        %add3A_770 = arith.constant 1 : i32
        %add3A_771 = vector.broadcast %add3A_770 : i32 to vector<16xi32>
        %add3A_772 = arith.addi %convert_element_type3A_758, %add3A_771 : vector<16xi32>
        %convert_element_type3A_773 = arith.sitofp %add3A_772 : vector<16xi32> to vector<16xf32>
        %mul3A_774 = arith.constant 9.99999974E-6 : f32
        %mul3A_775 = vector.broadcast %mul3A_774 : f32 to vector<16xf32>
        %mul3A_776 = arith.mulf %convert_element_type3A_773, %mul3A_775 : vector<16xf32>
        %ge3A_777 = arith.cmpf oge, %mul3A_776, %get3A_750 : vector<16xf32>
        %select_n3A_778 = arith.select %ge3A_777, %add3A_772, %select_n3A_769 : vector<16xi1>, vector<16xi32>
        %add3A_779 = arith.constant 0 : i32
        %add3A_780 = vector.broadcast %add3A_779 : i32 to vector<16xi32>
        %add3A_781 = arith.addi %convert_element_type3A_758, %add3A_780 : vector<16xi32>
        %convert_element_type3A_782 = arith.sitofp %add3A_781 : vector<16xi32> to vector<16xf32>
        %mul3A_783 = arith.constant 9.99999974E-6 : f32
        %mul3A_784 = vector.broadcast %mul3A_783 : f32 to vector<16xf32>
        %mul3A_785 = arith.mulf %convert_element_type3A_782, %mul3A_784 : vector<16xf32>
        %ge3A_786 = arith.cmpf oge, %mul3A_785, %get3A_750 : vector<16xf32>
        %select_n3A_787 = arith.select %ge3A_786, %add3A_781, %select_n3A_778 : vector<16xi1>, vector<16xi32>
        %add3A_788 = arith.constant -1 : i32
        %add3A_789 = vector.broadcast %add3A_788 : i32 to vector<16xi32>
        %add3A_790 = arith.addi %convert_element_type3A_758, %add3A_789 : vector<16xi32>
        %convert_element_type3A_791 = arith.sitofp %add3A_790 : vector<16xi32> to vector<16xf32>
        %mul3A_792 = arith.constant 9.99999974E-6 : f32
        %mul3A_793 = vector.broadcast %mul3A_792 : f32 to vector<16xf32>
        %mul3A_794 = arith.mulf %convert_element_type3A_791, %mul3A_793 : vector<16xf32>
        %ge3A_795 = arith.cmpf oge, %mul3A_794, %get3A_750 : vector<16xf32>
        %select_n3A_796 = arith.select %ge3A_795, %add3A_790, %select_n3A_787 : vector<16xi1>, vector<16xi32>
        %max3A = arith.constant 0 : i32
        %max3A_797 = vector.broadcast %max3A : i32 to vector<16xi32>
        %max3A_798 = arith.maxsi %select_n3A_796, %max3A_797 : vector<16xi32>
        %min3A_799 = arith.constant 100000 : i32
        %min3A_800 = vector.broadcast %min3A_799 : i32 to vector<16xi32>
        %min3A_801 = arith.minsi %max3A_798, %min3A_800 : vector<16xi32>
        %add3A_802 = arith.constant 2 : i32
        %add3A_803 = vector.broadcast %add3A_802 : i32 to vector<16xi32>
        %add3A_804 = arith.addi %min3A_801, %add3A_803 : vector<16xi32>
        tpu.vector_store_idx %arg6[%add3A_754], %add3A_804 : memref<3200xi32, #tpu.memory_space<vmem>>[vector<16xi32>], vector<16xi32>,
      }
      %scan3A_369 = arith.constant 25 : i32
      %dma_start3A_370 = arith.constant 1536 : i32
      %dma_start3A_371 = arith.constant 0 : i32
      %dma_start3A_372 = tpu.memref_slice %arg7[%dma_start3A_370, %dma_start3A_371] : memref<3200x16xf32, #tpu.memory_space<vmem>> -> memref<128x16xf32, #tpu.memory_space<vmem>>
      %dma_start3A_373 = arith.constant 1536 : i32
      %dma_start3A_374 = tpu.memref_slice %arg6[%dma_start3A_373] : memref<3200xi32, #tpu.memory_space<vmem>> -> memref<128xi32, #tpu.memory_space<vmem>>
      %dma_start3A_375 = arith.constant 0 : i32
      %dma_start3A_376 = arith.constant 0 : i32
      %dma_start3A_377 = tpu.memref_slice %arg3[%dma_start3A_375, %dma_start3A_376] : memref<100003x16xf32, #tpu.memory_space<hbm>> -> memref<100003x16xf32, #tpu.memory_space<hbm>>
      tpu.enqueue_indirect_dma source(%dma_start3A_377 : memref<100003x16xf32, #tpu.memory_space<hbm>>) target(%dma_start3A_372 : memref<128x16xf32, #tpu.memory_space<vmem>>) offsets(%dma_start3A_374 : memref<128xi32, #tpu.memory_space<vmem>>) semaphore(%arg9 : memref<!tpu.dma_semaphore, #tpu.memory_space<semaphore_mem>>)
      %dma_start3A_378 = arith.constant 1664 : i32
      %dma_start3A_379 = arith.constant 0 : i32
      %dma_start3A_380 = tpu.memref_slice %arg7[%dma_start3A_378, %dma_start3A_379] : memref<3200x16xf32, #tpu.memory_space<vmem>> -> memref<128x16xf32, #tpu.memory_space<vmem>>
      %dma_start3A_381 = arith.constant 1664 : i32
      %dma_start3A_382 = tpu.memref_slice %arg6[%dma_start3A_381] : memref<3200xi32, #tpu.memory_space<vmem>> -> memref<128xi32, #tpu.memory_space<vmem>>
      %dma_start3A_383 = arith.constant 0 : i32
      %dma_start3A_384 = arith.constant 0 : i32
      %dma_start3A_385 = tpu.memref_slice %arg3[%dma_start3A_383, %dma_start3A_384] : memref<100003x16xf32, #tpu.memory_space<hbm>> -> memref<100003x16xf32, #tpu.memory_space<hbm>>
      tpu.enqueue_indirect_dma source(%dma_start3A_385 : memref<100003x16xf32, #tpu.memory_space<hbm>>) target(%dma_start3A_380 : memref<128x16xf32, #tpu.memory_space<vmem>>) offsets(%dma_start3A_382 : memref<128xi32, #tpu.memory_space<vmem>>) semaphore(%arg9 : memref<!tpu.dma_semaphore, #tpu.memory_space<semaphore_mem>>)
      %dma_start3A_386 = arith.constant 1792 : i32
      %dma_start3A_387 = arith.constant 0 : i32
      %dma_start3A_388 = tpu.memref_slice %arg7[%dma_start3A_386, %dma_start3A_387] : memref<3200x16xf32, #tpu.memory_space<vmem>> -> memref<128x16xf32, #tpu.memory_space<vmem>>
      %dma_start3A_389 = arith.constant 1792 : i32
      %dma_start3A_390 = tpu.memref_slice %arg6[%dma_start3A_389] : memref<3200xi32, #tpu.memory_space<vmem>> -> memref<128xi32, #tpu.memory_space<vmem>>
      %dma_start3A_391 = arith.constant 0 : i32
      %dma_start3A_392 = arith.constant 0 : i32
      %dma_start3A_393 = tpu.memref_slice %arg3[%dma_start3A_391, %dma_start3A_392] : memref<100003x16xf32, #tpu.memory_space<hbm>> -> memref<100003x16xf32, #tpu.memory_space<hbm>>
      tpu.enqueue_indirect_dma source(%dma_start3A_393 : memref<100003x16xf32, #tpu.memory_space<hbm>>) target(%dma_start3A_388 : memref<128x16xf32, #tpu.memory_space<vmem>>) offsets(%dma_start3A_390 : memref<128xi32, #tpu.memory_space<vmem>>) semaphore(%arg9 : memref<!tpu.dma_semaphore, #tpu.memory_space<semaphore_mem>>)
      %scan3A_394 = arith.constant 0 : i32
      %scan3A_395 = arith.constant 0 : i32
      %scan3A_396 = arith.constant 25 : i32
      %scan3A_397 = arith.addi %scan3A_395, %scan3A_396 : i32
      %scan3A_398 = arith.constant 1 : i32
      scf.for %scan3A_748 = %scan3A_395 to %scan3A_397 step %scan3A_398  : i32 {
        %get3A = arith.index_cast %scan3A_748 : i32 to index
        %get3A_749 = arith.constant 80 : index
        %get3A_750 = tpu.vector_load %arg5[%get3A, %get3A_749] {strides = array<i32>} : memref<25x128xf32, #tpu.memory_space<vmem>>, vector<16xf32>,
        %add3A_751 = arith.constant 2000 : i32
        %add3A_752 = arith.addi %add3A_751, %scan3A_748 : i32
        %add3A_753 = vector.broadcast %add3A_752 : i32 to vector<16xi32>
        %add3A_754 = arith.addi %add3A_753, %mul3A_201 : vector<16xi32>
        %mul3A_755 = arith.constant 1.000000e+05 : f32
        %mul3A_756 = vector.broadcast %mul3A_755 : f32 to vector<16xf32>
        %mul3A_757 = arith.mulf %get3A_750, %mul3A_756 : vector<16xf32>
        %convert_element_type3A_758 = arith.fptosi %mul3A_757 : vector<16xf32> to vector<16xi32>
        %add3A_759 = arith.constant 3 : i32
        %add3A_760 = vector.broadcast %add3A_759 : i32 to vector<16xi32>
        %add3A_761 = arith.addi %convert_element_type3A_758, %add3A_760 : vector<16xi32>
        %add3A_762 = arith.constant 2 : i32
        %add3A_763 = vector.broadcast %add3A_762 : i32 to vector<16xi32>
        %add3A_764 = arith.addi %convert_element_type3A_758, %add3A_763 : vector<16xi32>
        %convert_element_type3A_765 = arith.sitofp %add3A_764 : vector<16xi32> to vector<16xf32>
        %mul3A_766 = arith.constant 9.99999974E-6 : f32
        %mul3A_767 = vector.broadcast %mul3A_766 : f32 to vector<16xf32>
        %mul3A_768 = arith.mulf %convert_element_type3A_765, %mul3A_767 : vector<16xf32>
        %ge3A = arith.cmpf oge, %mul3A_768, %get3A_750 : vector<16xf32>
        %select_n3A_769 = arith.select %ge3A, %add3A_764, %add3A_761 : vector<16xi1>, vector<16xi32>
        %add3A_770 = arith.constant 1 : i32
        %add3A_771 = vector.broadcast %add3A_770 : i32 to vector<16xi32>
        %add3A_772 = arith.addi %convert_element_type3A_758, %add3A_771 : vector<16xi32>
        %convert_element_type3A_773 = arith.sitofp %add3A_772 : vector<16xi32> to vector<16xf32>
        %mul3A_774 = arith.constant 9.99999974E-6 : f32
        %mul3A_775 = vector.broadcast %mul3A_774 : f32 to vector<16xf32>
        %mul3A_776 = arith.mulf %convert_element_type3A_773, %mul3A_775 : vector<16xf32>
        %ge3A_777 = arith.cmpf oge, %mul3A_776, %get3A_750 : vector<16xf32>
        %select_n3A_778 = arith.select %ge3A_777, %add3A_772, %select_n3A_769 : vector<16xi1>, vector<16xi32>
        %add3A_779 = arith.constant 0 : i32
        %add3A_780 = vector.broadcast %add3A_779 : i32 to vector<16xi32>
        %add3A_781 = arith.addi %convert_element_type3A_758, %add3A_780 : vector<16xi32>
        %convert_element_type3A_782 = arith.sitofp %add3A_781 : vector<16xi32> to vector<16xf32>
        %mul3A_783 = arith.constant 9.99999974E-6 : f32
        %mul3A_784 = vector.broadcast %mul3A_783 : f32 to vector<16xf32>
        %mul3A_785 = arith.mulf %convert_element_type3A_782, %mul3A_784 : vector<16xf32>
        %ge3A_786 = arith.cmpf oge, %mul3A_785, %get3A_750 : vector<16xf32>
        %select_n3A_787 = arith.select %ge3A_786, %add3A_781, %select_n3A_778 : vector<16xi1>, vector<16xi32>
        %add3A_788 = arith.constant -1 : i32
        %add3A_789 = vector.broadcast %add3A_788 : i32 to vector<16xi32>
        %add3A_790 = arith.addi %convert_element_type3A_758, %add3A_789 : vector<16xi32>
        %convert_element_type3A_791 = arith.sitofp %add3A_790 : vector<16xi32> to vector<16xf32>
        %mul3A_792 = arith.constant 9.99999974E-6 : f32
        %mul3A_793 = vector.broadcast %mul3A_792 : f32 to vector<16xf32>
        %mul3A_794 = arith.mulf %convert_element_type3A_791, %mul3A_793 : vector<16xf32>
        %ge3A_795 = arith.cmpf oge, %mul3A_794, %get3A_750 : vector<16xf32>
        %select_n3A_796 = arith.select %ge3A_795, %add3A_790, %select_n3A_787 : vector<16xi1>, vector<16xi32>
        %max3A = arith.constant 0 : i32
        %max3A_797 = vector.broadcast %max3A : i32 to vector<16xi32>
        %max3A_798 = arith.maxsi %select_n3A_796, %max3A_797 : vector<16xi32>
        %min3A_799 = arith.constant 100000 : i32
        %min3A_800 = vector.broadcast %min3A_799 : i32 to vector<16xi32>
        %min3A_801 = arith.minsi %max3A_798, %min3A_800 : vector<16xi32>
        %add3A_802 = arith.constant 2 : i32
        %add3A_803 = vector.broadcast %add3A_802 : i32 to vector<16xi32>
        %add3A_804 = arith.addi %min3A_801, %add3A_803 : vector<16xi32>
        tpu.vector_store_idx %arg6[%add3A_754], %add3A_804 : memref<3200xi32, #tpu.memory_space<vmem>>[vector<16xi32>], vector<16xi32>,
      }
      %scan3A_399 = arith.constant 25 : i32
      %dma_start3A_400 = arith.constant 1920 : i32
      %dma_start3A_401 = arith.constant 0 : i32
      %dma_start3A_402 = tpu.memref_slice %arg7[%dma_start3A_400, %dma_start3A_401] : memref<3200x16xf32, #tpu.memory_space<vmem>> -> memref<128x16xf32, #tpu.memory_space<vmem>>
      %dma_start3A_403 = arith.constant 1920 : i32
      %dma_start3A_404 = tpu.memref_slice %arg6[%dma_start3A_403] : memref<3200xi32, #tpu.memory_space<vmem>> -> memref<128xi32, #tpu.memory_space<vmem>>
      %dma_start3A_405 = arith.constant 0 : i32
      %dma_start3A_406 = arith.constant 0 : i32
      %dma_start3A_407 = tpu.memref_slice %arg3[%dma_start3A_405, %dma_start3A_406] : memref<100003x16xf32, #tpu.memory_space<hbm>> -> memref<100003x16xf32, #tpu.memory_space<hbm>>
      tpu.enqueue_indirect_dma source(%dma_start3A_407 : memref<100003x16xf32, #tpu.memory_space<hbm>>) target(%dma_start3A_402 : memref<128x16xf32, #tpu.memory_space<vmem>>) offsets(%dma_start3A_404 : memref<128xi32, #tpu.memory_space<vmem>>) semaphore(%arg9 : memref<!tpu.dma_semaphore, #tpu.memory_space<semaphore_mem>>)
      %dma_start3A_408 = arith.constant 2048 : i32
      %dma_start3A_409 = arith.constant 0 : i32
      %dma_start3A_410 = tpu.memref_slice %arg7[%dma_start3A_408, %dma_start3A_409] : memref<3200x16xf32, #tpu.memory_space<vmem>> -> memref<128x16xf32, #tpu.memory_space<vmem>>
      %dma_start3A_411 = arith.constant 2048 : i32
      %dma_start3A_412 = tpu.memref_slice %arg6[%dma_start3A_411] : memref<3200xi32, #tpu.memory_space<vmem>> -> memref<128xi32, #tpu.memory_space<vmem>>
      %dma_start3A_413 = arith.constant 0 : i32
      %dma_start3A_414 = arith.constant 0 : i32
      %dma_start3A_415 = tpu.memref_slice %arg3[%dma_start3A_413, %dma_start3A_414] : memref<100003x16xf32, #tpu.memory_space<hbm>> -> memref<100003x16xf32, #tpu.memory_space<hbm>>
      tpu.enqueue_indirect_dma source(%dma_start3A_415 : memref<100003x16xf32, #tpu.memory_space<hbm>>) target(%dma_start3A_410 : memref<128x16xf32, #tpu.memory_space<vmem>>) offsets(%dma_start3A_412 : memref<128xi32, #tpu.memory_space<vmem>>) semaphore(%arg9 : memref<!tpu.dma_semaphore, #tpu.memory_space<semaphore_mem>>)
      %dma_start3A_416 = arith.constant 2176 : i32
      %dma_start3A_417 = arith.constant 0 : i32
      %dma_start3A_418 = tpu.memref_slice %arg7[%dma_start3A_416, %dma_start3A_417] : memref<3200x16xf32, #tpu.memory_space<vmem>> -> memref<128x16xf32, #tpu.memory_space<vmem>>
      %dma_start3A_419 = arith.constant 2176 : i32
      %dma_start3A_420 = tpu.memref_slice %arg6[%dma_start3A_419] : memref<3200xi32, #tpu.memory_space<vmem>> -> memref<128xi32, #tpu.memory_space<vmem>>
      %dma_start3A_421 = arith.constant 0 : i32
      %dma_start3A_422 = arith.constant 0 : i32
      %dma_start3A_423 = tpu.memref_slice %arg3[%dma_start3A_421, %dma_start3A_422] : memref<100003x16xf32, #tpu.memory_space<hbm>> -> memref<100003x16xf32, #tpu.memory_space<hbm>>
      tpu.enqueue_indirect_dma source(%dma_start3A_423 : memref<100003x16xf32, #tpu.memory_space<hbm>>) target(%dma_start3A_418 : memref<128x16xf32, #tpu.memory_space<vmem>>) offsets(%dma_start3A_420 : memref<128xi32, #tpu.memory_space<vmem>>) semaphore(%arg9 : memref<!tpu.dma_semaphore, #tpu.memory_space<semaphore_mem>>)
      %scan3A_424 = arith.constant 0 : i32
      %scan3A_425 = arith.constant 0 : i32
      %scan3A_426 = arith.constant 25 : i32
      %scan3A_427 = arith.addi %scan3A_425, %scan3A_426 : i32
      %scan3A_428 = arith.constant 1 : i32
      scf.for %scan3A_748 = %scan3A_425 to %scan3A_427 step %scan3A_428  : i32 {
        %get3A = arith.index_cast %scan3A_748 : i32 to index
        %get3A_749 = arith.constant 96 : index
        %get3A_750 = tpu.vector_load %arg5[%get3A, %get3A_749] {strides = array<i32>} : memref<25x128xf32, #tpu.memory_space<vmem>>, vector<16xf32>,
        %add3A_751 = arith.constant 2400 : i32
        %add3A_752 = arith.addi %add3A_751, %scan3A_748 : i32
        %add3A_753 = vector.broadcast %add3A_752 : i32 to vector<16xi32>
        %add3A_754 = arith.addi %add3A_753, %mul3A_201 : vector<16xi32>
        %mul3A_755 = arith.constant 1.000000e+05 : f32
        %mul3A_756 = vector.broadcast %mul3A_755 : f32 to vector<16xf32>
        %mul3A_757 = arith.mulf %get3A_750, %mul3A_756 : vector<16xf32>
        %convert_element_type3A_758 = arith.fptosi %mul3A_757 : vector<16xf32> to vector<16xi32>
        %add3A_759 = arith.constant 3 : i32
        %add3A_760 = vector.broadcast %add3A_759 : i32 to vector<16xi32>
        %add3A_761 = arith.addi %convert_element_type3A_758, %add3A_760 : vector<16xi32>
        %add3A_762 = arith.constant 2 : i32
        %add3A_763 = vector.broadcast %add3A_762 : i32 to vector<16xi32>
        %add3A_764 = arith.addi %convert_element_type3A_758, %add3A_763 : vector<16xi32>
        %convert_element_type3A_765 = arith.sitofp %add3A_764 : vector<16xi32> to vector<16xf32>
        %mul3A_766 = arith.constant 9.99999974E-6 : f32
        %mul3A_767 = vector.broadcast %mul3A_766 : f32 to vector<16xf32>
        %mul3A_768 = arith.mulf %convert_element_type3A_765, %mul3A_767 : vector<16xf32>
        %ge3A = arith.cmpf oge, %mul3A_768, %get3A_750 : vector<16xf32>
        %select_n3A_769 = arith.select %ge3A, %add3A_764, %add3A_761 : vector<16xi1>, vector<16xi32>
        %add3A_770 = arith.constant 1 : i32
        %add3A_771 = vector.broadcast %add3A_770 : i32 to vector<16xi32>
        %add3A_772 = arith.addi %convert_element_type3A_758, %add3A_771 : vector<16xi32>
        %convert_element_type3A_773 = arith.sitofp %add3A_772 : vector<16xi32> to vector<16xf32>
        %mul3A_774 = arith.constant 9.99999974E-6 : f32
        %mul3A_775 = vector.broadcast %mul3A_774 : f32 to vector<16xf32>
        %mul3A_776 = arith.mulf %convert_element_type3A_773, %mul3A_775 : vector<16xf32>
        %ge3A_777 = arith.cmpf oge, %mul3A_776, %get3A_750 : vector<16xf32>
        %select_n3A_778 = arith.select %ge3A_777, %add3A_772, %select_n3A_769 : vector<16xi1>, vector<16xi32>
        %add3A_779 = arith.constant 0 : i32
        %add3A_780 = vector.broadcast %add3A_779 : i32 to vector<16xi32>
        %add3A_781 = arith.addi %convert_element_type3A_758, %add3A_780 : vector<16xi32>
        %convert_element_type3A_782 = arith.sitofp %add3A_781 : vector<16xi32> to vector<16xf32>
        %mul3A_783 = arith.constant 9.99999974E-6 : f32
        %mul3A_784 = vector.broadcast %mul3A_783 : f32 to vector<16xf32>
        %mul3A_785 = arith.mulf %convert_element_type3A_782, %mul3A_784 : vector<16xf32>
        %ge3A_786 = arith.cmpf oge, %mul3A_785, %get3A_750 : vector<16xf32>
        %select_n3A_787 = arith.select %ge3A_786, %add3A_781, %select_n3A_778 : vector<16xi1>, vector<16xi32>
        %add3A_788 = arith.constant -1 : i32
        %add3A_789 = vector.broadcast %add3A_788 : i32 to vector<16xi32>
        %add3A_790 = arith.addi %convert_element_type3A_758, %add3A_789 : vector<16xi32>
        %convert_element_type3A_791 = arith.sitofp %add3A_790 : vector<16xi32> to vector<16xf32>
        %mul3A_792 = arith.constant 9.99999974E-6 : f32
        %mul3A_793 = vector.broadcast %mul3A_792 : f32 to vector<16xf32>
        %mul3A_794 = arith.mulf %convert_element_type3A_791, %mul3A_793 : vector<16xf32>
        %ge3A_795 = arith.cmpf oge, %mul3A_794, %get3A_750 : vector<16xf32>
        %select_n3A_796 = arith.select %ge3A_795, %add3A_790, %select_n3A_787 : vector<16xi1>, vector<16xi32>
        %max3A = arith.constant 0 : i32
        %max3A_797 = vector.broadcast %max3A : i32 to vector<16xi32>
        %max3A_798 = arith.maxsi %select_n3A_796, %max3A_797 : vector<16xi32>
        %min3A_799 = arith.constant 100000 : i32
        %min3A_800 = vector.broadcast %min3A_799 : i32 to vector<16xi32>
        %min3A_801 = arith.minsi %max3A_798, %min3A_800 : vector<16xi32>
        %add3A_802 = arith.constant 2 : i32
        %add3A_803 = vector.broadcast %add3A_802 : i32 to vector<16xi32>
        %add3A_804 = arith.addi %min3A_801, %add3A_803 : vector<16xi32>
        tpu.vector_store_idx %arg6[%add3A_754], %add3A_804 : memref<3200xi32, #tpu.memory_space<vmem>>[vector<16xi32>], vector<16xi32>,
      }
      %scan3A_429 = arith.constant 25 : i32
      %dma_start3A_430 = arith.constant 2304 : i32
      %dma_start3A_431 = arith.constant 0 : i32
      %dma_start3A_432 = tpu.memref_slice %arg7[%dma_start3A_430, %dma_start3A_431] : memref<3200x16xf32, #tpu.memory_space<vmem>> -> memref<128x16xf32, #tpu.memory_space<vmem>>
      %dma_start3A_433 = arith.constant 2304 : i32
      %dma_start3A_434 = tpu.memref_slice %arg6[%dma_start3A_433] : memref<3200xi32, #tpu.memory_space<vmem>> -> memref<128xi32, #tpu.memory_space<vmem>>
      %dma_start3A_435 = arith.constant 0 : i32
      %dma_start3A_436 = arith.constant 0 : i32
      %dma_start3A_437 = tpu.memref_slice %arg3[%dma_start3A_435, %dma_start3A_436] : memref<100003x16xf32, #tpu.memory_space<hbm>> -> memref<100003x16xf32, #tpu.memory_space<hbm>>
      tpu.enqueue_indirect_dma source(%dma_start3A_437 : memref<100003x16xf32, #tpu.memory_space<hbm>>) target(%dma_start3A_432 : memref<128x16xf32, #tpu.memory_space<vmem>>) offsets(%dma_start3A_434 : memref<128xi32, #tpu.memory_space<vmem>>) semaphore(%arg9 : memref<!tpu.dma_semaphore, #tpu.memory_space<semaphore_mem>>)
      %dma_start3A_438 = arith.constant 2432 : i32
      %dma_start3A_439 = arith.constant 0 : i32
      %dma_start3A_440 = tpu.memref_slice %arg7[%dma_start3A_438, %dma_start3A_439] : memref<3200x16xf32, #tpu.memory_space<vmem>> -> memref<128x16xf32, #tpu.memory_space<vmem>>
      %dma_start3A_441 = arith.constant 2432 : i32
      %dma_start3A_442 = tpu.memref_slice %arg6[%dma_start3A_441] : memref<3200xi32, #tpu.memory_space<vmem>> -> memref<128xi32, #tpu.memory_space<vmem>>
      %dma_start3A_443 = arith.constant 0 : i32
      %dma_start3A_444 = arith.constant 0 : i32
      %dma_start3A_445 = tpu.memref_slice %arg3[%dma_start3A_443, %dma_start3A_444] : memref<100003x16xf32, #tpu.memory_space<hbm>> -> memref<100003x16xf32, #tpu.memory_space<hbm>>
      tpu.enqueue_indirect_dma source(%dma_start3A_445 : memref<100003x16xf32, #tpu.memory_space<hbm>>) target(%dma_start3A_440 : memref<128x16xf32, #tpu.memory_space<vmem>>) offsets(%dma_start3A_442 : memref<128xi32, #tpu.memory_space<vmem>>) semaphore(%arg9 : memref<!tpu.dma_semaphore, #tpu.memory_space<semaphore_mem>>)
      %dma_start3A_446 = arith.constant 2560 : i32
      %dma_start3A_447 = arith.constant 0 : i32
      %dma_start3A_448 = tpu.memref_slice %arg7[%dma_start3A_446, %dma_start3A_447] : memref<3200x16xf32, #tpu.memory_space<vmem>> -> memref<128x16xf32, #tpu.memory_space<vmem>>
      %dma_start3A_449 = arith.constant 2560 : i32
      %dma_start3A_450 = tpu.memref_slice %arg6[%dma_start3A_449] : memref<3200xi32, #tpu.memory_space<vmem>> -> memref<128xi32, #tpu.memory_space<vmem>>
      %dma_start3A_451 = arith.constant 0 : i32
      %dma_start3A_452 = arith.constant 0 : i32
      %dma_start3A_453 = tpu.memref_slice %arg3[%dma_start3A_451, %dma_start3A_452] : memref<100003x16xf32, #tpu.memory_space<hbm>> -> memref<100003x16xf32, #tpu.memory_space<hbm>>
      tpu.enqueue_indirect_dma source(%dma_start3A_453 : memref<100003x16xf32, #tpu.memory_space<hbm>>) target(%dma_start3A_448 : memref<128x16xf32, #tpu.memory_space<vmem>>) offsets(%dma_start3A_450 : memref<128xi32, #tpu.memory_space<vmem>>) semaphore(%arg9 : memref<!tpu.dma_semaphore, #tpu.memory_space<semaphore_mem>>)
      %scan3A_454 = arith.constant 0 : i32
      %scan3A_455 = arith.constant 0 : i32
      %scan3A_456 = arith.constant 25 : i32
      %scan3A_457 = arith.addi %scan3A_455, %scan3A_456 : i32
      %scan3A_458 = arith.constant 1 : i32
      scf.for %scan3A_748 = %scan3A_455 to %scan3A_457 step %scan3A_458  : i32 {
        %get3A = arith.index_cast %scan3A_748 : i32 to index
        %get3A_749 = arith.constant 112 : index
        %get3A_750 = tpu.vector_load %arg5[%get3A, %get3A_749] {strides = array<i32>} : memref<25x128xf32, #tpu.memory_space<vmem>>, vector<16xf32>,
        %add3A_751 = arith.constant 2800 : i32
        %add3A_752 = arith.addi %add3A_751, %scan3A_748 : i32
        %add3A_753 = vector.broadcast %add3A_752 : i32 to vector<16xi32>
        %add3A_754 = arith.addi %add3A_753, %mul3A_201 : vector<16xi32>
        %mul3A_755 = arith.constant 1.000000e+05 : f32
        %mul3A_756 = vector.broadcast %mul3A_755 : f32 to vector<16xf32>
        %mul3A_757 = arith.mulf %get3A_750, %mul3A_756 : vector<16xf32>
        %convert_element_type3A_758 = arith.fptosi %mul3A_757 : vector<16xf32> to vector<16xi32>
        %add3A_759 = arith.constant 3 : i32
        %add3A_760 = vector.broadcast %add3A_759 : i32 to vector<16xi32>
        %add3A_761 = arith.addi %convert_element_type3A_758, %add3A_760 : vector<16xi32>
        %add3A_762 = arith.constant 2 : i32
        %add3A_763 = vector.broadcast %add3A_762 : i32 to vector<16xi32>
        %add3A_764 = arith.addi %convert_element_type3A_758, %add3A_763 : vector<16xi32>
        %convert_element_type3A_765 = arith.sitofp %add3A_764 : vector<16xi32> to vector<16xf32>
        %mul3A_766 = arith.constant 9.99999974E-6 : f32
        %mul3A_767 = vector.broadcast %mul3A_766 : f32 to vector<16xf32>
        %mul3A_768 = arith.mulf %convert_element_type3A_765, %mul3A_767 : vector<16xf32>
        %ge3A = arith.cmpf oge, %mul3A_768, %get3A_750 : vector<16xf32>
        %select_n3A_769 = arith.select %ge3A, %add3A_764, %add3A_761 : vector<16xi1>, vector<16xi32>
        %add3A_770 = arith.constant 1 : i32
        %add3A_771 = vector.broadcast %add3A_770 : i32 to vector<16xi32>
        %add3A_772 = arith.addi %convert_element_type3A_758, %add3A_771 : vector<16xi32>
        %convert_element_type3A_773 = arith.sitofp %add3A_772 : vector<16xi32> to vector<16xf32>
        %mul3A_774 = arith.constant 9.99999974E-6 : f32
        %mul3A_775 = vector.broadcast %mul3A_774 : f32 to vector<16xf32>
        %mul3A_776 = arith.mulf %convert_element_type3A_773, %mul3A_775 : vector<16xf32>
        %ge3A_777 = arith.cmpf oge, %mul3A_776, %get3A_750 : vector<16xf32>
        %select_n3A_778 = arith.select %ge3A_777, %add3A_772, %select_n3A_769 : vector<16xi1>, vector<16xi32>
        %add3A_779 = arith.constant 0 : i32
        %add3A_780 = vector.broadcast %add3A_779 : i32 to vector<16xi32>
        %add3A_781 = arith.addi %convert_element_type3A_758, %add3A_780 : vector<16xi32>
        %convert_element_type3A_782 = arith.sitofp %add3A_781 : vector<16xi32> to vector<16xf32>
        %mul3A_783 = arith.constant 9.99999974E-6 : f32
        %mul3A_784 = vector.broadcast %mul3A_783 : f32 to vector<16xf32>
        %mul3A_785 = arith.mulf %convert_element_type3A_782, %mul3A_784 : vector<16xf32>
        %ge3A_786 = arith.cmpf oge, %mul3A_785, %get3A_750 : vector<16xf32>
        %select_n3A_787 = arith.select %ge3A_786, %add3A_781, %select_n3A_778 : vector<16xi1>, vector<16xi32>
        %add3A_788 = arith.constant -1 : i32
        %add3A_789 = vector.broadcast %add3A_788 : i32 to vector<16xi32>
        %add3A_790 = arith.addi %convert_element_type3A_758, %add3A_789 : vector<16xi32>
        %convert_element_type3A_791 = arith.sitofp %add3A_790 : vector<16xi32> to vector<16xf32>
        %mul3A_792 = arith.constant 9.99999974E-6 : f32
        %mul3A_793 = vector.broadcast %mul3A_792 : f32 to vector<16xf32>
        %mul3A_794 = arith.mulf %convert_element_type3A_791, %mul3A_793 : vector<16xf32>
        %ge3A_795 = arith.cmpf oge, %mul3A_794, %get3A_750 : vector<16xf32>
        %select_n3A_796 = arith.select %ge3A_795, %add3A_790, %select_n3A_787 : vector<16xi1>, vector<16xi32>
        %max3A = arith.constant 0 : i32
        %max3A_797 = vector.broadcast %max3A : i32 to vector<16xi32>
        %max3A_798 = arith.maxsi %select_n3A_796, %max3A_797 : vector<16xi32>
        %min3A_799 = arith.constant 100000 : i32
        %min3A_800 = vector.broadcast %min3A_799 : i32 to vector<16xi32>
        %min3A_801 = arith.minsi %max3A_798, %min3A_800 : vector<16xi32>
        %add3A_802 = arith.constant 2 : i32
        %add3A_803 = vector.broadcast %add3A_802 : i32 to vector<16xi32>
        %add3A_804 = arith.addi %min3A_801, %add3A_803 : vector<16xi32>
        tpu.vector_store_idx %arg6[%add3A_754], %add3A_804 : memref<3200xi32, #tpu.memory_space<vmem>>[vector<16xi32>], vector<16xi32>,
      }
      %scan3A_459 = arith.constant 25 : i32
      %dma_start3A_460 = arith.constant 2688 : i32
      %dma_start3A_461 = arith.constant 0 : i32
      %dma_start3A_462 = tpu.memref_slice %arg7[%dma_start3A_460, %dma_start3A_461] : memref<3200x16xf32, #tpu.memory_space<vmem>> -> memref<128x16xf32, #tpu.memory_space<vmem>>
      %dma_start3A_463 = arith.constant 2688 : i32
      %dma_start3A_464 = tpu.memref_slice %arg6[%dma_start3A_463] : memref<3200xi32, #tpu.memory_space<vmem>> -> memref<128xi32, #tpu.memory_space<vmem>>
      %dma_start3A_465 = arith.constant 0 : i32
      %dma_start3A_466 = arith.constant 0 : i32
      %dma_start3A_467 = tpu.memref_slice %arg3[%dma_start3A_465, %dma_start3A_466] : memref<100003x16xf32, #tpu.memory_space<hbm>> -> memref<100003x16xf32, #tpu.memory_space<hbm>>
      tpu.enqueue_indirect_dma source(%dma_start3A_467 : memref<100003x16xf32, #tpu.memory_space<hbm>>) target(%dma_start3A_462 : memref<128x16xf32, #tpu.memory_space<vmem>>) offsets(%dma_start3A_464 : memref<128xi32, #tpu.memory_space<vmem>>) semaphore(%arg9 : memref<!tpu.dma_semaphore, #tpu.memory_space<semaphore_mem>>)
      %dma_start3A_468 = arith.constant 2816 : i32
      %dma_start3A_469 = arith.constant 0 : i32
      %dma_start3A_470 = tpu.memref_slice %arg7[%dma_start3A_468, %dma_start3A_469] : memref<3200x16xf32, #tpu.memory_space<vmem>> -> memref<128x16xf32, #tpu.memory_space<vmem>>
      %dma_start3A_471 = arith.constant 2816 : i32
      %dma_start3A_472 = tpu.memref_slice %arg6[%dma_start3A_471] : memref<3200xi32, #tpu.memory_space<vmem>> -> memref<128xi32, #tpu.memory_space<vmem>>
      %dma_start3A_473 = arith.constant 0 : i32
      %dma_start3A_474 = arith.constant 0 : i32
      %dma_start3A_475 = tpu.memref_slice %arg3[%dma_start3A_473, %dma_start3A_474] : memref<100003x16xf32, #tpu.memory_space<hbm>> -> memref<100003x16xf32, #tpu.memory_space<hbm>>
      tpu.enqueue_indirect_dma source(%dma_start3A_475 : memref<100003x16xf32, #tpu.memory_space<hbm>>) target(%dma_start3A_470 : memref<128x16xf32, #tpu.memory_space<vmem>>) offsets(%dma_start3A_472 : memref<128xi32, #tpu.memory_space<vmem>>) semaphore(%arg9 : memref<!tpu.dma_semaphore, #tpu.memory_space<semaphore_mem>>)
      %dma_start3A_476 = arith.constant 2944 : i32
      %dma_start3A_477 = arith.constant 0 : i32
      %dma_start3A_478 = tpu.memref_slice %arg7[%dma_start3A_476, %dma_start3A_477] : memref<3200x16xf32, #tpu.memory_space<vmem>> -> memref<128x16xf32, #tpu.memory_space<vmem>>
      %dma_start3A_479 = arith.constant 2944 : i32
      %dma_start3A_480 = tpu.memref_slice %arg6[%dma_start3A_479] : memref<3200xi32, #tpu.memory_space<vmem>> -> memref<128xi32, #tpu.memory_space<vmem>>
      %dma_start3A_481 = arith.constant 0 : i32
      %dma_start3A_482 = arith.constant 0 : i32
      %dma_start3A_483 = tpu.memref_slice %arg3[%dma_start3A_481, %dma_start3A_482] : memref<100003x16xf32, #tpu.memory_space<hbm>> -> memref<100003x16xf32, #tpu.memory_space<hbm>>
      tpu.enqueue_indirect_dma source(%dma_start3A_483 : memref<100003x16xf32, #tpu.memory_space<hbm>>) target(%dma_start3A_478 : memref<128x16xf32, #tpu.memory_space<vmem>>) offsets(%dma_start3A_480 : memref<128xi32, #tpu.memory_space<vmem>>) semaphore(%arg9 : memref<!tpu.dma_semaphore, #tpu.memory_space<semaphore_mem>>)
      %dma_start3A_484 = arith.constant 3072 : i32
      %dma_start3A_485 = arith.constant 0 : i32
      %dma_start3A_486 = tpu.memref_slice %arg7[%dma_start3A_484, %dma_start3A_485] : memref<3200x16xf32, #tpu.memory_space<vmem>> -> memref<128x16xf32, #tpu.memory_space<vmem>>
      %dma_start3A_487 = arith.constant 3072 : i32
      %dma_start3A_488 = tpu.memref_slice %arg6[%dma_start3A_487] : memref<3200xi32, #tpu.memory_space<vmem>> -> memref<128xi32, #tpu.memory_space<vmem>>
      %dma_start3A_489 = arith.constant 0 : i32
      %dma_start3A_490 = arith.constant 0 : i32
      %dma_start3A_491 = tpu.memref_slice %arg3[%dma_start3A_489, %dma_start3A_490] : memref<100003x16xf32, #tpu.memory_space<hbm>> -> memref<100003x16xf32, #tpu.memory_space<hbm>>
      tpu.enqueue_indirect_dma source(%dma_start3A_491 : memref<100003x16xf32, #tpu.memory_space<hbm>>) target(%dma_start3A_486 : memref<128x16xf32, #tpu.memory_space<vmem>>) offsets(%dma_start3A_488 : memref<128xi32, #tpu.memory_space<vmem>>) semaphore(%arg9 : memref<!tpu.dma_semaphore, #tpu.memory_space<semaphore_mem>>)
      %add3A_492 = arith.constant 1 : i32
      %add3A_493 = arith.addi %scan3A_238, %add3A_492 : i32
      %min3A = arith.constant 15 : i32
      %min3A_494 = arith.minsi %add3A_493, %min3A : i32
      %mul3A_495 = arith.constant 128 : i32
      %mul3A_496 = arith.muli %min3A_494, %mul3A_495 : i32
      %add3A_497 = arith.addi %mul3A_6, %mul3A_496 : i32
      %dma_start3A_498 = tpu.memref_slice %arg2[%mul3A_4, %add3A_497] : memref<100x16384xf32, #tpu.memory_space<hbm>> -> memref<25x128xf32, #tpu.memory_space<hbm>>
      %dma_start3A_499 = tpu.memref_slice %arg2[%mul3A_4, %add3A_497] : memref<100x16384xf32, #tpu.memory_space<hbm>> -> memref<25x128xf32, #tpu.memory_space<hbm>>
      tpu.enqueue_dma source(%dma_start3A_499 : memref<25x128xf32, #tpu.memory_space<hbm>>) target(%arg5 : memref<25x128xf32, #tpu.memory_space<vmem>>) target_semaphore(%arg11 : memref<!tpu.dma_semaphore, #tpu.memory_space<semaphore_mem>>)
      %gt3A = arith.constant 0 : i32
      %gt3A_500 = arith.cmpi sgt, %scan3A_238, %gt3A : i32
      %convert_element_type3A = arith.extui %gt3A_500 : i1 to i32
      %cond3A = arith.constant 0 : i32
      %cond3A_501 = arith.cmpi ne, %convert_element_type3A, %cond3A : i32
      scf.if %cond3A_501 {
        %jit3A_748 = arith.constant 128 : i32
        %div3A_749 = arith.divsi %add3A_241, %jit3A_748 : i32
        %sign3A_750 = arith.constant 0 : i32
        %sign3A_751 = arith.cmpi sgt, %add3A_241, %sign3A_750 : i32
        %sign3A_752 = arith.extui %sign3A_751 : i1 to i32
        %sign3A_753 = arith.constant 0 : i32
        %sign3A_754 = arith.cmpi slt, %add3A_241, %sign3A_753 : i32
        %sign3A_755 = arith.extui %sign3A_754 : i1 to i32
        %sign3A_756 = arith.subi %sign3A_752, %sign3A_755 : i32
        %sign3A_757 = arith.constant 0 : i32
        %sign3A_758 = arith.cmpi sgt, %jit3A_748, %sign3A_757 : i32
        %sign3A_759 = arith.extui %sign3A_758 : i1 to i32
        %sign3A_760 = arith.constant 0 : i32
        %sign3A_761 = arith.cmpi slt, %jit3A_748, %sign3A_760 : i32
        %sign3A_762 = arith.extui %sign3A_761 : i1 to i32
        %sign3A_763 = arith.subi %sign3A_759, %sign3A_762 : i32
        %ne3A_764 = arith.cmpi ne, %sign3A_756, %sign3A_763 : i32
        %rem3A_765 = arith.remsi %add3A_241, %jit3A_748 : i32
        %ne3A_766 = arith.constant 0 : i32
        %ne3A_767 = arith.cmpi ne, %rem3A_765, %ne3A_766 : i32
        %and3A_768 = arith.andi %ne3A_764, %ne3A_767 : i1
        %sub3A_769 = arith.constant 1 : i32
        %sub3A_770 = arith.subi %div3A_749, %sub3A_769 : i32
        %select_n3A_771 = arith.select %and3A_768, %sub3A_770, %div3A_749 : i32
        %dma_wait3A_772 = arith.constant 0 : i32
        %dma_wait3A_773 = arith.constant 0 : i32
        %dma_wait3A_774 = arith.constant 0 : i32
        %dma_wait3A_775 = tpu.memref_slice %arg4[%mul3A_4, %dma_wait3A_772, %select_n3A_771, %dma_wait3A_773, %dma_wait3A_774] : memref<100x2x128x8x128xf32, #tpu.memory_space<hbm>> -> memref<25x2x1x8x128xf32, #tpu.memory_space<hbm>>
        %dma_wait3A_776 = tpu.memref_squeeze %dma_wait3A_775 : memref<25x2x1x8x128xf32, #tpu.memory_space<hbm>> -> memref<25x2x8x128xf32, #tpu.memory_space<hbm>>
        %dma_wait3A_777 = arith.constant 0 : i32
        %dma_wait3A_778 = arith.constant 0 : i32
        %dma_wait3A_779 = arith.constant 0 : i32
        %dma_wait3A_780 = tpu.memref_slice %arg4[%mul3A_4, %dma_wait3A_777, %select_n3A_771, %dma_wait3A_778, %dma_wait3A_779] : memref<100x2x128x8x128xf32, #tpu.memory_space<hbm>> -> memref<25x2x1x8x128xf32, #tpu.memory_space<hbm>>
        %dma_wait3A_781 = tpu.memref_squeeze %dma_wait3A_780 : memref<25x2x1x8x128xf32, #tpu.memory_space<hbm>> -> memref<25x2x8x128xf32, #tpu.memory_space<hbm>>
        tpu.wait_dma2 semaphore(%arg10 : memref<!tpu.dma_semaphore, #tpu.memory_space<semaphore_mem>>) src(%arg8 : memref<25x2x8x128xf32, #tpu.memory_space<vmem>>) dst(%dma_wait3A_781 : memref<25x2x8x128xf32, #tpu.memory_space<hbm>>)
      } else {
      }
      %dma_wait3A_502 = arith.constant 0 : i32
      %dma_wait3A_503 = arith.constant 0 : i32
      %dma_wait3A_504 = tpu.memref_slice %arg7[%dma_wait3A_502, %dma_wait3A_503] : memref<3200x16xf32, #tpu.memory_space<vmem>> -> memref<128x16xf32, #tpu.memory_space<vmem>>
      %dma_wait3A_505 = arith.constant 0 : i32
      %dma_wait3A_506 = tpu.memref_slice %arg6[%dma_wait3A_505] : memref<3200xi32, #tpu.memory_space<vmem>> -> memref<128xi32, #tpu.memory_space<vmem>>
      %dma_wait3A_507 = arith.constant 0 : i32
      %dma_wait3A_508 = arith.constant 0 : i32
      %dma_wait3A_509 = tpu.memref_slice %arg3[%dma_wait3A_507, %dma_wait3A_508] : memref<100003x16xf32, #tpu.memory_space<hbm>> -> memref<100003x16xf32, #tpu.memory_space<hbm>>
      tpu.wait_indirect_dma semaphore(%arg9 : memref<!tpu.dma_semaphore, #tpu.memory_space<semaphore_mem>>) src(%dma_wait3A_509 : memref<100003x16xf32, #tpu.memory_space<hbm>>) dst(%dma_wait3A_504 : memref<128x16xf32, #tpu.memory_space<vmem>>)
      %dma_wait3A_510 = arith.constant 128 : i32
      %dma_wait3A_511 = arith.constant 0 : i32
      %dma_wait3A_512 = tpu.memref_slice %arg7[%dma_wait3A_510, %dma_wait3A_511] : memref<3200x16xf32, #tpu.memory_space<vmem>> -> memref<128x16xf32, #tpu.memory_space<vmem>>
      %dma_wait3A_513 = arith.constant 128 : i32
      %dma_wait3A_514 = tpu.memref_slice %arg6[%dma_wait3A_513] : memref<3200xi32, #tpu.memory_space<vmem>> -> memref<128xi32, #tpu.memory_space<vmem>>
      %dma_wait3A_515 = arith.constant 0 : i32
      %dma_wait3A_516 = arith.constant 0 : i32
      %dma_wait3A_517 = tpu.memref_slice %arg3[%dma_wait3A_515, %dma_wait3A_516] : memref<100003x16xf32, #tpu.memory_space<hbm>> -> memref<100003x16xf32, #tpu.memory_space<hbm>>
      tpu.wait_indirect_dma semaphore(%arg9 : memref<!tpu.dma_semaphore, #tpu.memory_space<semaphore_mem>>) src(%dma_wait3A_517 : memref<100003x16xf32, #tpu.memory_space<hbm>>) dst(%dma_wait3A_512 : memref<128x16xf32, #tpu.memory_space<vmem>>)
      %dma_wait3A_518 = arith.constant 256 : i32
      %dma_wait3A_519 = arith.constant 0 : i32
      %dma_wait3A_520 = tpu.memref_slice %arg7[%dma_wait3A_518, %dma_wait3A_519] : memref<3200x16xf32, #tpu.memory_space<vmem>> -> memref<128x16xf32, #tpu.memory_space<vmem>>
      %dma_wait3A_521 = arith.constant 256 : i32
      %dma_wait3A_522 = tpu.memref_slice %arg6[%dma_wait3A_521] : memref<3200xi32, #tpu.memory_space<vmem>> -> memref<128xi32, #tpu.memory_space<vmem>>
      %dma_wait3A_523 = arith.constant 0 : i32
      %dma_wait3A_524 = arith.constant 0 : i32
      %dma_wait3A_525 = tpu.memref_slice %arg3[%dma_wait3A_523, %dma_wait3A_524] : memref<100003x16xf32, #tpu.memory_space<hbm>> -> memref<100003x16xf32, #tpu.memory_space<hbm>>
      tpu.wait_indirect_dma semaphore(%arg9 : memref<!tpu.dma_semaphore, #tpu.memory_space<semaphore_mem>>) src(%dma_wait3A_525 : memref<100003x16xf32, #tpu.memory_space<hbm>>) dst(%dma_wait3A_520 : memref<128x16xf32, #tpu.memory_space<vmem>>)
      %dma_wait3A_526 = arith.constant 384 : i32
      %dma_wait3A_527 = arith.constant 0 : i32
      %dma_wait3A_528 = tpu.memref_slice %arg7[%dma_wait3A_526, %dma_wait3A_527] : memref<3200x16xf32, #tpu.memory_space<vmem>> -> memref<128x16xf32, #tpu.memory_space<vmem>>
      %dma_wait3A_529 = arith.constant 384 : i32
      %dma_wait3A_530 = tpu.memref_slice %arg6[%dma_wait3A_529] : memref<3200xi32, #tpu.memory_space<vmem>> -> memref<128xi32, #tpu.memory_space<vmem>>
      %dma_wait3A_531 = arith.constant 0 : i32
      %dma_wait3A_532 = arith.constant 0 : i32
      %dma_wait3A_533 = tpu.memref_slice %arg3[%dma_wait3A_531, %dma_wait3A_532] : memref<100003x16xf32, #tpu.memory_space<hbm>> -> memref<100003x16xf32, #tpu.memory_space<hbm>>
      tpu.wait_indirect_dma semaphore(%arg9 : memref<!tpu.dma_semaphore, #tpu.memory_space<semaphore_mem>>) src(%dma_wait3A_533 : memref<100003x16xf32, #tpu.memory_space<hbm>>) dst(%dma_wait3A_528 : memref<128x16xf32, #tpu.memory_space<vmem>>)
      %dma_wait3A_534 = arith.constant 512 : i32
      %dma_wait3A_535 = arith.constant 0 : i32
      %dma_wait3A_536 = tpu.memref_slice %arg7[%dma_wait3A_534, %dma_wait3A_535] : memref<3200x16xf32, #tpu.memory_space<vmem>> -> memref<128x16xf32, #tpu.memory_space<vmem>>
      %dma_wait3A_537 = arith.constant 512 : i32
      %dma_wait3A_538 = tpu.memref_slice %arg6[%dma_wait3A_537] : memref<3200xi32, #tpu.memory_space<vmem>> -> memref<128xi32, #tpu.memory_space<vmem>>
      %dma_wait3A_539 = arith.constant 0 : i32
      %dma_wait3A_540 = arith.constant 0 : i32
      %dma_wait3A_541 = tpu.memref_slice %arg3[%dma_wait3A_539, %dma_wait3A_540] : memref<100003x16xf32, #tpu.memory_space<hbm>> -> memref<100003x16xf32, #tpu.memory_space<hbm>>
      tpu.wait_indirect_dma semaphore(%arg9 : memref<!tpu.dma_semaphore, #tpu.memory_space<semaphore_mem>>) src(%dma_wait3A_541 : memref<100003x16xf32, #tpu.memory_space<hbm>>) dst(%dma_wait3A_536 : memref<128x16xf32, #tpu.memory_space<vmem>>)
      %dma_wait3A_542 = arith.constant 640 : i32
      %dma_wait3A_543 = arith.constant 0 : i32
      %dma_wait3A_544 = tpu.memref_slice %arg7[%dma_wait3A_542, %dma_wait3A_543] : memref<3200x16xf32, #tpu.memory_space<vmem>> -> memref<128x16xf32, #tpu.memory_space<vmem>>
      %dma_wait3A_545 = arith.constant 640 : i32
      %dma_wait3A_546 = tpu.memref_slice %arg6[%dma_wait3A_545] : memref<3200xi32, #tpu.memory_space<vmem>> -> memref<128xi32, #tpu.memory_space<vmem>>
      %dma_wait3A_547 = arith.constant 0 : i32
      %dma_wait3A_548 = arith.constant 0 : i32
      %dma_wait3A_549 = tpu.memref_slice %arg3[%dma_wait3A_547, %dma_wait3A_548] : memref<100003x16xf32, #tpu.memory_space<hbm>> -> memref<100003x16xf32, #tpu.memory_space<hbm>>
      tpu.wait_indirect_dma semaphore(%arg9 : memref<!tpu.dma_semaphore, #tpu.memory_space<semaphore_mem>>) src(%dma_wait3A_549 : memref<100003x16xf32, #tpu.memory_space<hbm>>) dst(%dma_wait3A_544 : memref<128x16xf32, #tpu.memory_space<vmem>>)
      %dma_wait3A_550 = arith.constant 768 : i32
      %dma_wait3A_551 = arith.constant 0 : i32
      %dma_wait3A_552 = tpu.memref_slice %arg7[%dma_wait3A_550, %dma_wait3A_551] : memref<3200x16xf32, #tpu.memory_space<vmem>> -> memref<128x16xf32, #tpu.memory_space<vmem>>
      %dma_wait3A_553 = arith.constant 768 : i32
      %dma_wait3A_554 = tpu.memref_slice %arg6[%dma_wait3A_553] : memref<3200xi32, #tpu.memory_space<vmem>> -> memref<128xi32, #tpu.memory_space<vmem>>
      %dma_wait3A_555 = arith.constant 0 : i32
      %dma_wait3A_556 = arith.constant 0 : i32
      %dma_wait3A_557 = tpu.memref_slice %arg3[%dma_wait3A_555, %dma_wait3A_556] : memref<100003x16xf32, #tpu.memory_space<hbm>> -> memref<100003x16xf32, #tpu.memory_space<hbm>>
      tpu.wait_indirect_dma semaphore(%arg9 : memref<!tpu.dma_semaphore, #tpu.memory_space<semaphore_mem>>) src(%dma_wait3A_557 : memref<100003x16xf32, #tpu.memory_space<hbm>>) dst(%dma_wait3A_552 : memref<128x16xf32, #tpu.memory_space<vmem>>)
      %dma_wait3A_558 = arith.constant 896 : i32
      %dma_wait3A_559 = arith.constant 0 : i32
      %dma_wait3A_560 = tpu.memref_slice %arg7[%dma_wait3A_558, %dma_wait3A_559] : memref<3200x16xf32, #tpu.memory_space<vmem>> -> memref<128x16xf32, #tpu.memory_space<vmem>>
      %dma_wait3A_561 = arith.constant 896 : i32
      %dma_wait3A_562 = tpu.memref_slice %arg6[%dma_wait3A_561] : memref<3200xi32, #tpu.memory_space<vmem>> -> memref<128xi32, #tpu.memory_space<vmem>>
      %dma_wait3A_563 = arith.constant 0 : i32
      %dma_wait3A_564 = arith.constant 0 : i32
      %dma_wait3A_565 = tpu.memref_slice %arg3[%dma_wait3A_563, %dma_wait3A_564] : memref<100003x16xf32, #tpu.memory_space<hbm>> -> memref<100003x16xf32, #tpu.memory_space<hbm>>
      tpu.wait_indirect_dma semaphore(%arg9 : memref<!tpu.dma_semaphore, #tpu.memory_space<semaphore_mem>>) src(%dma_wait3A_565 : memref<100003x16xf32, #tpu.memory_space<hbm>>) dst(%dma_wait3A_560 : memref<128x16xf32, #tpu.memory_space<vmem>>)
      %dma_wait3A_566 = arith.constant 1024 : i32
      %dma_wait3A_567 = arith.constant 0 : i32
      %dma_wait3A_568 = tpu.memref_slice %arg7[%dma_wait3A_566, %dma_wait3A_567] : memref<3200x16xf32, #tpu.memory_space<vmem>> -> memref<128x16xf32, #tpu.memory_space<vmem>>
      %dma_wait3A_569 = arith.constant 1024 : i32
      %dma_wait3A_570 = tpu.memref_slice %arg6[%dma_wait3A_569] : memref<3200xi32, #tpu.memory_space<vmem>> -> memref<128xi32, #tpu.memory_space<vmem>>
      %dma_wait3A_571 = arith.constant 0 : i32
      %dma_wait3A_572 = arith.constant 0 : i32
      %dma_wait3A_573 = tpu.memref_slice %arg3[%dma_wait3A_571, %dma_wait3A_572] : memref<100003x16xf32, #tpu.memory_space<hbm>> -> memref<100003x16xf32, #tpu.memory_space<hbm>>
      tpu.wait_indirect_dma semaphore(%arg9 : memref<!tpu.dma_semaphore, #tpu.memory_space<semaphore_mem>>) src(%dma_wait3A_573 : memref<100003x16xf32, #tpu.memory_space<hbm>>) dst(%dma_wait3A_568 : memref<128x16xf32, #tpu.memory_space<vmem>>)
      %dma_wait3A_574 = arith.constant 1152 : i32
      %dma_wait3A_575 = arith.constant 0 : i32
      %dma_wait3A_576 = tpu.memref_slice %arg7[%dma_wait3A_574, %dma_wait3A_575] : memref<3200x16xf32, #tpu.memory_space<vmem>> -> memref<128x16xf32, #tpu.memory_space<vmem>>
      %dma_wait3A_577 = arith.constant 1152 : i32
      %dma_wait3A_578 = tpu.memref_slice %arg6[%dma_wait3A_577] : memref<3200xi32, #tpu.memory_space<vmem>> -> memref<128xi32, #tpu.memory_space<vmem>>
      %dma_wait3A_579 = arith.constant 0 : i32
      %dma_wait3A_580 = arith.constant 0 : i32
      %dma_wait3A_581 = tpu.memref_slice %arg3[%dma_wait3A_579, %dma_wait3A_580] : memref<100003x16xf32, #tpu.memory_space<hbm>> -> memref<100003x16xf32, #tpu.memory_space<hbm>>
      tpu.wait_indirect_dma semaphore(%arg9 : memref<!tpu.dma_semaphore, #tpu.memory_space<semaphore_mem>>) src(%dma_wait3A_581 : memref<100003x16xf32, #tpu.memory_space<hbm>>) dst(%dma_wait3A_576 : memref<128x16xf32, #tpu.memory_space<vmem>>)
      %dma_wait3A_582 = arith.constant 1280 : i32
      %dma_wait3A_583 = arith.constant 0 : i32
      %dma_wait3A_584 = tpu.memref_slice %arg7[%dma_wait3A_582, %dma_wait3A_583] : memref<3200x16xf32, #tpu.memory_space<vmem>> -> memref<128x16xf32, #tpu.memory_space<vmem>>
      %dma_wait3A_585 = arith.constant 1280 : i32
      %dma_wait3A_586 = tpu.memref_slice %arg6[%dma_wait3A_585] : memref<3200xi32, #tpu.memory_space<vmem>> -> memref<128xi32, #tpu.memory_space<vmem>>
      %dma_wait3A_587 = arith.constant 0 : i32
      %dma_wait3A_588 = arith.constant 0 : i32
      %dma_wait3A_589 = tpu.memref_slice %arg3[%dma_wait3A_587, %dma_wait3A_588] : memref<100003x16xf32, #tpu.memory_space<hbm>> -> memref<100003x16xf32, #tpu.memory_space<hbm>>
      tpu.wait_indirect_dma semaphore(%arg9 : memref<!tpu.dma_semaphore, #tpu.memory_space<semaphore_mem>>) src(%dma_wait3A_589 : memref<100003x16xf32, #tpu.memory_space<hbm>>) dst(%dma_wait3A_584 : memref<128x16xf32, #tpu.memory_space<vmem>>)
      %dma_wait3A_590 = arith.constant 1408 : i32
      %dma_wait3A_591 = arith.constant 0 : i32
      %dma_wait3A_592 = tpu.memref_slice %arg7[%dma_wait3A_590, %dma_wait3A_591] : memref<3200x16xf32, #tpu.memory_space<vmem>> -> memref<128x16xf32, #tpu.memory_space<vmem>>
      %dma_wait3A_593 = arith.constant 1408 : i32
      %dma_wait3A_594 = tpu.memref_slice %arg6[%dma_wait3A_593] : memref<3200xi32, #tpu.memory_space<vmem>> -> memref<128xi32, #tpu.memory_space<vmem>>
      %dma_wait3A_595 = arith.constant 0 : i32
      %dma_wait3A_596 = arith.constant 0 : i32
      %dma_wait3A_597 = tpu.memref_slice %arg3[%dma_wait3A_595, %dma_wait3A_596] : memref<100003x16xf32, #tpu.memory_space<hbm>> -> memref<100003x16xf32, #tpu.memory_space<hbm>>
      tpu.wait_indirect_dma semaphore(%arg9 : memref<!tpu.dma_semaphore, #tpu.memory_space<semaphore_mem>>) src(%dma_wait3A_597 : memref<100003x16xf32, #tpu.memory_space<hbm>>) dst(%dma_wait3A_592 : memref<128x16xf32, #tpu.memory_space<vmem>>)
      %dma_wait3A_598 = arith.constant 1536 : i32
      %dma_wait3A_599 = arith.constant 0 : i32
      %dma_wait3A_600 = tpu.memref_slice %arg7[%dma_wait3A_598, %dma_wait3A_599] : memref<3200x16xf32, #tpu.memory_space<vmem>> -> memref<128x16xf32, #tpu.memory_space<vmem>>
      %dma_wait3A_601 = arith.constant 1536 : i32
      %dma_wait3A_602 = tpu.memref_slice %arg6[%dma_wait3A_601] : memref<3200xi32, #tpu.memory_space<vmem>> -> memref<128xi32, #tpu.memory_space<vmem>>
      %dma_wait3A_603 = arith.constant 0 : i32
      %dma_wait3A_604 = arith.constant 0 : i32
      %dma_wait3A_605 = tpu.memref_slice %arg3[%dma_wait3A_603, %dma_wait3A_604] : memref<100003x16xf32, #tpu.memory_space<hbm>> -> memref<100003x16xf32, #tpu.memory_space<hbm>>
      tpu.wait_indirect_dma semaphore(%arg9 : memref<!tpu.dma_semaphore, #tpu.memory_space<semaphore_mem>>) src(%dma_wait3A_605 : memref<100003x16xf32, #tpu.memory_space<hbm>>) dst(%dma_wait3A_600 : memref<128x16xf32, #tpu.memory_space<vmem>>)
      %scan3A_606 = arith.constant 0 : i32
      %scan3A_607 = arith.constant 0 : i32
      %scan3A_608 = arith.constant 4 : i32
      %scan3A_609 = arith.addi %scan3A_607, %scan3A_608 : i32
      %scan3A_610 = arith.constant 1 : i32
      scf.for %scan3A_748 = %scan3A_607 to %scan3A_609 step %scan3A_610  : i32 {
        %mul3A_749 = arith.constant 16 : i32
        %mul3A_750 = arith.muli %scan3A_748, %mul3A_749 : i32
        %add3A_751 = vector.broadcast %mul3A_750 : i32 to vector<16xi32>
        %add3A_752 = arith.addi %add3A_751, %iota3A : vector<16xi32>
        %scan3A_753 = arith.constant 0 : i32
        %scan3A_754 = arith.constant 0 : i32
        %scan3A_755 = arith.constant 25 : i32
        %scan3A_756 = arith.addi %scan3A_754, %scan3A_755 : i32
        %scan3A_757 = arith.constant 1 : i32
        scf.for %scan3A_759 = %scan3A_754 to %scan3A_756 step %scan3A_757  : i32 {
          %broadcast_in_dim3A = vector.broadcast %scan3A_759 : i32 to vector<16xi32>
          %mul3A_760 = arith.constant 400 : i32
          %mul3A_761 = arith.muli %scan3A_748, %mul3A_760 : i32
          %add3A_762 = arith.addi %mul3A_761, %scan3A_759 : i32
          %add3A_763 = vector.broadcast %add3A_762 : i32 to vector<16xi32>
          %add3A_764 = arith.addi %add3A_763, %mul3A_201 : vector<16xi32>
          %gather3A = tpu.vector_load_idx %arg7[%add3A_764, %and3A_12] : memref<3200x16xf32, #tpu.memory_space<vmem>>[vector<16xi32>, vector<16xi32>], vector<16xf32>,
          tpu.vector_store_idx %arg8[%broadcast_in_dim3A, %shift_right_logical3A_105, %and3A_153, %add3A_752], %gather3A : memref<25x2x8x128xf32, #tpu.memory_space<vmem>>[vector<16xi32>, vector<16xi32>, vector<16xi32>, vector<16xi32>], vector<16xf32>,
          %gather3A_765 = tpu.vector_load_idx %arg7[%add3A_764, %and3A_18] : memref<3200x16xf32, #tpu.memory_space<vmem>>[vector<16xi32>, vector<16xi32>], vector<16xf32>,
          tpu.vector_store_idx %arg8[%broadcast_in_dim3A, %shift_right_logical3A_108, %and3A_156, %add3A_752], %gather3A_765 : memref<25x2x8x128xf32, #tpu.memory_space<vmem>>[vector<16xi32>, vector<16xi32>, vector<16xi32>, vector<16xi32>], vector<16xf32>,
          %gather3A_766 = tpu.vector_load_idx %arg7[%add3A_764, %and3A_24] : memref<3200x16xf32, #tpu.memory_space<vmem>>[vector<16xi32>, vector<16xi32>], vector<16xf32>,
          tpu.vector_store_idx %arg8[%broadcast_in_dim3A, %shift_right_logical3A_111, %and3A_159, %add3A_752], %gather3A_766 : memref<25x2x8x128xf32, #tpu.memory_space<vmem>>[vector<16xi32>, vector<16xi32>, vector<16xi32>, vector<16xi32>], vector<16xf32>,
          %gather3A_767 = tpu.vector_load_idx %arg7[%add3A_764, %and3A_30] : memref<3200x16xf32, #tpu.memory_space<vmem>>[vector<16xi32>, vector<16xi32>], vector<16xf32>,
          tpu.vector_store_idx %arg8[%broadcast_in_dim3A, %shift_right_logical3A_114, %and3A_162, %add3A_752], %gather3A_767 : memref<25x2x8x128xf32, #tpu.memory_space<vmem>>[vector<16xi32>, vector<16xi32>, vector<16xi32>, vector<16xi32>], vector<16xf32>,
          %gather3A_768 = tpu.vector_load_idx %arg7[%add3A_764, %and3A_36] : memref<3200x16xf32, #tpu.memory_space<vmem>>[vector<16xi32>, vector<16xi32>], vector<16xf32>,
          tpu.vector_store_idx %arg8[%broadcast_in_dim3A, %shift_right_logical3A_117, %and3A_165, %add3A_752], %gather3A_768 : memref<25x2x8x128xf32, #tpu.memory_space<vmem>>[vector<16xi32>, vector<16xi32>, vector<16xi32>, vector<16xi32>], vector<16xf32>,
          %gather3A_769 = tpu.vector_load_idx %arg7[%add3A_764, %and3A_42] : memref<3200x16xf32, #tpu.memory_space<vmem>>[vector<16xi32>, vector<16xi32>], vector<16xf32>,
          tpu.vector_store_idx %arg8[%broadcast_in_dim3A, %shift_right_logical3A_120, %and3A_168, %add3A_752], %gather3A_769 : memref<25x2x8x128xf32, #tpu.memory_space<vmem>>[vector<16xi32>, vector<16xi32>, vector<16xi32>, vector<16xi32>], vector<16xf32>,
          %gather3A_770 = tpu.vector_load_idx %arg7[%add3A_764, %and3A_48] : memref<3200x16xf32, #tpu.memory_space<vmem>>[vector<16xi32>, vector<16xi32>], vector<16xf32>,
          tpu.vector_store_idx %arg8[%broadcast_in_dim3A, %shift_right_logical3A_123, %and3A_171, %add3A_752], %gather3A_770 : memref<25x2x8x128xf32, #tpu.memory_space<vmem>>[vector<16xi32>, vector<16xi32>, vector<16xi32>, vector<16xi32>], vector<16xf32>,
          %gather3A_771 = tpu.vector_load_idx %arg7[%add3A_764, %and3A_54] : memref<3200x16xf32, #tpu.memory_space<vmem>>[vector<16xi32>, vector<16xi32>], vector<16xf32>,
          tpu.vector_store_idx %arg8[%broadcast_in_dim3A, %shift_right_logical3A_126, %and3A_174, %add3A_752], %gather3A_771 : memref<25x2x8x128xf32, #tpu.memory_space<vmem>>[vector<16xi32>, vector<16xi32>, vector<16xi32>, vector<16xi32>], vector<16xf32>,
          %gather3A_772 = tpu.vector_load_idx %arg7[%add3A_764, %and3A_60] : memref<3200x16xf32, #tpu.memory_space<vmem>>[vector<16xi32>, vector<16xi32>], vector<16xf32>,
          tpu.vector_store_idx %arg8[%broadcast_in_dim3A, %shift_right_logical3A_129, %and3A_177, %add3A_752], %gather3A_772 : memref<25x2x8x128xf32, #tpu.memory_space<vmem>>[vector<16xi32>, vector<16xi32>, vector<16xi32>, vector<16xi32>], vector<16xf32>,
          %gather3A_773 = tpu.vector_load_idx %arg7[%add3A_764, %and3A_66] : memref<3200x16xf32, #tpu.memory_space<vmem>>[vector<16xi32>, vector<16xi32>], vector<16xf32>,
          tpu.vector_store_idx %arg8[%broadcast_in_dim3A, %shift_right_logical3A_132, %and3A_180, %add3A_752], %gather3A_773 : memref<25x2x8x128xf32, #tpu.memory_space<vmem>>[vector<16xi32>, vector<16xi32>, vector<16xi32>, vector<16xi32>], vector<16xf32>,
          %gather3A_774 = tpu.vector_load_idx %arg7[%add3A_764, %and3A_72] : memref<3200x16xf32, #tpu.memory_space<vmem>>[vector<16xi32>, vector<16xi32>], vector<16xf32>,
          tpu.vector_store_idx %arg8[%broadcast_in_dim3A, %shift_right_logical3A_135, %and3A_183, %add3A_752], %gather3A_774 : memref<25x2x8x128xf32, #tpu.memory_space<vmem>>[vector<16xi32>, vector<16xi32>, vector<16xi32>, vector<16xi32>], vector<16xf32>,
          %gather3A_775 = tpu.vector_load_idx %arg7[%add3A_764, %and3A_78] : memref<3200x16xf32, #tpu.memory_space<vmem>>[vector<16xi32>, vector<16xi32>], vector<16xf32>,
          tpu.vector_store_idx %arg8[%broadcast_in_dim3A, %shift_right_logical3A_138, %and3A_186, %add3A_752], %gather3A_775 : memref<25x2x8x128xf32, #tpu.memory_space<vmem>>[vector<16xi32>, vector<16xi32>, vector<16xi32>, vector<16xi32>], vector<16xf32>,
          %gather3A_776 = tpu.vector_load_idx %arg7[%add3A_764, %and3A_84] : memref<3200x16xf32, #tpu.memory_space<vmem>>[vector<16xi32>, vector<16xi32>], vector<16xf32>,
          tpu.vector_store_idx %arg8[%broadcast_in_dim3A, %shift_right_logical3A_141, %and3A_189, %add3A_752], %gather3A_776 : memref<25x2x8x128xf32, #tpu.memory_space<vmem>>[vector<16xi32>, vector<16xi32>, vector<16xi32>, vector<16xi32>], vector<16xf32>,
          %gather3A_777 = tpu.vector_load_idx %arg7[%add3A_764, %and3A_90] : memref<3200x16xf32, #tpu.memory_space<vmem>>[vector<16xi32>, vector<16xi32>], vector<16xf32>,
          tpu.vector_store_idx %arg8[%broadcast_in_dim3A, %shift_right_logical3A_144, %and3A_192, %add3A_752], %gather3A_777 : memref<25x2x8x128xf32, #tpu.memory_space<vmem>>[vector<16xi32>, vector<16xi32>, vector<16xi32>, vector<16xi32>], vector<16xf32>,
          %gather3A_778 = tpu.vector_load_idx %arg7[%add3A_764, %and3A_96] : memref<3200x16xf32, #tpu.memory_space<vmem>>[vector<16xi32>, vector<16xi32>], vector<16xf32>,
          tpu.vector_store_idx %arg8[%broadcast_in_dim3A, %shift_right_logical3A_147, %and3A_195, %add3A_752], %gather3A_778 : memref<25x2x8x128xf32, #tpu.memory_space<vmem>>[vector<16xi32>, vector<16xi32>, vector<16xi32>, vector<16xi32>], vector<16xf32>,
          %gather3A_779 = tpu.vector_load_idx %arg7[%add3A_764, %and3A_102] : memref<3200x16xf32, #tpu.memory_space<vmem>>[vector<16xi32>, vector<16xi32>], vector<16xf32>,
          tpu.vector_store_idx %arg8[%broadcast_in_dim3A, %shift_right_logical3A_150, %and3A_198, %add3A_752], %gather3A_779 : memref<25x2x8x128xf32, #tpu.memory_space<vmem>>[vector<16xi32>, vector<16xi32>, vector<16xi32>, vector<16xi32>], vector<16xf32>,
        }
        %scan3A_758 = arith.constant 25 : i32
      }
      %scan3A_611 = arith.constant 4 : i32
      %dma_wait3A_612 = arith.constant 1664 : i32
      %dma_wait3A_613 = arith.constant 0 : i32
      %dma_wait3A_614 = tpu.memref_slice %arg7[%dma_wait3A_612, %dma_wait3A_613] : memref<3200x16xf32, #tpu.memory_space<vmem>> -> memref<128x16xf32, #tpu.memory_space<vmem>>
      %dma_wait3A_615 = arith.constant 1664 : i32
      %dma_wait3A_616 = tpu.memref_slice %arg6[%dma_wait3A_615] : memref<3200xi32, #tpu.memory_space<vmem>> -> memref<128xi32, #tpu.memory_space<vmem>>
      %dma_wait3A_617 = arith.constant 0 : i32
      %dma_wait3A_618 = arith.constant 0 : i32
      %dma_wait3A_619 = tpu.memref_slice %arg3[%dma_wait3A_617, %dma_wait3A_618] : memref<100003x16xf32, #tpu.memory_space<hbm>> -> memref<100003x16xf32, #tpu.memory_space<hbm>>
      tpu.wait_indirect_dma semaphore(%arg9 : memref<!tpu.dma_semaphore, #tpu.memory_space<semaphore_mem>>) src(%dma_wait3A_619 : memref<100003x16xf32, #tpu.memory_space<hbm>>) dst(%dma_wait3A_614 : memref<128x16xf32, #tpu.memory_space<vmem>>)
      %dma_wait3A_620 = arith.constant 1792 : i32
      %dma_wait3A_621 = arith.constant 0 : i32
      %dma_wait3A_622 = tpu.memref_slice %arg7[%dma_wait3A_620, %dma_wait3A_621] : memref<3200x16xf32, #tpu.memory_space<vmem>> -> memref<128x16xf32, #tpu.memory_space<vmem>>
      %dma_wait3A_623 = arith.constant 1792 : i32
      %dma_wait3A_624 = tpu.memref_slice %arg6[%dma_wait3A_623] : memref<3200xi32, #tpu.memory_space<vmem>> -> memref<128xi32, #tpu.memory_space<vmem>>
      %dma_wait3A_625 = arith.constant 0 : i32
      %dma_wait3A_626 = arith.constant 0 : i32
      %dma_wait3A_627 = tpu.memref_slice %arg3[%dma_wait3A_625, %dma_wait3A_626] : memref<100003x16xf32, #tpu.memory_space<hbm>> -> memref<100003x16xf32, #tpu.memory_space<hbm>>
      tpu.wait_indirect_dma semaphore(%arg9 : memref<!tpu.dma_semaphore, #tpu.memory_space<semaphore_mem>>) src(%dma_wait3A_627 : memref<100003x16xf32, #tpu.memory_space<hbm>>) dst(%dma_wait3A_622 : memref<128x16xf32, #tpu.memory_space<vmem>>)
      %dma_wait3A_628 = arith.constant 1920 : i32
      %dma_wait3A_629 = arith.constant 0 : i32
      %dma_wait3A_630 = tpu.memref_slice %arg7[%dma_wait3A_628, %dma_wait3A_629] : memref<3200x16xf32, #tpu.memory_space<vmem>> -> memref<128x16xf32, #tpu.memory_space<vmem>>
      %dma_wait3A_631 = arith.constant 1920 : i32
      %dma_wait3A_632 = tpu.memref_slice %arg6[%dma_wait3A_631] : memref<3200xi32, #tpu.memory_space<vmem>> -> memref<128xi32, #tpu.memory_space<vmem>>
      %dma_wait3A_633 = arith.constant 0 : i32
      %dma_wait3A_634 = arith.constant 0 : i32
      %dma_wait3A_635 = tpu.memref_slice %arg3[%dma_wait3A_633, %dma_wait3A_634] : memref<100003x16xf32, #tpu.memory_space<hbm>> -> memref<100003x16xf32, #tpu.memory_space<hbm>>
      tpu.wait_indirect_dma semaphore(%arg9 : memref<!tpu.dma_semaphore, #tpu.memory_space<semaphore_mem>>) src(%dma_wait3A_635 : memref<100003x16xf32, #tpu.memory_space<hbm>>) dst(%dma_wait3A_630 : memref<128x16xf32, #tpu.memory_space<vmem>>)
      %dma_wait3A_636 = arith.constant 2048 : i32
      %dma_wait3A_637 = arith.constant 0 : i32
      %dma_wait3A_638 = tpu.memref_slice %arg7[%dma_wait3A_636, %dma_wait3A_637] : memref<3200x16xf32, #tpu.memory_space<vmem>> -> memref<128x16xf32, #tpu.memory_space<vmem>>
      %dma_wait3A_639 = arith.constant 2048 : i32
      %dma_wait3A_640 = tpu.memref_slice %arg6[%dma_wait3A_639] : memref<3200xi32, #tpu.memory_space<vmem>> -> memref<128xi32, #tpu.memory_space<vmem>>
      %dma_wait3A_641 = arith.constant 0 : i32
      %dma_wait3A_642 = arith.constant 0 : i32
      %dma_wait3A_643 = tpu.memref_slice %arg3[%dma_wait3A_641, %dma_wait3A_642] : memref<100003x16xf32, #tpu.memory_space<hbm>> -> memref<100003x16xf32, #tpu.memory_space<hbm>>
      tpu.wait_indirect_dma semaphore(%arg9 : memref<!tpu.dma_semaphore, #tpu.memory_space<semaphore_mem>>) src(%dma_wait3A_643 : memref<100003x16xf32, #tpu.memory_space<hbm>>) dst(%dma_wait3A_638 : memref<128x16xf32, #tpu.memory_space<vmem>>)
      %dma_wait3A_644 = arith.constant 2176 : i32
      %dma_wait3A_645 = arith.constant 0 : i32
      %dma_wait3A_646 = tpu.memref_slice %arg7[%dma_wait3A_644, %dma_wait3A_645] : memref<3200x16xf32, #tpu.memory_space<vmem>> -> memref<128x16xf32, #tpu.memory_space<vmem>>
      %dma_wait3A_647 = arith.constant 2176 : i32
      %dma_wait3A_648 = tpu.memref_slice %arg6[%dma_wait3A_647] : memref<3200xi32, #tpu.memory_space<vmem>> -> memref<128xi32, #tpu.memory_space<vmem>>
      %dma_wait3A_649 = arith.constant 0 : i32
      %dma_wait3A_650 = arith.constant 0 : i32
      %dma_wait3A_651 = tpu.memref_slice %arg3[%dma_wait3A_649, %dma_wait3A_650] : memref<100003x16xf32, #tpu.memory_space<hbm>> -> memref<100003x16xf32, #tpu.memory_space<hbm>>
      tpu.wait_indirect_dma semaphore(%arg9 : memref<!tpu.dma_semaphore, #tpu.memory_space<semaphore_mem>>) src(%dma_wait3A_651 : memref<100003x16xf32, #tpu.memory_space<hbm>>) dst(%dma_wait3A_646 : memref<128x16xf32, #tpu.memory_space<vmem>>)
      %dma_wait3A_652 = arith.constant 2304 : i32
      %dma_wait3A_653 = arith.constant 0 : i32
      %dma_wait3A_654 = tpu.memref_slice %arg7[%dma_wait3A_652, %dma_wait3A_653] : memref<3200x16xf32, #tpu.memory_space<vmem>> -> memref<128x16xf32, #tpu.memory_space<vmem>>
      %dma_wait3A_655 = arith.constant 2304 : i32
      %dma_wait3A_656 = tpu.memref_slice %arg6[%dma_wait3A_655] : memref<3200xi32, #tpu.memory_space<vmem>> -> memref<128xi32, #tpu.memory_space<vmem>>
      %dma_wait3A_657 = arith.constant 0 : i32
      %dma_wait3A_658 = arith.constant 0 : i32
      %dma_wait3A_659 = tpu.memref_slice %arg3[%dma_wait3A_657, %dma_wait3A_658] : memref<100003x16xf32, #tpu.memory_space<hbm>> -> memref<100003x16xf32, #tpu.memory_space<hbm>>
      tpu.wait_indirect_dma semaphore(%arg9 : memref<!tpu.dma_semaphore, #tpu.memory_space<semaphore_mem>>) src(%dma_wait3A_659 : memref<100003x16xf32, #tpu.memory_space<hbm>>) dst(%dma_wait3A_654 : memref<128x16xf32, #tpu.memory_space<vmem>>)
      %dma_wait3A_660 = arith.constant 2432 : i32
      %dma_wait3A_661 = arith.constant 0 : i32
      %dma_wait3A_662 = tpu.memref_slice %arg7[%dma_wait3A_660, %dma_wait3A_661] : memref<3200x16xf32, #tpu.memory_space<vmem>> -> memref<128x16xf32, #tpu.memory_space<vmem>>
      %dma_wait3A_663 = arith.constant 2432 : i32
      %dma_wait3A_664 = tpu.memref_slice %arg6[%dma_wait3A_663] : memref<3200xi32, #tpu.memory_space<vmem>> -> memref<128xi32, #tpu.memory_space<vmem>>
      %dma_wait3A_665 = arith.constant 0 : i32
      %dma_wait3A_666 = arith.constant 0 : i32
      %dma_wait3A_667 = tpu.memref_slice %arg3[%dma_wait3A_665, %dma_wait3A_666] : memref<100003x16xf32, #tpu.memory_space<hbm>> -> memref<100003x16xf32, #tpu.memory_space<hbm>>
      tpu.wait_indirect_dma semaphore(%arg9 : memref<!tpu.dma_semaphore, #tpu.memory_space<semaphore_mem>>) src(%dma_wait3A_667 : memref<100003x16xf32, #tpu.memory_space<hbm>>) dst(%dma_wait3A_662 : memref<128x16xf32, #tpu.memory_space<vmem>>)
      %dma_wait3A_668 = arith.constant 2560 : i32
      %dma_wait3A_669 = arith.constant 0 : i32
      %dma_wait3A_670 = tpu.memref_slice %arg7[%dma_wait3A_668, %dma_wait3A_669] : memref<3200x16xf32, #tpu.memory_space<vmem>> -> memref<128x16xf32, #tpu.memory_space<vmem>>
      %dma_wait3A_671 = arith.constant 2560 : i32
      %dma_wait3A_672 = tpu.memref_slice %arg6[%dma_wait3A_671] : memref<3200xi32, #tpu.memory_space<vmem>> -> memref<128xi32, #tpu.memory_space<vmem>>
      %dma_wait3A_673 = arith.constant 0 : i32
      %dma_wait3A_674 = arith.constant 0 : i32
      %dma_wait3A_675 = tpu.memref_slice %arg3[%dma_wait3A_673, %dma_wait3A_674] : memref<100003x16xf32, #tpu.memory_space<hbm>> -> memref<100003x16xf32, #tpu.memory_space<hbm>>
      tpu.wait_indirect_dma semaphore(%arg9 : memref<!tpu.dma_semaphore, #tpu.memory_space<semaphore_mem>>) src(%dma_wait3A_675 : memref<100003x16xf32, #tpu.memory_space<hbm>>) dst(%dma_wait3A_670 : memref<128x16xf32, #tpu.memory_space<vmem>>)
      %dma_wait3A_676 = arith.constant 2688 : i32
      %dma_wait3A_677 = arith.constant 0 : i32
      %dma_wait3A_678 = tpu.memref_slice %arg7[%dma_wait3A_676, %dma_wait3A_677] : memref<3200x16xf32, #tpu.memory_space<vmem>> -> memref<128x16xf32, #tpu.memory_space<vmem>>
      %dma_wait3A_679 = arith.constant 2688 : i32
      %dma_wait3A_680 = tpu.memref_slice %arg6[%dma_wait3A_679] : memref<3200xi32, #tpu.memory_space<vmem>> -> memref<128xi32, #tpu.memory_space<vmem>>
      %dma_wait3A_681 = arith.constant 0 : i32
      %dma_wait3A_682 = arith.constant 0 : i32
      %dma_wait3A_683 = tpu.memref_slice %arg3[%dma_wait3A_681, %dma_wait3A_682] : memref<100003x16xf32, #tpu.memory_space<hbm>> -> memref<100003x16xf32, #tpu.memory_space<hbm>>
      tpu.wait_indirect_dma semaphore(%arg9 : memref<!tpu.dma_semaphore, #tpu.memory_space<semaphore_mem>>) src(%dma_wait3A_683 : memref<100003x16xf32, #tpu.memory_space<hbm>>) dst(%dma_wait3A_678 : memref<128x16xf32, #tpu.memory_space<vmem>>)
      %dma_wait3A_684 = arith.constant 2816 : i32
      %dma_wait3A_685 = arith.constant 0 : i32
      %dma_wait3A_686 = tpu.memref_slice %arg7[%dma_wait3A_684, %dma_wait3A_685] : memref<3200x16xf32, #tpu.memory_space<vmem>> -> memref<128x16xf32, #tpu.memory_space<vmem>>
      %dma_wait3A_687 = arith.constant 2816 : i32
      %dma_wait3A_688 = tpu.memref_slice %arg6[%dma_wait3A_687] : memref<3200xi32, #tpu.memory_space<vmem>> -> memref<128xi32, #tpu.memory_space<vmem>>
      %dma_wait3A_689 = arith.constant 0 : i32
      %dma_wait3A_690 = arith.constant 0 : i32
      %dma_wait3A_691 = tpu.memref_slice %arg3[%dma_wait3A_689, %dma_wait3A_690] : memref<100003x16xf32, #tpu.memory_space<hbm>> -> memref<100003x16xf32, #tpu.memory_space<hbm>>
      tpu.wait_indirect_dma semaphore(%arg9 : memref<!tpu.dma_semaphore, #tpu.memory_space<semaphore_mem>>) src(%dma_wait3A_691 : memref<100003x16xf32, #tpu.memory_space<hbm>>) dst(%dma_wait3A_686 : memref<128x16xf32, #tpu.memory_space<vmem>>)
      %dma_wait3A_692 = arith.constant 2944 : i32
      %dma_wait3A_693 = arith.constant 0 : i32
      %dma_wait3A_694 = tpu.memref_slice %arg7[%dma_wait3A_692, %dma_wait3A_693] : memref<3200x16xf32, #tpu.memory_space<vmem>> -> memref<128x16xf32, #tpu.memory_space<vmem>>
      %dma_wait3A_695 = arith.constant 2944 : i32
      %dma_wait3A_696 = tpu.memref_slice %arg6[%dma_wait3A_695] : memref<3200xi32, #tpu.memory_space<vmem>> -> memref<128xi32, #tpu.memory_space<vmem>>
      %dma_wait3A_697 = arith.constant 0 : i32
      %dma_wait3A_698 = arith.constant 0 : i32
      %dma_wait3A_699 = tpu.memref_slice %arg3[%dma_wait3A_697, %dma_wait3A_698] : memref<100003x16xf32, #tpu.memory_space<hbm>> -> memref<100003x16xf32, #tpu.memory_space<hbm>>
      tpu.wait_indirect_dma semaphore(%arg9 : memref<!tpu.dma_semaphore, #tpu.memory_space<semaphore_mem>>) src(%dma_wait3A_699 : memref<100003x16xf32, #tpu.memory_space<hbm>>) dst(%dma_wait3A_694 : memref<128x16xf32, #tpu.memory_space<vmem>>)
      %dma_wait3A_700 = arith.constant 3072 : i32
      %dma_wait3A_701 = arith.constant 0 : i32
      %dma_wait3A_702 = tpu.memref_slice %arg7[%dma_wait3A_700, %dma_wait3A_701] : memref<3200x16xf32, #tpu.memory_space<vmem>> -> memref<128x16xf32, #tpu.memory_space<vmem>>
      %dma_wait3A_703 = arith.constant 3072 : i32
      %dma_wait3A_704 = tpu.memref_slice %arg6[%dma_wait3A_703] : memref<3200xi32, #tpu.memory_space<vmem>> -> memref<128xi32, #tpu.memory_space<vmem>>
      %dma_wait3A_705 = arith.constant 0 : i32
      %dma_wait3A_706 = arith.constant 0 : i32
      %dma_wait3A_707 = tpu.memref_slice %arg3[%dma_wait3A_705, %dma_wait3A_706] : memref<100003x16xf32, #tpu.memory_space<hbm>> -> memref<100003x16xf32, #tpu.memory_space<hbm>>
      tpu.wait_indirect_dma semaphore(%arg9 : memref<!tpu.dma_semaphore, #tpu.memory_space<semaphore_mem>>) src(%dma_wait3A_707 : memref<100003x16xf32, #tpu.memory_space<hbm>>) dst(%dma_wait3A_702 : memref<128x16xf32, #tpu.memory_space<vmem>>)
      %scan3A_708 = arith.constant 0 : i32
      %scan3A_709 = arith.constant 4 : i32
      %scan3A_710 = arith.constant 4 : i32
      %scan3A_711 = arith.addi %scan3A_709, %scan3A_710 : i32
      %scan3A_712 = arith.constant 1 : i32
      scf.for %scan3A_748 = %scan3A_709 to %scan3A_711 step %scan3A_712  : i32 {
        %mul3A_749 = arith.constant 16 : i32
        %mul3A_750 = arith.muli %scan3A_748, %mul3A_749 : i32
        %add3A_751 = vector.broadcast %mul3A_750 : i32 to vector<16xi32>
        %add3A_752 = arith.addi %add3A_751, %iota3A : vector<16xi32>
        %scan3A_753 = arith.constant 0 : i32
        %scan3A_754 = arith.constant 0 : i32
        %scan3A_755 = arith.constant 25 : i32
        %scan3A_756 = arith.addi %scan3A_754, %scan3A_755 : i32
        %scan3A_757 = arith.constant 1 : i32
        scf.for %scan3A_759 = %scan3A_754 to %scan3A_756 step %scan3A_757  : i32 {
          %broadcast_in_dim3A = vector.broadcast %scan3A_759 : i32 to vector<16xi32>
          %mul3A_760 = arith.constant 400 : i32
          %mul3A_761 = arith.muli %scan3A_748, %mul3A_760 : i32
          %add3A_762 = arith.addi %mul3A_761, %scan3A_759 : i32
          %add3A_763 = vector.broadcast %add3A_762 : i32 to vector<16xi32>
          %add3A_764 = arith.addi %add3A_763, %mul3A_201 : vector<16xi32>
          %gather3A = tpu.vector_load_idx %arg7[%add3A_764, %and3A_12] : memref<3200x16xf32, #tpu.memory_space<vmem>>[vector<16xi32>, vector<16xi32>], vector<16xf32>,
          tpu.vector_store_idx %arg8[%broadcast_in_dim3A, %shift_right_logical3A_105, %and3A_153, %add3A_752], %gather3A : memref<25x2x8x128xf32, #tpu.memory_space<vmem>>[vector<16xi32>, vector<16xi32>, vector<16xi32>, vector<16xi32>], vector<16xf32>,
          %gather3A_765 = tpu.vector_load_idx %arg7[%add3A_764, %and3A_18] : memref<3200x16xf32, #tpu.memory_space<vmem>>[vector<16xi32>, vector<16xi32>], vector<16xf32>,
          tpu.vector_store_idx %arg8[%broadcast_in_dim3A, %shift_right_logical3A_108, %and3A_156, %add3A_752], %gather3A_765 : memref<25x2x8x128xf32, #tpu.memory_space<vmem>>[vector<16xi32>, vector<16xi32>, vector<16xi32>, vector<16xi32>], vector<16xf32>,
          %gather3A_766 = tpu.vector_load_idx %arg7[%add3A_764, %and3A_24] : memref<3200x16xf32, #tpu.memory_space<vmem>>[vector<16xi32>, vector<16xi32>], vector<16xf32>,
          tpu.vector_store_idx %arg8[%broadcast_in_dim3A, %shift_right_logical3A_111, %and3A_159, %add3A_752], %gather3A_766 : memref<25x2x8x128xf32, #tpu.memory_space<vmem>>[vector<16xi32>, vector<16xi32>, vector<16xi32>, vector<16xi32>], vector<16xf32>,
          %gather3A_767 = tpu.vector_load_idx %arg7[%add3A_764, %and3A_30] : memref<3200x16xf32, #tpu.memory_space<vmem>>[vector<16xi32>, vector<16xi32>], vector<16xf32>,
          tpu.vector_store_idx %arg8[%broadcast_in_dim3A, %shift_right_logical3A_114, %and3A_162, %add3A_752], %gather3A_767 : memref<25x2x8x128xf32, #tpu.memory_space<vmem>>[vector<16xi32>, vector<16xi32>, vector<16xi32>, vector<16xi32>], vector<16xf32>,
          %gather3A_768 = tpu.vector_load_idx %arg7[%add3A_764, %and3A_36] : memref<3200x16xf32, #tpu.memory_space<vmem>>[vector<16xi32>, vector<16xi32>], vector<16xf32>,
          tpu.vector_store_idx %arg8[%broadcast_in_dim3A, %shift_right_logical3A_117, %and3A_165, %add3A_752], %gather3A_768 : memref<25x2x8x128xf32, #tpu.memory_space<vmem>>[vector<16xi32>, vector<16xi32>, vector<16xi32>, vector<16xi32>], vector<16xf32>,
          %gather3A_769 = tpu.vector_load_idx %arg7[%add3A_764, %and3A_42] : memref<3200x16xf32, #tpu.memory_space<vmem>>[vector<16xi32>, vector<16xi32>], vector<16xf32>,
          tpu.vector_store_idx %arg8[%broadcast_in_dim3A, %shift_right_logical3A_120, %and3A_168, %add3A_752], %gather3A_769 : memref<25x2x8x128xf32, #tpu.memory_space<vmem>>[vector<16xi32>, vector<16xi32>, vector<16xi32>, vector<16xi32>], vector<16xf32>,
          %gather3A_770 = tpu.vector_load_idx %arg7[%add3A_764, %and3A_48] : memref<3200x16xf32, #tpu.memory_space<vmem>>[vector<16xi32>, vector<16xi32>], vector<16xf32>,
          tpu.vector_store_idx %arg8[%broadcast_in_dim3A, %shift_right_logical3A_123, %and3A_171, %add3A_752], %gather3A_770 : memref<25x2x8x128xf32, #tpu.memory_space<vmem>>[vector<16xi32>, vector<16xi32>, vector<16xi32>, vector<16xi32>], vector<16xf32>,
          %gather3A_771 = tpu.vector_load_idx %arg7[%add3A_764, %and3A_54] : memref<3200x16xf32, #tpu.memory_space<vmem>>[vector<16xi32>, vector<16xi32>], vector<16xf32>,
          tpu.vector_store_idx %arg8[%broadcast_in_dim3A, %shift_right_logical3A_126, %and3A_174, %add3A_752], %gather3A_771 : memref<25x2x8x128xf32, #tpu.memory_space<vmem>>[vector<16xi32>, vector<16xi32>, vector<16xi32>, vector<16xi32>], vector<16xf32>,
          %gather3A_772 = tpu.vector_load_idx %arg7[%add3A_764, %and3A_60] : memref<3200x16xf32, #tpu.memory_space<vmem>>[vector<16xi32>, vector<16xi32>], vector<16xf32>,
          tpu.vector_store_idx %arg8[%broadcast_in_dim3A, %shift_right_logical3A_129, %and3A_177, %add3A_752], %gather3A_772 : memref<25x2x8x128xf32, #tpu.memory_space<vmem>>[vector<16xi32>, vector<16xi32>, vector<16xi32>, vector<16xi32>], vector<16xf32>,
          %gather3A_773 = tpu.vector_load_idx %arg7[%add3A_764, %and3A_66] : memref<3200x16xf32, #tpu.memory_space<vmem>>[vector<16xi32>, vector<16xi32>], vector<16xf32>,
          tpu.vector_store_idx %arg8[%broadcast_in_dim3A, %shift_right_logical3A_132, %and3A_180, %add3A_752], %gather3A_773 : memref<25x2x8x128xf32, #tpu.memory_space<vmem>>[vector<16xi32>, vector<16xi32>, vector<16xi32>, vector<16xi32>], vector<16xf32>,
          %gather3A_774 = tpu.vector_load_idx %arg7[%add3A_764, %and3A_72] : memref<3200x16xf32, #tpu.memory_space<vmem>>[vector<16xi32>, vector<16xi32>], vector<16xf32>,
          tpu.vector_store_idx %arg8[%broadcast_in_dim3A, %shift_right_logical3A_135, %and3A_183, %add3A_752], %gather3A_774 : memref<25x2x8x128xf32, #tpu.memory_space<vmem>>[vector<16xi32>, vector<16xi32>, vector<16xi32>, vector<16xi32>], vector<16xf32>,
          %gather3A_775 = tpu.vector_load_idx %arg7[%add3A_764, %and3A_78] : memref<3200x16xf32, #tpu.memory_space<vmem>>[vector<16xi32>, vector<16xi32>], vector<16xf32>,
          tpu.vector_store_idx %arg8[%broadcast_in_dim3A, %shift_right_logical3A_138, %and3A_186, %add3A_752], %gather3A_775 : memref<25x2x8x128xf32, #tpu.memory_space<vmem>>[vector<16xi32>, vector<16xi32>, vector<16xi32>, vector<16xi32>], vector<16xf32>,
          %gather3A_776 = tpu.vector_load_idx %arg7[%add3A_764, %and3A_84] : memref<3200x16xf32, #tpu.memory_space<vmem>>[vector<16xi32>, vector<16xi32>], vector<16xf32>,
          tpu.vector_store_idx %arg8[%broadcast_in_dim3A, %shift_right_logical3A_141, %and3A_189, %add3A_752], %gather3A_776 : memref<25x2x8x128xf32, #tpu.memory_space<vmem>>[vector<16xi32>, vector<16xi32>, vector<16xi32>, vector<16xi32>], vector<16xf32>,
          %gather3A_777 = tpu.vector_load_idx %arg7[%add3A_764, %and3A_90] : memref<3200x16xf32, #tpu.memory_space<vmem>>[vector<16xi32>, vector<16xi32>], vector<16xf32>,
          tpu.vector_store_idx %arg8[%broadcast_in_dim3A, %shift_right_logical3A_144, %and3A_192, %add3A_752], %gather3A_777 : memref<25x2x8x128xf32, #tpu.memory_space<vmem>>[vector<16xi32>, vector<16xi32>, vector<16xi32>, vector<16xi32>], vector<16xf32>,
          %gather3A_778 = tpu.vector_load_idx %arg7[%add3A_764, %and3A_96] : memref<3200x16xf32, #tpu.memory_space<vmem>>[vector<16xi32>, vector<16xi32>], vector<16xf32>,
          tpu.vector_store_idx %arg8[%broadcast_in_dim3A, %shift_right_logical3A_147, %and3A_195, %add3A_752], %gather3A_778 : memref<25x2x8x128xf32, #tpu.memory_space<vmem>>[vector<16xi32>, vector<16xi32>, vector<16xi32>, vector<16xi32>], vector<16xf32>,
          %gather3A_779 = tpu.vector_load_idx %arg7[%add3A_764, %and3A_102] : memref<3200x16xf32, #tpu.memory_space<vmem>>[vector<16xi32>, vector<16xi32>], vector<16xf32>,
          tpu.vector_store_idx %arg8[%broadcast_in_dim3A, %shift_right_logical3A_150, %and3A_198, %add3A_752], %gather3A_779 : memref<25x2x8x128xf32, #tpu.memory_space<vmem>>[vector<16xi32>, vector<16xi32>, vector<16xi32>, vector<16xi32>], vector<16xf32>,
        }
        %scan3A_758 = arith.constant 25 : i32
      }
      %scan3A_713 = arith.constant 4 : i32
      %jit3A_714 = arith.constant 128 : i32
      %div3A_715 = arith.divsi %add3A_241, %jit3A_714 : i32
      %sign3A_716 = arith.constant 0 : i32
      %sign3A_717 = arith.cmpi sgt, %add3A_241, %sign3A_716 : i32
      %sign3A_718 = arith.extui %sign3A_717 : i1 to i32
      %sign3A_719 = arith.constant 0 : i32
      %sign3A_720 = arith.cmpi slt, %add3A_241, %sign3A_719 : i32
      %sign3A_721 = arith.extui %sign3A_720 : i1 to i32
      %sign3A_722 = arith.subi %sign3A_718, %sign3A_721 : i32
      %sign3A_723 = arith.constant 0 : i32
      %sign3A_724 = arith.cmpi sgt, %jit3A_714, %sign3A_723 : i32
      %sign3A_725 = arith.extui %sign3A_724 : i1 to i32
      %sign3A_726 = arith.constant 0 : i32
      %sign3A_727 = arith.cmpi slt, %jit3A_714, %sign3A_726 : i32
      %sign3A_728 = arith.extui %sign3A_727 : i1 to i32
      %sign3A_729 = arith.subi %sign3A_725, %sign3A_728 : i32
      %ne3A_730 = arith.cmpi ne, %sign3A_722, %sign3A_729 : i32
      %rem3A_731 = arith.remsi %add3A_241, %jit3A_714 : i32
      %ne3A_732 = arith.constant 0 : i32
      %ne3A_733 = arith.cmpi ne, %rem3A_731, %ne3A_732 : i32
      %and3A_734 = arith.andi %ne3A_730, %ne3A_733 : i1
      %sub3A_735 = arith.constant 1 : i32
      %sub3A_736 = arith.subi %div3A_715, %sub3A_735 : i32
      %select_n3A_737 = arith.select %and3A_734, %sub3A_736, %div3A_715 : i32
      %dma_start3A_738 = arith.constant 0 : i32
      %dma_start3A_739 = arith.constant 0 : i32
      %dma_start3A_740 = arith.constant 0 : i32
      %dma_start3A_741 = tpu.memref_slice %arg4[%mul3A_4, %dma_start3A_738, %select_n3A_737, %dma_start3A_739, %dma_start3A_740] : memref<100x2x128x8x128xf32, #tpu.memory_space<hbm>> -> memref<25x2x1x8x128xf32, #tpu.memory_space<hbm>>
      %dma_start3A_742 = tpu.memref_squeeze %dma_start3A_741 : memref<25x2x1x8x128xf32, #tpu.memory_space<hbm>> -> memref<25x2x8x128xf32, #tpu.memory_space<hbm>>
      %dma_start3A_743 = arith.constant 0 : i32
      %dma_start3A_744 = arith.constant 0 : i32
      %dma_start3A_745 = arith.constant 0 : i32
      %dma_start3A_746 = tpu.memref_slice %arg4[%mul3A_4, %dma_start3A_743, %select_n3A_737, %dma_start3A_744, %dma_start3A_745] : memref<100x2x128x8x128xf32, #tpu.memory_space<hbm>> -> memref<25x2x1x8x128xf32, #tpu.memory_space<hbm>>
      %dma_start3A_747 = tpu.memref_squeeze %dma_start3A_746 : memref<25x2x1x8x128xf32, #tpu.memory_space<hbm>> -> memref<25x2x8x128xf32, #tpu.memory_space<hbm>>
      tpu.enqueue_dma source(%arg8 : memref<25x2x8x128xf32, #tpu.memory_space<vmem>>) target(%dma_start3A_747 : memref<25x2x8x128xf32, #tpu.memory_space<hbm>>) target_semaphore(%arg10 : memref<!tpu.dma_semaphore, #tpu.memory_space<semaphore_mem>>)
    }
    %scan3A_207 = arith.constant 16 : i32
    %dma_wait3A = tpu.memref_slice %arg2[%mul3A_4, %mul3A_6] : memref<100x16384xf32, #tpu.memory_space<hbm>> -> memref<25x128xf32, #tpu.memory_space<hbm>>
    %dma_wait3A_208 = tpu.memref_slice %arg2[%mul3A_4, %mul3A_6] : memref<100x16384xf32, #tpu.memory_space<hbm>> -> memref<25x128xf32, #tpu.memory_space<hbm>>
    tpu.wait_dma2 semaphore(%arg11 : memref<!tpu.dma_semaphore, #tpu.memory_space<semaphore_mem>>) src(%dma_wait3A_208 : memref<25x128xf32, #tpu.memory_space<hbm>>) dst(%arg5 : memref<25x128xf32, #tpu.memory_space<vmem>>)
    %add3A_209 = arith.constant 1920 : i32
    %add3A_210 = arith.addi %mul3A_6, %add3A_209 : i32
    %jit3A = arith.constant 128 : i32
    %div3A = arith.divsi %add3A_210, %jit3A : i32
    %sign3A = arith.constant 0 : i32
    %sign3A_211 = arith.cmpi sgt, %add3A_210, %sign3A : i32
    %sign3A_212 = arith.extui %sign3A_211 : i1 to i32
    %sign3A_213 = arith.constant 0 : i32
    %sign3A_214 = arith.cmpi slt, %add3A_210, %sign3A_213 : i32
    %sign3A_215 = arith.extui %sign3A_214 : i1 to i32
    %sign3A_216 = arith.subi %sign3A_212, %sign3A_215 : i32
    %sign3A_217 = arith.constant 0 : i32
    %sign3A_218 = arith.cmpi sgt, %jit3A, %sign3A_217 : i32
    %sign3A_219 = arith.extui %sign3A_218 : i1 to i32
    %sign3A_220 = arith.constant 0 : i32
    %sign3A_221 = arith.cmpi slt, %jit3A, %sign3A_220 : i32
    %sign3A_222 = arith.extui %sign3A_221 : i1 to i32
    %sign3A_223 = arith.subi %sign3A_219, %sign3A_222 : i32
    %ne3A = arith.cmpi ne, %sign3A_216, %sign3A_223 : i32
    %rem3A = arith.remsi %add3A_210, %jit3A : i32
    %ne3A_224 = arith.constant 0 : i32
    %ne3A_225 = arith.cmpi ne, %rem3A, %ne3A_224 : i32
    %and3A_226 = arith.andi %ne3A, %ne3A_225 : i1
    %sub3A = arith.constant 1 : i32
    %sub3A_227 = arith.subi %div3A, %sub3A : i32
    %select_n3A = arith.select %and3A_226, %sub3A_227, %div3A : i32
    %dma_wait3A_228 = arith.constant 0 : i32
    %dma_wait3A_229 = arith.constant 0 : i32
    %dma_wait3A_230 = arith.constant 0 : i32
    %dma_wait3A_231 = tpu.memref_slice %arg4[%mul3A_4, %dma_wait3A_228, %select_n3A, %dma_wait3A_229, %dma_wait3A_230] : memref<100x2x128x8x128xf32, #tpu.memory_space<hbm>> -> memref<25x2x1x8x128xf32, #tpu.memory_space<hbm>>
    %dma_wait3A_232 = tpu.memref_squeeze %dma_wait3A_231 : memref<25x2x1x8x128xf32, #tpu.memory_space<hbm>> -> memref<25x2x8x128xf32, #tpu.memory_space<hbm>>
    %dma_wait3A_233 = arith.constant 0 : i32
    %dma_wait3A_234 = arith.constant 0 : i32
    %dma_wait3A_235 = arith.constant 0 : i32
    %dma_wait3A_236 = tpu.memref_slice %arg4[%mul3A_4, %dma_wait3A_233, %select_n3A, %dma_wait3A_234, %dma_wait3A_235] : memref<100x2x128x8x128xf32, #tpu.memory_space<hbm>> -> memref<25x2x1x8x128xf32, #tpu.memory_space<hbm>>
    %dma_wait3A_237 = tpu.memref_squeeze %dma_wait3A_236 : memref<25x2x1x8x128xf32, #tpu.memory_space<hbm>> -> memref<25x2x8x128xf32, #tpu.memory_space<hbm>>
    tpu.wait_dma2 semaphore(%arg10 : memref<!tpu.dma_semaphore, #tpu.memory_space<semaphore_mem>>) src(%arg8 : memref<25x2x8x128xf32, #tpu.memory_space<vmem>>) dst(%dma_wait3A_237 : memref<25x2x8x128xf32, #tpu.memory_space<hbm>>)
    return
  }
}

</mosaic_0001>

<sc_bundles>
// kernel: kernel.3.cloned.1.call-start
scs
__scs_entry_jumppad:
0x0: {  	(pc) =	sbr.rel $0x88, $3  }
0x1: {  	(tag) =	ssettag $0x0;
	lr =	simm.s32 $0x1  }
0x2: {  	[smem:$0x3F9F] =	sst lr;
	_ =	strace $0xD0000000  }
0x3: {  	_ = 	snop  }
0x4: {  	_ = 	snop  }
0x5: {  	_ = 	snop  }
0x6: {  	_ = 	snop  }
0x7: {  	_ = 	snop  }
__scs_overlays_trampoline_lowered:
0x8: {  	[smem:$0x3FAE] =	sst s0  }
0x9: {  	[smem:$0x3FAF] =	sst s1  }
0xa: {  	[smem:$0x3FB0] =	sst s2  }
0xb: {  	[smem:$0x3FB1] =	sst s3  }
0xc: {  	[smem:$0x3FB2] =	sst s4  }
0xd: {  	[smem:$0x3FB3] =	sst s5  }
0xe: {  	[smem:$0x3FB4] =	sst s6  }
0xf: {  	[smem:$0x3FB5] =	sst s7  }
0x10: {  	[smem:$0x3FB6] =	sst s8  }
0x11: {  	[smem:$0x3FB7] =	sst s9;
	s0 =	simm.s32 @!p0 $0x0  }
0x12: {  	s1 =	sld [smem:$0x3F9D];
	s0 =	simm.s32 @p0 $0x1  }
0x13: {  	[smem:$0x3FB8] =	sst s0;
	s0 =	simm.s32 @!p1 $0x0  }
0x14: {  	s2 =	sld [smem:$0x3F9C];
	s0 =	simm.s32 @p1 $0x1  }
0x15: {  	[smem:$0x3FB9] =	sst s0;
	s0 =	simm.s32 @!p2 $0x0  }
0x16: {  	s3 =	sld [smem:$0x3FDB];
	s0 =	simm.s32 @p2 $0x1  }
0x17: {  	s4 =	simm.s32 $0x1BF5;
	[smem:$0x3FBB] =	sst s0  }
0x18: {  	s0 =	sld [smem:$0x3F9E];
	_ =	swait.ge [sflag:s4], $0x0  }
0x19: {  	s7 =	sld [smem:$0x3F9F]  }
0x1a: {  	s8 =	sadd.s32 $0xFFFFE003, lr  }
0x1b: {  	s9 =	sadd.s32 $0xFFFFFEF7, lr;
	s5 =	simm.s32 $0xFFFFFFFF;
	p2 =	slt.u32 s8, $0xFFFFF086  }
0x1c: {  	p1 =	slt.u32 s9, $0xF7A;
	s5 =	simm.s32 @!p2 $0x0  }
0x1d: {  	s5 =	simm.s32 @p1 $0x1;
	p0 =	seq.s32 s7, s2  }
0x1e: {  	s7 =	smul.u32 @!p0 $0xF7A, s2;
	p2 =	seq.s32 @!p0 s5, $0x0  }
0x1f: {  	s9 =	smul.u32 $0xF7A, s1;
	s8 =	simm.s32 @!p0 $0x1BF5;
	p2 =	por !p2, p0  }
0x20: {  	[sflag:s8] =	ssyncset.s32 @!p0 $0xFFFFF086;
	s6 =	sadd.s32 @!p0 s3, s7;
	s7 =	simm.s32 @!p0 $0x108  }
0x21: {  	s3 =	sadd.s32 s3, s9;
	s6 =	sadd.s32 @!p0 $0x88, s6;
	s7 =	simm.s32 @p2 $0x1082  }
0x22: {  	[simem:s7], [sflag:s8] =	dma.local @!p0 [hbm:s6], $0xF7A  }
0x23: {  	s9 =	sor.u32 $0xD0000000, s2;
	s6 =	simm.s32 $0x108;
	_ =	swait.ge @!p0 [sflag:s8], $0x0  }
0x24: {  	s3 =	sadd.s32 $0x88, s3;
	s6 =	simm.s32 @!p1 $0x1082;
	[sflag:s4] =	ssyncset.s32 $0xFFFFF086  }
0x25: {  	[simem:s6], [sflag:s4] =	dma.local [hbm:s3], $0xF7A  }
0x26: {  	[smem:$0x3F9F] =	sst s1;
	(tag) =	ssettag s2;
	_ =	strace s9  }
0x27: {  	s1 =	sld [smem:$0x3FAF]  }
0x28: {  	s2 =	sld [smem:$0x3FB0]  }
0x29: {  	s4 =	sld [smem:$0x3FB2]  }
0x2a: {  	p0 =	seq.s32 s5, $0x0;
	s5 =	sld [smem:$0x3FB3]  }
0x2b: {  	s6 =	sld [smem:$0x3FB4]  }
0x2c: {  	s7 =	sld [smem:$0x3FB5]  }
0x2d: {  	s3 =	simm.s32 $0x108;
	s8 =	sld [smem:$0x3FB6]  }
0x2e: {  	s3 =	simm.s32 @!p0 $0x1082;
	s9 =	sld [smem:$0x3FB7]  }
0x2f: {  	lr =	sadd.s32 s0, s3;
	s0 =	sld [smem:$0x3FAE]  }
0x30: {  	s3 =	sld [smem:$0x3FB1]  }
0x31: {  	[smem:$0x3FBA] =	sst s10  }
0x32: {  	s10 =	sld [smem:$0x3FB8];
	_ =	sdelay $0x3  }
0x33: {  	p0 =	seq.s32 s10, $0x1;
	s10 =	sld [smem:$0x3FBA];
	_ =	sdelay $0x3  }
0x34: {  	[smem:$0x3FBA] =	sst s10  }
0x35: {  	s10 =	sld [smem:$0x3FB9];
	_ =	sdelay $0x3  }
0x36: {  	p1 =	seq.s32 s10, $0x1;
	s10 =	sld [smem:$0x3FBA];
	_ =	sdelay $0x3  }
0x37: {  	[smem:$0x3FBA] =	sst s10  }
0x38: {  	s10 =	sld [smem:$0x3FBB]  }
0x39: {  	_ = 	snop;
	(pc) =	sbr.ind lr, $3  }
0x3a: {  	_ = 	snop  }
0x3b: {  	_ = 	snop  }
0x3c: {  	p2 =	seq.s32 s10, $0x1;
	s10 =	sld [smem:$0x3FBA]  }
0x3d: {  	_ =	shalt  }
0x3e: {  	_ =	shalt  }
0x3f: {  	_ =	shalt  }
0x40: {  	_ =	shalt  }
0x41: {  	_ =	shalt  }
0x42: {  	_ =	shalt  }
0x43: {  	_ =	shalt  }
0x44: {  	_ =	shalt  }
0x45: {  	_ =	shalt  }
0x46: {  	_ =	shalt  }
0x47: {  	_ =	shalt  }
0x48: {  	_ =	shalt  }
0x49: {  	_ =	shalt  }
0x4a: {  	_ =	shalt  }
0x4b: {  	_ =	shalt  }
0x4c: {  	_ =	shalt  }
0x4d: {  	_ =	shalt  }
0x4e: {  	_ =	shalt  }
0x4f: {  	_ =	shalt  }
0x50: {  	_ =	shalt  }
0x51: {  	_ =	shalt  }
0x52: {  	_ =	shalt  }
0x53: {  	_ =	shalt  }
0x54: {  	_ =	shalt  }
0x55: {  	_ =	shalt  }
0x56: {  	_ =	shalt  }
0x57: {  	_ =	shalt  }
0x58: {  	_ =	shalt  }
0x59: {  	_ =	shalt  }
0x5a: {  	_ =	shalt  }
0x5b: {  	_ =	shalt  }
0x5c: {  	_ =	shalt  }
0x5d: {  	_ =	shalt  }
0x5e: {  	_ =	shalt  }
0x5f: {  	_ =	shalt  }
0x60: {  	_ =	shalt  }
0x61: {  	_ =	shalt  }
0x62: {  	_ =	shalt  }
0x63: {  	_ =	shalt  }
0x64: {  	_ =	shalt  }
0x65: {  	_ =	shalt  }
0x66: {  	_ =	shalt  }
0x67: {  	_ =	shalt  }
0x68: {  	_ =	shalt  }
0x69: {  	_ =	shalt  }
0x6a: {  	_ =	shalt  }
0x6b: {  	_ =	shalt  }
0x6c: {  	_ =	shalt  }
0x6d: {  	_ =	shalt  }
0x6e: {  	_ =	shalt  }
0x6f: {  	_ =	shalt  }
0x70: {  	_ =	shalt  }
0x71: {  	_ =	shalt  }
0x72: {  	_ =	shalt  }
0x73: {  	_ =	shalt  }
0x74: {  	_ =	shalt  }
0x75: {  	_ =	shalt  }
0x76: {  	_ =	shalt  }
0x77: {  	_ =	shalt  }
0x78: {  	_ =	shalt  }
0x79: {  	_ =	shalt  }
0x7a: {  	_ =	shalt  }
0x7b: {  	_ =	shalt  }
0x7c: {  	_ =	shalt  }
0x7d: {  	_ =	shalt  }
0x7e: {  	_ =	shalt  }
0x7f: {  	_ =	shalt  }
0x80: {  	_ =	shalt  }
0x81: {  	_ =	shalt  }
0x82: {  	_ =	shalt  }
0x83: {  	_ =	shalt  }
0x84: {  	_ =	shalt  }
0x85: {  	_ =	shalt  }
0x86: {  	_ =	shalt  }
0x87: {  	_ =	shalt  }
.Lfunc_end0:
.L_simem_size_0:
called_computation_lowered:
.L_overlay_start_0:
0x88: {  	s2 =	sld [smem:$0x3FD9]  }
0x89: {  	s3 =	sld [smem:$0x3FFE];
	_ =	sdelay $0x1  }
0x8a: {  	s1 =	srdreg.scid  }
0x8b: {  	s0 =	sand.u32 $0x1, s1  }
0x8c: {  	s17 =	sshll.u32 s0, $0xA;
	s2 =	sadd.s32 s3, s2  }
0x8d: {  	s2 =	sadd.s32 s2, s17  }
0x8e: {  	[smem:$0x3FC6] =	sst s2  }
0x8f: {  	_ = 	snop  }
0x90: {  	s2 =	sld [smem:$0x3FD0];
	(tm) =	ssettm $0x1  }
0x91: {  	s18 =	sld [smem:$0x3FFB];
	_ =	sdelay $0x3  }
0x92: {  	_ =	strace s18  }
0x93: {  	s3 =	sld [smem:$0x3FFC];
	_ =	sdelay $0x3  }
0x94: {  	_ =	strace s3  }
0x95: {  	s3 =	sld [smem:$0x3FFD];
	_ =	sdelay $0x3  }
0x96: {  	_ =	strace s3  }
0x97: {  	_ =	strace $0x8FFFFFFF  }
0x98: {  	s19 =	sld [smem:$0x3FDB];
	_ =	sdelay $0x1  }
0x99: {  	s4 =	simm.s32 $_scs_section_size  }
0x9a: {  	s5 =	simm.s32 $_size__tile_overlayer_lowered;
	s6 =	simm.s32 $_tile_overlayer_lowered  }
0x9b: {  	s22 =	simm.s32 $0x1BFF;
	s21 =	sshll.u32 s6, $0x1;
	s3 =	sadd.s32 s4, s19  }
0x9c: {  	s7 =	simm.s32 $0x0;
	s20 =	sshll.u32 s5, $0x1;
	s5 =	sadd.s32 s21, s3  }
0x9d: {  	[timem:s7], [sflag:s22] =	dma.local [hbm:s5], s20  }
0x9e: {  	_ =	swait.ge [sflag:s22], s20  }
0x9f: {  	s4 =	ssub.s32 $0x0, s20;
	[sflag:s22] =	ssyncset.done $0x0  }
0xa0: {  	[sflag:s22] =	ssyncadd.s32 s4;
	_ =	sdelay $0x1  }
0xa1: {  	s23 =	simm.s32 $0x1B8B  }
0xa2: {  	_ =	swait.ge [sflag:s23], $0x1  }
0xa3: {  	[sflag:s23] =	ssyncset.done $0x0  }
0xa4: {  	s25 =	simm.s32 $0x1B8E;
	s24 =	sld [smem:$0x3FFE];
	[sflag:s23] =	ssyncadd.s32 $0xFFFFFFFF  }
0xa5: {  	s26 =	simm.s32 $execute0_lowered;
	[smem:$0x3FD2] =	sst s25  }
0xa6: {  	s5 =	sshll.u32 s26, $0x1;
	_ =	strace $0x80000046;
	[dreg:$0x1] =	wrdreg $0xFFFFFFFF  }
0xa7: {  	s28 =	simm.s32 $_size_execute0_lowered;
	s3 =	sadd.s32 s3, s5;
	[dreg:$0x0] =	wrdreg $0x0  }
0xa8: {  	s5 =	sshll.u32 s28, $0x1;
	[dreg:$0x2] =	wrdreg s3  }
0xa9: {  	[dreg:$0x3] =	wrdreg s5  }
0xaa: {  	[dreg:$0x4] =	wrdreg $0xC0  }
0xab: {  	_ =	task [dreg:s7], $0x5FFFF  }
0xac: {  	[dreg:$0x1] =	wrdreg $0xFFFFFFFF  }
0xad: {  	[dreg:$0x0] =	wrdreg $0x60  }
0xae: {  	[dreg:$0x2] =	wrdreg s24  }
0xaf: {  	[dreg:$0x3] =	wrdreg s2  }
0xb0: {  	[dreg:$0x4] =	wrdreg $0x9  }
0xb1: {  	_ =	task.clear_ibuf [dreg:s7], $0x5FFFF;
	_ =	strace $0x90000046  }
0xb2: {  	s29 =	simm.s32 $0x9;
	_ =	strace $0x80000048  }
0xb3: {  	_ =	swait.ge [sflag:s29], $0x1  }
0xb4: {  	[sflag:s29] =	ssyncadd.s32 $0xFFFFFFFF  }
0xb5: {  	_ =	strace $0x90000048  }
0xb6: {  	_ =	sfence  }
0xb7: {  	s30 =	sld [smem:$0x0];
	_ =	sdelay $0x2  }
0xb8: {  	s31 =	sshll.u32 s1, $0xD;
	s1 =	sshrl.u32 s1, $0x2  }
0xb9: {  	s3 =	sand.u32 $0x4000, s31;
	s1 =	sadd.s32 s1, s30  }
0xba: {  	s0 =	sor.u32 s3, s0;
	s1 =	sshll.u32 s1, $0x11  }
0xbb: {  	s0 =	sor.u32 s1, s0  }
0xbc: {  	s0 =	sadd.s32 $0x8F2B, s0  }
0xbd: {  	[sflag:s0] =	ssyncadd.remote.s32 $0x1  }
0xbe: {  	_ =	sfence.sel $0xFFFF  }
0xbf: {  	[dreg:$0x0] =	wrdreg $0xFFFFFFFF;
	(pc) =	sbr.abs _section_cstart, $3  }
0xc0: {  	[dreg:$0x1] =	wrdreg $0xFFFFFFFF  }
0xc1: {  	_ =	task.clear_ibuf [dreg:s7], $0x2FFFF;
	_ =	strace $0x9FFFFFFF  }
0xc2: {  	(tm) =	ssettm $0x7FFFFFFF  }
0xc3: {  	_ =	shalt  }
tec
execute0_lowered:
.L_overlay_start_1:
0x0: {  	(tag) =	ssettag $0x1  }
0x1: {  	v0 =	vimm.s32 $0xF;
	vm14 =	vcmask $0x300  }
0x2: {  	vm13 =	vcmask $0x704;
	v0 =	vsel vm14, $0x80, v0  }
0x3: {  	vm12 =	vcmask $0xB08;
	vm11 =	vcmask $0xF0C;
	v0 =	vsel vm13, $0x101, v0  }
0x4: {  	vm10 =	vcmask $0x1310;
	v1 =	vsel vm12, $0x182, v0;
	v0 =	vlaneseq.u32  }
0x5: {  	vm9 =	vcmask $0x1714;
	vm8 =	vcmask $0x1B18;
	v3 =	vmul.u32 $0x81, v0  }
0x6: {  	vm7 =	vcmask $0x1F1C;
	vm3 =	vcmask $0x2320;
	v4 =	vimm.s32 $0x10F  }
0x7: {  	vm0 =	vcmask $0x2724;
	vm1 =	vcmask $0x2B28;
	[tilespmem:$0x1FFC0] =	vst v3;
	v3 =	vimm.s32 $0x8F  }
0x8: {  	vm2 =	vcmask $0x2F2C;
	vm4 =	vcmask $0x3330;
	v3 =	vsel vm14, $0x100, v3  }
0x9: {  	vm5 =	vcmask $0x3734;
	v2 =	vsel vm11, $0x203, v1;
	v3 =	vsel vm13, $0x181, v3  }
0xa: {  	vm6 =	vcmask $0x3B38;
	v2 =	vsel vm10, $0x284, v2;
	v3 =	vsel vm12, $0x202, v3  }
0xb: {  	v4 =	vsel vm14, $0x180, v4;
	v2 =	vsel vm9, $0x305, v2;
	v3 =	vsel vm11, $0x283, v3  }
0xc: {  	v4 =	vsel vm13, $0x201, v4;
	v2 =	vsel vm8, $0x386, v2;
	v3 =	vsel vm10, $0x304, v3  }
0xd: {  	v4 =	vsel vm12, $0x282, v4;
	v2 =	vsel vm7, $0x407, v2;
	v3 =	vsel vm9, $0x385, v3  }
0xe: {  	v4 =	vsel vm11, $0x303, v4;
	v2 =	vsel vm3, $0x488, v2;
	v3 =	vsel vm8, $0x406, v3  }
0xf: {  	v4 =	vsel vm10, $0x384, v4;
	v2 =	vsel vm0, $0x509, v2;
	v3 =	vsel vm7, $0x487, v3  }
0x10: {  	v4 =	vsel vm9, $0x405, v4;
	v2 =	vsel vm1, $0x58A, v2;
	v3 =	vsel vm3, $0x508, v3  }
0x11: {  	v4 =	vsel vm8, $0x486, v4;
	v2 =	vsel vm2, $0x60B, v2;
	v3 =	vsel vm0, $0x589, v3  }
0x12: {  	v4 =	vsel vm7, $0x507, v4;
	v2 =	vsel vm4, $0x68C, v2;
	v3 =	vsel vm1, $0x60A, v3  }
0x13: {  	v4 =	vsel vm3, $0x588, v4;
	v2 =	vsel vm5, $0x70D, v2;
	v3 =	vsel vm2, $0x68B, v3  }
0x14: {  	v4 =	vsel vm0, $0x609, v4;
	v2 =	vsel vm6, $0x78E, v2;
	v3 =	vsel vm4, $0x70C, v3  }
0x15: {  	v4 =	vsel vm1, $0x68A, v4;
	[tilespmem:$0x1FFD0] =	vst v2;
	v2 =	vsel vm5, $0x78D, v3  }
0x16: {  	v3 =	vsel vm2, $0x70B, v4;
	v2 =	vsel vm6, $0xE, v2  }
0x17: {  	[tilespmem:$0x1FFE0] =	vst v2;
	v2 =	vsel vm4, $0x78C, v3  }
0x18: {  	v20 =	vimm.s32 $0x210FEDCB;
	v3 =	vimm.s32 $0x18F;
	v2 =	vsel vm5, $0xD, v2  }
0x19: {  	v4 =	vimm.s32 $0x20F;
	v3 =	vsel vm14, $0x200, v3;
	v2 =	vsel vm6, $0x8E, v2  }
0x1a: {  	v24 =	vimm.s32 $0x3210FEDC;
	[tilespmem:$0x1FFF0] =	vst v2;
	v2 =	vsel vm13, $0x281, v3;
	v3 =	vsel vm14, $0x280, v4  }
0x1b: {  	v4 =	vimm.s32 $0x28F;
	v2 =	vsel vm12, $0x302, v2;
	v3 =	vsel vm13, $0x301, v3  }
0x1c: {  	v4 =	vsel vm14, $0x300, v4;
	v2 =	vsel vm11, $0x383, v2;
	v3 =	vsel vm12, $0x382, v3  }
0x1d: {  	v4 =	vsel vm13, $0x381, v4;
	v2 =	vsel vm10, $0x404, v2;
	v3 =	vsel vm11, $0x403, v3  }
0x1e: {  	v4 =	vsel vm12, $0x402, v4;
	v2 =	vsel vm9, $0x485, v2;
	v3 =	vsel vm10, $0x484, v3  }
0x1f: {  	v4 =	vsel vm11, $0x483, v4;
	v2 =	vsel vm8, $0x506, v2;
	v3 =	vsel vm9, $0x505, v3  }
0x20: {  	v4 =	vsel vm10, $0x504, v4;
	v2 =	vsel vm7, $0x587, v2;
	v3 =	vsel vm8, $0x586, v3  }
0x21: {  	v4 =	vsel vm9, $0x585, v4;
	v2 =	vsel vm3, $0x608, v2;
	v3 =	vsel vm7, $0x607, v3  }
0x22: {  	v4 =	vsel vm8, $0x606, v4;
	v2 =	vsel vm0, $0x689, v2;
	v3 =	vsel vm3, $0x688, v3  }
0x23: {  	v4 =	vsel vm7, $0x687, v4;
	v2 =	vsel vm1, $0x70A, v2;
	v3 =	vsel vm0, $0x709, v3  }
0x24: {  	v4 =	vsel vm3, $0x708, v4;
	v2 =	vsel vm2, $0x78B, v2;
	v3 =	vsel vm1, $0x78A, v3  }
0x25: {  	v4 =	vsel vm0, $0x789, v4;
	v2 =	vsel vm4, $0xC, v2;
	v3 =	vsel vm2, $0xB, v3  }
0x26: {  	v4 =	vsel vm1, $0xA, v4;
	v2 =	vsel vm5, $0x8D, v2;
	v3 =	vsel vm4, $0x8C, v3  }
0x27: {  	v6 =	vsel vm6, $0x10E, v2;
	v2 =	vsel vm5, $0x10D, v3;
	v3 =	vsel vm2, $0x8B, v4  }
0x28: {  	v7 =	vsel vm6, $0x18E, v2;
	v2 =	vsel vm4, $0x10C, v3;
	v3 =	vimm.s32 $0x30F  }
0x29: {  	v4 =	vimm.s32 $0x38F;
	v2 =	vsel vm5, $0x18D, v2;
	v3 =	vsel vm14, $0x380, v3  }
0x2a: {  	v8 =	vsel vm6, $0x20E, v2;
	v2 =	vsel vm13, $0x401, v3;
	v3 =	vsel vm14, $0x400, v4  }
0x2b: {  	v4 =	vimm.s32 $0x40F;
	v2 =	vsel vm12, $0x482, v2;
	v3 =	vsel vm13, $0x481, v3  }
0x2c: {  	v4 =	vsel vm14, $0x480, v4;
	v2 =	vsel vm11, $0x503, v2;
	v3 =	vsel vm12, $0x502, v3  }
0x2d: {  	v4 =	vsel vm13, $0x501, v4;
	v2 =	vsel vm10, $0x584, v2;
	v3 =	vsel vm11, $0x583, v3  }
0x2e: {  	v4 =	vsel vm12, $0x582, v4;
	v2 =	vsel vm9, $0x605, v2;
	v3 =	vsel vm10, $0x604, v3  }
0x2f: {  	v4 =	vsel vm11, $0x603, v4;
	v2 =	vsel vm8, $0x686, v2;
	v3 =	vsel vm9, $0x685, v3  }
0x30: {  	v4 =	vsel vm10, $0x684, v4;
	v2 =	vsel vm7, $0x707, v2;
	v3 =	vsel vm8, $0x706, v3  }
0x31: {  	v4 =	vsel vm9, $0x705, v4;
	v2 =	vsel vm3, $0x788, v2;
	v3 =	vsel vm7, $0x787, v3  }
0x32: {  	v4 =	vsel vm8, $0x786, v4;
	v2 =	vsel vm0, $0x9, v2;
	v3 =	vsel vm3, $0x8, v3  }
0x33: {  	v4 =	vsel vm7, $0x7, v4;
	v2 =	vsel vm1, $0x8A, v2;
	v3 =	vsel vm0, $0x89, v3  }
0x34: {  	v4 =	vsel vm3, $0x88, v4;
	v2 =	vsel vm2, $0x10B, v2;
	v3 =	vsel vm1, $0x10A, v3  }
0x35: {  	v4 =	vsel vm0, $0x109, v4;
	v2 =	vsel vm4, $0x18C, v2;
	v3 =	vsel vm2, $0x18B, v3  }
0x36: {  	v4 =	vsel vm1, $0x18A, v4;
	v2 =	vsel vm5, $0x20D, v2;
	v3 =	vsel vm4, $0x20C, v3  }
0x37: {  	v9 =	vsel vm6, $0x28E, v2;
	v2 =	vsel vm5, $0x28D, v3;
	v3 =	vsel vm2, $0x20B, v4  }
0x38: {  	v10 =	vsel vm6, $0x30E, v2;
	v2 =	vsel vm4, $0x28C, v3;
	v3 =	vimm.s32 $0x48F  }
0x39: {  	v4 =	vimm.s32 $0x50F;
	v2 =	vsel vm5, $0x30D, v2;
	v3 =	vsel vm14, $0x500, v3  }
0x3a: {  	v11 =	vsel vm6, $0x38E, v2;
	v2 =	vsel vm13, $0x581, v3;
	v3 =	vsel vm14, $0x580, v4  }
0x3b: {  	v4 =	vimm.s32 $0x58F;
	v2 =	vsel vm12, $0x602, v2;
	v3 =	vsel vm13, $0x601, v3  }
0x3c: {  	v4 =	vsel vm14, $0x600, v4;
	v2 =	vsel vm11, $0x683, v2;
	v3 =	vsel vm12, $0x682, v3  }
0x3d: {  	v4 =	vsel vm13, $0x681, v4;
	v2 =	vsel vm10, $0x704, v2;
	v3 =	vsel vm11, $0x703, v3  }
0x3e: {  	v4 =	vsel vm12, $0x702, v4;
	v2 =	vsel vm9, $0x785, v2;
	v3 =	vsel vm10, $0x784, v3  }
0x3f: {  	v4 =	vsel vm11, $0x783, v4;
	v2 =	vsel vm8, $0x6, v2;
	v3 =	vsel vm9, $0x5, v3  }
0x40: {  	v4 =	vsel vm10, $0x4, v4;
	v2 =	vsel vm7, $0x87, v2;
	v3 =	vsel vm8, $0x86, v3  }
0x41: {  	v4 =	vsel vm9, $0x85, v4;
	v2 =	vsel vm3, $0x108, v2;
	v3 =	vsel vm7, $0x107, v3  }
0x42: {  	v4 =	vsel vm8, $0x106, v4;
	v2 =	vsel vm0, $0x189, v2;
	v3 =	vsel vm3, $0x188, v3  }
0x43: {  	v4 =	vsel vm7, $0x187, v4;
	v2 =	vsel vm1, $0x20A, v2;
	v3 =	vsel vm0, $0x209, v3  }
0x44: {  	v4 =	vsel vm3, $0x208, v4;
	v2 =	vsel vm2, $0x28B, v2;
	v3 =	vsel vm1, $0x28A, v3  }
0x45: {  	v4 =	vsel vm0, $0x289, v4;
	v2 =	vsel vm4, $0x30C, v2;
	v3 =	vsel vm2, $0x30B, v3  }
0x46: {  	v4 =	vsel vm1, $0x30A, v4;
	v2 =	vsel vm5, $0x38D, v2;
	v3 =	vsel vm4, $0x38C, v3  }
0x47: {  	v12 =	vsel vm6, $0x40E, v2;
	v2 =	vsel vm5, $0x40D, v3;
	v3 =	vsel vm2, $0x38B, v4  }
0x48: {  	v13 =	vsel vm6, $0x48E, v2;
	v2 =	vsel vm4, $0x40C, v3;
	v3 =	vimm.s32 $0x60F  }
0x49: {  	v4 =	vimm.s32 $0x68F;
	v2 =	vsel vm5, $0x48D, v2;
	v3 =	vsel vm14, $0x680, v3  }
0x4a: {  	v14 =	vsel vm6, $0x50E, v2;
	v2 =	vsel vm13, $0x701, v3;
	v3 =	vsel vm14, $0x700, v4  }
0x4b: {  	v4 =	vimm.s32 $0x70F;
	v2 =	vsel vm12, $0x782, v2;
	v3 =	vsel vm13, $0x781, v3  }
0x4c: {  	v4 =	vsel vm14, $0x780, v4;
	v2 =	vsel vm11, $0x3, v2;
	v3 =	vsel vm12, $0x2, v3  }
0x4d: {  	v4 =	vsel vm13, $0x1, v4;
	v2 =	vsel vm10, $0x84, v2;
	v3 =	vsel vm11, $0x83, v3  }
0x4e: {  	v4 =	vsel vm12, $0x82, v4;
	v2 =	vsel vm9, $0x105, v2;
	v3 =	vsel vm10, $0x104, v3  }
0x4f: {  	v4 =	vsel vm11, $0x103, v4;
	v2 =	vsel vm8, $0x186, v2;
	v3 =	vsel vm9, $0x185, v3  }
0x50: {  	v4 =	vsel vm10, $0x184, v4;
	v2 =	vsel vm7, $0x207, v2;
	v3 =	vsel vm8, $0x206, v3  }
0x51: {  	v4 =	vsel vm9, $0x205, v4;
	v2 =	vsel vm3, $0x288, v2;
	v3 =	vsel vm7, $0x287, v3  }
0x52: {  	v4 =	vsel vm8, $0x286, v4;
	v2 =	vsel vm0, $0x309, v2;
	v3 =	vsel vm3, $0x308, v3  }
0x53: {  	v4 =	vsel vm7, $0x307, v4;
	v2 =	vsel vm1, $0x38A, v2;
	v3 =	vsel vm0, $0x389, v3  }
0x54: {  	v4 =	vsel vm3, $0x388, v4;
	v2 =	vsel vm2, $0x40B, v2;
	v3 =	vsel vm1, $0x40A, v3  }
0x55: {  	v4 =	vsel vm0, $0x409, v4;
	v2 =	vsel vm4, $0x48C, v2;
	v3 =	vsel vm2, $0x48B, v3  }
0x56: {  	v4 =	vsel vm1, $0x48A, v4;
	v2 =	vsel vm5, $0x50D, v2;
	v3 =	vsel vm4, $0x50C, v3  }
0x57: {  	v15 =	vsel vm6, $0x58E, v2;
	v2 =	vsel vm5, $0x58D, v3;
	v3 =	vsel vm2, $0x50B, v4  }
0x58: {  	v16 =	vsel vm6, $0x60E, v2;
	v2 =	vsel vm4, $0x58C, v3;
	v3 =	vimm.s32 $0xFEDCBA9  }
0x59: {  	v4 =	vimm.s32 $0x87654321;
	v2 =	vsel vm5, $0x60D, v2;
	v3 =	vunpack.c.l.s4.s8 v3  }
0x5a: {  	s0 =	rddreg [dreg:$0x0];
	s3 =	stileid.u32;
	v25 =	vimm.s32 $0xCBA98765;
	v17 =	vsel vm6, $0x68E, v2;
	v2 =	vunpack.c.l.s4.s8 v4  }
0x5b: {  	s4 =	simm.s32 $0x0;
	s1 =	srdreg.scid;
	s11 =	simm.s32 $0xC80;
	v28 =	vimm.s32 $0x543210FE;
	v4 =	vimm.s32 $0x10FEDCBA;
	v18 =	vunpack.c.0.s8.s32 v3  }
0x5c: {  	s12 =	simm.s32 $0x1900;
	s15 =	simm.s32 $0x80;
	s24 =	simm.s32 $0x3;
	v3 =	vimm.s32 $0x98765432;
	v19 =	vunpack.c.0.s8.s32 v2;
	v2 =	vunpack.c.l.s4.s8 v4  }
0x5d: {  	s31 =	simm.s32 $0xB100;
	s9 =	simm.s32 $0xC100;
	s10 =	simm.s32 $0xC900;
	v4 =	vimm.s32 $0xA9876543;
	v3 =	vunpack.c.l.s4.s8 v3  }
0x5e: {  	s13 =	simm.s32 $0x1800;
	s14 =	simm.s32 $0xD100;
	s16 =	simm.s32 $0xD900;
	v22 =	vunpack.c.l.s4.s8 v20;
	v20 =	vunpack.c.0.s8.s32 v2;
	v2 =	vunpack.c.l.s4.s8 v4  }
0x5f: {  	v29 =	vimm.s32 $0xDCBA9876;
	v30 =	vimm.s32 $0xEDCBA987;
	s17 =	simm.s32 $0x1;
	s18 =	simm.s32 $0xE100;
	s19 =	simm.s32 $0x400;
	v21 =	vunpack.c.0.s8.s32 v3  }
0x60: {  	s20 =	simm.s32 $0x20000;
	s23 =	simm.s32 $0x0;
	s2 =	sshll.u32 s3, $0x1;
	v3 =	vimm.s32 $0x43210FED;
	v23 =	vunpack.c.0.s8.s32 v2;
	v2 =	vunpack.c.l.s4.s8 v24  }
0x61: {  	[smem:$0x7FF] =	sst s4;
	s1 =	sand.u32 $0x1, s1;
	v29 =	vunpack.c.l.s4.s8 v29;
	v32 =	vunpack.c.l.s4.s8 v30;
	s2 =	sand.u32 $0x2, s2;
	v3 =	vunpack.c.l.s4.s8 v3  }
0x62: {  	s3 =	sshll.u32 s3, $0xA;
	s4 =	sadd.s32 $0xC00, s0;
	s2 =	sor.u32 s1, s2;
	v4 =	vimm.s32 $0xBA987654;
	v24 =	vunpack.c.0.s8.s32 v2;
	v2 =	vunpack.c.l.s4.s8 v25  }
0x63: {  	s5 =	sadd.s32 $0x32C00, s0;
	s26 =	sand.u32 $0x3800, s3;
	s6 =	smul.u32 $0x64000, s2;
	v4 =	vunpack.c.l.s4.s8 v4;
	v26 =	vunpack.c.0.s8.s32 v3;
	v3 =	vimm.s32 $0xFEDCBA98  }
0x64: {  	s3 =	simm.s32 $0x1880;
	s1 =	ssub.s32 $0x2, s1;
	s2 =	smul.u32 $0x640000, s2;
	v3 =	vunpack.c.l.s4.s8 v3;
	v27 =	vunpack.c.0.s8.s32 v2;
	v2 =	vimm.s32 $0x76543210  }
0x65: {  	s0 =	sshll.u32 s26, $0x3;
	v22 =	vunpack.c.0.s8.s32 v22;
	s28 =	sshrl.u32 s1, $0x1;
	s6 =	sor.u32 s26, s6;
	v25 =	vunpack.c.0.s8.s32 v4;
	v2 =	vunpack.c.l.s4.s8 v2  }
0x66: {  	s1 =	ssub.s32 s1, s28;
	s8 =	sor.u32 s2, s0;
	s7 =	sshrl.u32 s6, $0x3;
	v4 =	vunpack.c.l.s4.s8 v28;
	v28 =	vimm.s32 $0x6543210F;
	v3 =	vunpack.c.0.s8.s32 v3  }
0x67: {  	v29 =	vunpack.c.0.s8.s32 v29;
	s30 =	smax.u32 s1, $0x1;
	s0 =	simm.s32 $0x1680;
	s29 =	sadd.s32 s4, s7;
	v31 =	vunpack.c.l.s4.s8 v28;
	v2 =	vunpack.c.0.s8.s32 v2  }
0x68: {  	v1 =	vmul.u32 $0x19, v0;
	s2 =	simm.s32 $0xB900;
	_ =	strace $0x80000047;
	[dreg:$0x3] =	wrdreg s29;
	v28 =	vunpack.c.0.s8.s32 v4;
	v3 =	vand.u32 $0xF, v3  }
0x69: {  	s1 =	simm.s32 $0x1780;
	s7 =	simm.s32 $0x1700;
	[dreg:$0x4] =	wrdreg s30;
	v30 =	vunpack.c.0.s8.s32 v31;
	v31 =	vunpack.c.0.s8.s32 v32;
	v32 =	vcombine.low v3, v2  }
.LBB2_1:
0x6a: {  	s21 =	simm.s32 $0x0;
	s22 =	rddreg [dreg:$0x3];
	s30 =	simm.s32 $0x4000  }
0x6b: {  	[tilespmem:s21], [sflag:$0x3] =	stream.strided.gather [hbm4b:s22+s15], $0xC80, s30, s15, $0x38;
	[tilespmem:$0x1A900] =	vst v63  }
0x6c: {  	[dreg:$0x5] =	wrdreg s23;
	s22 =	simm.s32 $0x0  }
.LBB2_2:
0x6d: {  	_ =	swait.ge [sflag:s24], $0xC80  }
0x6e: {  	[sflag:s24] =	ssyncset.done $0x0  }
0x6f: {  	s21 =	simm.s32 $0x0;
	[sflag:s24] =	ssyncadd.s32 $0xFFFFF380  }
0x70: {  	s23 =	simm.s32 $0x1;
	s25 =	simm.s32 $0x0;
	v2 =	vld [tilespmem:s21+$0x0]  }
.LBB2_3:
0x71: {  	p0 =	sne.s32 s23, $0x18;
	_ =	sdelay $0x3  }
0x72: {  	v3 =	vmul.f32 $1.000000000e+05, v2;
	_ =	sdelay $0x1  }
0x73: {  	v3 =	vtrunc.f32 v3  }
0x74: {  	v3 =	vcvt.f32.s32 v3;
	_ =	sdelay $0x1  }
0x75: {  	v4 =	vadd.s32 $0x2, v3  }
0x76: {  	v34 =	vadd.s32 $0x1, v3;
	v33 =	vcvt.s32.f32 v4  }
0x77: {  	v35 =	vcvt.s32.f32 v34  }
0x78: {  	v36 =	vcvt.s32.f32 v3;
	v37 =	vadd.s32 $0xFFFFFFFF, v3;
	v33 =	vmul.f32 $9.999999740e-06, v33  }
0x79: {  	v38 =	vcvt.s32.f32 v37;
	v35 =	vmul.f32 $9.999999740e-06, v35  }
0x7a: {  	v39 =	vadd.s32 $0x3, v3;
	vm0 =	vge.f32 v33, v2;
	v33 =	vmul.f32 $9.999999740e-06, v36  }
0x7b: {  	v4 =	vsel vm0, v4, v39;
	vm0 =	vge.f32 v35, v2;
	v35 =	vmul.f32 $9.999999740e-06, v38  }
0x7c: {  	v4 =	vsel vm0, v34, v4;
	vm0 =	vge.f32 v33, v2  }
0x7d: {  	v3 =	vsel vm0, v3, v4;
	vm0 =	vge.f32 v35, v2  }
0x7e: {  	v2 =	vadd.s32 s21, v1;
	s21 =	smov.u32 s23;
	v3 =	vsel vm0, v37, v3  }
0x7f: {  	vm0 =	vgt.s32 v3, $0x0  }
.Ltmp0:
0x80: {  	v3 =	vnsel vm0, $0x0, v3;
	(pc) =	sbr.rel @p0 .LBB2_3-.Ltmp0, $4  }
0x81: {  	v3 =	vmin.u32 v3, $0x186A0  }
0x82: {  	v3 =	vadd.s32 $0x2, v3  }
0x83: {  	s25 =	sadd.s32 $0x80, s25;
	[tilespmem:v2+s11+$0x0] =	vst.idx.msk $0xffff, v3  }
0x84: {  	s23 =	sadd.s32 $0x1, s23;
	v2 =	vld [tilespmem:s25+$0x0]  }
0x85: {  	_ =	sdelay $0x3  }
0x86: {  	v3 =	vmul.f32 $1.000000000e+05, v2;
	_ =	sdelay $0x1  }
0x87: {  	v3 =	vtrunc.f32 v3  }
0x88: {  	v3 =	vcvt.f32.s32 v3;
	_ =	sdelay $0x1  }
0x89: {  	v4 =	vadd.s32 $0x2, v3  }
0x8a: {  	v34 =	vadd.s32 $0x1, v3;
	v33 =	vcvt.s32.f32 v4  }
0x8b: {  	v35 =	vcvt.s32.f32 v34  }
0x8c: {  	v36 =	vcvt.s32.f32 v3;
	v37 =	vadd.s32 $0xFFFFFFFF, v3;
	v33 =	vmul.f32 $9.999999740e-06, v33  }
0x8d: {  	v38 =	vcvt.s32.f32 v37;
	v35 =	vmul.f32 $9.999999740e-06, v35  }
0x8e: {  	v39 =	vadd.s32 $0x3, v3;
	v62 =	vmul.f32 $9.999999740e-06, v36;
	vm0 =	vge.f32 v33, v2  }
0x8f: {  	v63 =	vmul.f32 $9.999999740e-06, v38;
	vm13 =	vge.f32 v35, v2;
	v4 =	vsel vm0, v4, v39  }
0x90: {  	vm14 =	vge.f32 v62, v2;
	v4 =	vsel vm13, v34, v4  }
0x91: {  	vm15 =	vge.f32 v63, v2;
	v3 =	vsel vm14, v3, v4  }
0x92: {  	v2 =	vadd.s32 s21, v1;
	v3 =	vsel vm15, v37, v3  }
0x93: {  	vm0 =	vgt.s32 v3, $0x0  }
0x94: {  	v3 =	vnsel vm0, $0x0, v3  }
0x95: {  	v3 =	vmin.u32 v3, $0x186A0  }
0x96: {  	v3 =	vadd.s32 $0x2, v3  }
0x97: {  	[tilespmem:v2+s11+$0x0] =	vst.idx.msk $0xffff, v3  }
0x98: {  	[tilespmem:s12], [sflag:$0x1] =	stream.indirect.gather [hbm4b:s5+s15], $0x10, s11, s15, $0xb8;
	[tilespmem:$0x1A900] =	vst v63  }
0x99: {  	s28 =	simm.s32 $0xD00;
	s23 =	simm.s32 $0x2100  }
0x9a: {  	[tilespmem:s23], [sflag:$0x1] =	stream.indirect.gather [hbm4b:s5+s15], $0x10, s28, s15, $0xb8;
	[tilespmem:$0x1A900] =	vst v63  }
0x9b: {  	s29 =	simm.s32 $0xD80;
	s30 =	simm.s32 $0x2900;
	s23 =	simm.s32 $0x10  }
0x9c: {  	[tilespmem:s30], [sflag:$0x1] =	stream.indirect.gather [hbm4b:s5+s15], $0x10, s29, s15, $0xb8;
	[tilespmem:$0x1A900] =	vst v63  }
0x9d: {  	s25 =	simm.s32 $0x191;
	s21 =	simm.s32 $0x190;
	v2 =	vld [tilespmem:s23+$0x0]  }
.LBB2_5:
0x9e: {  	p0 =	sne.s32 s25, $0x1A8;
	_ =	sdelay $0x3  }
0x9f: {  	v3 =	vmul.f32 $1.000000000e+05, v2;
	_ =	sdelay $0x1  }
0xa0: {  	v3 =	vtrunc.f32 v3  }
0xa1: {  	v3 =	vcvt.f32.s32 v3;
	_ =	sdelay $0x1  }
0xa2: {  	v4 =	vadd.s32 $0x2, v3  }
0xa3: {  	v34 =	vadd.s32 $0x1, v3;
	v33 =	vcvt.s32.f32 v4  }
0xa4: {  	v35 =	vcvt.s32.f32 v34  }
0xa5: {  	v36 =	vcvt.s32.f32 v3;
	v37 =	vadd.s32 $0xFFFFFFFF, v3;
	v33 =	vmul.f32 $9.999999740e-06, v33  }
0xa6: {  	v38 =	vcvt.s32.f32 v37;
	v35 =	vmul.f32 $9.999999740e-06, v35  }
0xa7: {  	v39 =	vadd.s32 $0x3, v3;
	vm0 =	vge.f32 v33, v2;
	v33 =	vmul.f32 $9.999999740e-06, v36  }
0xa8: {  	v4 =	vsel vm0, v4, v39;
	vm0 =	vge.f32 v35, v2;
	v35 =	vmul.f32 $9.999999740e-06, v38  }
0xa9: {  	v4 =	vsel vm0, v34, v4;
	vm0 =	vge.f32 v33, v2  }
0xaa: {  	v3 =	vsel vm0, v3, v4;
	vm0 =	vge.f32 v35, v2  }
0xab: {  	v2 =	vadd.s32 s21, v1;
	s21 =	smov.u32 s25;
	v3 =	vsel vm0, v37, v3  }
0xac: {  	vm0 =	vgt.s32 v3, $0x0  }
.Ltmp1:
0xad: {  	v3 =	vnsel vm0, $0x0, v3;
	(pc) =	sbr.rel @p0 .LBB2_5-.Ltmp1, $4  }
0xae: {  	v3 =	vmin.u32 v3, $0x186A0  }
0xaf: {  	v3 =	vadd.s32 $0x2, v3  }
0xb0: {  	s23 =	sadd.s32 $0x80, s23;
	[tilespmem:v2+s11+$0x0] =	vst.idx.msk $0xffff, v3  }
0xb1: {  	s25 =	sadd.s32 $0x1, s25;
	v2 =	vld [tilespmem:s23+$0x0]  }
0xb2: {  	_ =	sdelay $0x3  }
0xb3: {  	v3 =	vmul.f32 $1.000000000e+05, v2;
	_ =	sdelay $0x1  }
0xb4: {  	v3 =	vtrunc.f32 v3  }
0xb5: {  	v3 =	vcvt.f32.s32 v3;
	_ =	sdelay $0x1  }
0xb6: {  	v4 =	vadd.s32 $0x2, v3  }
0xb7: {  	v34 =	vadd.s32 $0x1, v3;
	v33 =	vcvt.s32.f32 v4  }
0xb8: {  	v35 =	vcvt.s32.f32 v34  }
0xb9: {  	v36 =	vcvt.s32.f32 v3;
	v37 =	vadd.s32 $0xFFFFFFFF, v3;
	v33 =	vmul.f32 $9.999999740e-06, v33  }
0xba: {  	v38 =	vcvt.s32.f32 v37;
	v35 =	vmul.f32 $9.999999740e-06, v35  }
0xbb: {  	v39 =	vadd.s32 $0x3, v3;
	v62 =	vmul.f32 $9.999999740e-06, v36;
	vm0 =	vge.f32 v33, v2  }
0xbc: {  	v63 =	vmul.f32 $9.999999740e-06, v38;
	vm13 =	vge.f32 v35, v2;
	v4 =	vsel vm0, v4, v39  }
0xbd: {  	vm14 =	vge.f32 v62, v2;
	v4 =	vsel vm13, v34, v4  }
0xbe: {  	vm15 =	vge.f32 v63, v2;
	v3 =	vsel vm14, v3, v4  }
0xbf: {  	v2 =	vadd.s32 s21, v1;
	v3 =	vsel vm15, v37, v3  }
0xc0: {  	vm0 =	vgt.s32 v3, $0x0  }
0xc1: {  	v3 =	vnsel vm0, $0x0, v3  }
0xc2: {  	v3 =	vmin.u32 v3, $0x186A0  }
0xc3: {  	v3 =	vadd.s32 $0x2, v3  }
0xc4: {  	s25 =	simm.s32 $0xE00;
	s23 =	simm.s32 $0x3100;
	[tilespmem:v2+s11+$0x0] =	vst.idx.msk $0xffff, v3  }
0xc5: {  	[tilespmem:s23], [sflag:$0x1] =	stream.indirect.gather [hbm4b:s5+s15], $0x10, s25, s15, $0xb8;
	[tilespmem:$0x1A900] =	vst v63  }
0xc6: {  	s26 =	simm.s32 $0xE80;
	s28 =	simm.s32 $0x3900  }
0xc7: {  	[tilespmem:s28], [sflag:$0x1] =	stream.indirect.gather [hbm4b:s5+s15], $0x10, s26, s15, $0xb8;
	[tilespmem:$0x1A900] =	vst v63  }
0xc8: {  	s29 =	simm.s32 $0xF00;
	s30 =	simm.s32 $0x4100;
	s23 =	simm.s32 $0x20  }
0xc9: {  	[tilespmem:s30], [sflag:$0x1] =	stream.indirect.gather [hbm4b:s5+s15], $0x10, s29, s15, $0xb8;
	[tilespmem:$0x1A900] =	vst v63  }
0xca: {  	s21 =	simm.s32 $0x320;
	s25 =	simm.s32 $0x321;
	v2 =	vld [tilespmem:s23+$0x0]  }
.LBB2_7:
0xcb: {  	p0 =	sne.s32 s25, $0x338;
	_ =	sdelay $0x3  }
0xcc: {  	v3 =	vmul.f32 $1.000000000e+05, v2;
	_ =	sdelay $0x1  }
0xcd: {  	v3 =	vtrunc.f32 v3  }
0xce: {  	v3 =	vcvt.f32.s32 v3;
	_ =	sdelay $0x1  }
0xcf: {  	v4 =	vadd.s32 $0x2, v3  }
0xd0: {  	v34 =	vadd.s32 $0x1, v3;
	v33 =	vcvt.s32.f32 v4  }
0xd1: {  	v35 =	vcvt.s32.f32 v34  }
0xd2: {  	v36 =	vcvt.s32.f32 v3;
	v37 =	vadd.s32 $0xFFFFFFFF, v3;
	v33 =	vmul.f32 $9.999999740e-06, v33  }
0xd3: {  	v38 =	vcvt.s32.f32 v37;
	v35 =	vmul.f32 $9.999999740e-06, v35  }
0xd4: {  	v39 =	vadd.s32 $0x3, v3;
	vm0 =	vge.f32 v33, v2;
	v33 =	vmul.f32 $9.999999740e-06, v36  }
0xd5: {  	v4 =	vsel vm0, v4, v39;
	vm0 =	vge.f32 v35, v2;
	v35 =	vmul.f32 $9.999999740e-06, v38  }
0xd6: {  	v4 =	vsel vm0, v34, v4;
	vm0 =	vge.f32 v33, v2  }
0xd7: {  	v3 =	vsel vm0, v3, v4;
	vm0 =	vge.f32 v35, v2  }
0xd8: {  	v2 =	vadd.s32 s21, v1;
	s21 =	smov.u32 s25;
	v3 =	vsel vm0, v37, v3  }
0xd9: {  	vm0 =	vgt.s32 v3, $0x0  }
.Ltmp2:
0xda: {  	v3 =	vnsel vm0, $0x0, v3;
	(pc) =	sbr.rel @p0 .LBB2_7-.Ltmp2, $4  }
0xdb: {  	v3 =	vmin.u32 v3, $0x186A0  }
0xdc: {  	v3 =	vadd.s32 $0x2, v3  }
0xdd: {  	s23 =	sadd.s32 $0x80, s23;
	[tilespmem:v2+s11+$0x0] =	vst.idx.msk $0xffff, v3  }
0xde: {  	s25 =	sadd.s32 $0x1, s25;
	v2 =	vld [tilespmem:s23+$0x0]  }
0xdf: {  	_ =	sdelay $0x3  }
0xe0: {  	v3 =	vmul.f32 $1.000000000e+05, v2;
	_ =	sdelay $0x1  }
0xe1: {  	v3 =	vtrunc.f32 v3  }
0xe2: {  	v3 =	vcvt.f32.s32 v3;
	_ =	sdelay $0x1  }
0xe3: {  	v4 =	vadd.s32 $0x2, v3  }
0xe4: {  	v34 =	vadd.s32 $0x1, v3;
	v33 =	vcvt.s32.f32 v4  }
0xe5: {  	v35 =	vcvt.s32.f32 v34  }
0xe6: {  	v36 =	vcvt.s32.f32 v3;
	v37 =	vadd.s32 $0xFFFFFFFF, v3;
	v33 =	vmul.f32 $9.999999740e-06, v33  }
0xe7: {  	v38 =	vcvt.s32.f32 v37;
	v35 =	vmul.f32 $9.999999740e-06, v35  }
0xe8: {  	v39 =	vadd.s32 $0x3, v3;
	v62 =	vmul.f32 $9.999999740e-06, v36;
	vm0 =	vge.f32 v33, v2  }
0xe9: {  	v63 =	vmul.f32 $9.999999740e-06, v38;
	vm13 =	vge.f32 v35, v2;
	v4 =	vsel vm0, v4, v39  }
0xea: {  	vm14 =	vge.f32 v62, v2;
	v4 =	vsel vm13, v34, v4  }
0xeb: {  	vm15 =	vge.f32 v63, v2;
	v3 =	vsel vm14, v3, v4  }
0xec: {  	v2 =	vadd.s32 s21, v1;
	v3 =	vsel vm15, v37, v3  }
0xed: {  	vm0 =	vgt.s32 v3, $0x0  }
0xee: {  	v3 =	vnsel vm0, $0x0, v3  }
0xef: {  	v3 =	vmin.u32 v3, $0x186A0  }
0xf0: {  	v3 =	vadd.s32 $0x2, v3  }
0xf1: {  	s25 =	simm.s32 $0xF80;
	s23 =	simm.s32 $0x4900;
	[tilespmem:v2+s11+$0x0] =	vst.idx.msk $0xffff, v3  }
0xf2: {  	[tilespmem:s23], [sflag:$0x1] =	stream.indirect.gather [hbm4b:s5+s15], $0x10, s25, s15, $0xb8;
	[tilespmem:$0x1A900] =	vst v63  }
0xf3: {  	s26 =	simm.s32 $0x1000;
	s28 =	simm.s32 $0x5100  }
0xf4: {  	[tilespmem:s28], [sflag:$0x1] =	stream.indirect.gather [hbm4b:s5+s15], $0x10, s26, s15, $0xb8;
	[tilespmem:$0x1A900] =	vst v63  }
0xf5: {  	s29 =	simm.s32 $0x1080;
	s30 =	simm.s32 $0x5900;
	s23 =	simm.s32 $0x30  }
0xf6: {  	[tilespmem:s30], [sflag:$0x1] =	stream.indirect.gather [hbm4b:s5+s15], $0x10, s29, s15, $0xb8;
	[tilespmem:$0x1A900] =	vst v63  }
0xf7: {  	s21 =	simm.s32 $0x4B0;
	s25 =	simm.s32 $0x4B1;
	v2 =	vld [tilespmem:s23+$0x0]  }
.LBB2_9:
0xf8: {  	p0 =	sne.s32 s25, $0x4C8;
	_ =	sdelay $0x3  }
0xf9: {  	v3 =	vmul.f32 $1.000000000e+05, v2;
	_ =	sdelay $0x1  }
0xfa: {  	v3 =	vtrunc.f32 v3  }
0xfb: {  	v3 =	vcvt.f32.s32 v3;
	_ =	sdelay $0x1  }
0xfc: {  	v4 =	vadd.s32 $0x2, v3  }
0xfd: {  	v34 =	vadd.s32 $0x1, v3;
	v33 =	vcvt.s32.f32 v4  }
0xfe: {  	v35 =	vcvt.s32.f32 v34  }
0xff: {  	v36 =	vcvt.s32.f32 v3;
	v37 =	vadd.s32 $0xFFFFFFFF, v3;
	v33 =	vmul.f32 $9.999999740e-06, v33  }
0x100: {  	v38 =	vcvt.s32.f32 v37;
	v35 =	vmul.f32 $9.999999740e-06, v35  }
0x101: {  	v39 =	vadd.s32 $0x3, v3;
	vm0 =	vge.f32 v33, v2;
	v33 =	vmul.f32 $9.999999740e-06, v36  }
0x102: {  	v4 =	vsel vm0, v4, v39;
	vm0 =	vge.f32 v35, v2;
	v35 =	vmul.f32 $9.999999740e-06, v38  }
0x103: {  	v4 =	vsel vm0, v34, v4;
	vm0 =	vge.f32 v33, v2  }
0x104: {  	v3 =	vsel vm0, v3, v4;
	vm0 =	vge.f32 v35, v2  }
0x105: {  	v2 =	vadd.s32 s21, v1;
	s21 =	smov.u32 s25;
	v3 =	vsel vm0, v37, v3  }
0x106: {  	vm0 =	vgt.s32 v3, $0x0  }
.Ltmp3:
0x107: {  	v3 =	vnsel vm0, $0x0, v3;
	(pc) =	sbr.rel @p0 .LBB2_9-.Ltmp3, $4  }
0x108: {  	v3 =	vmin.u32 v3, $0x186A0  }
0x109: {  	v3 =	vadd.s32 $0x2, v3  }
0x10a: {  	s23 =	sadd.s32 $0x80, s23;
	[tilespmem:v2+s11+$0x0] =	vst.idx.msk $0xffff, v3  }
0x10b: {  	s25 =	sadd.s32 $0x1, s25;
	v2 =	vld [tilespmem:s23+$0x0]  }
0x10c: {  	_ =	sdelay $0x3  }
0x10d: {  	v3 =	vmul.f32 $1.000000000e+05, v2;
	_ =	sdelay $0x1  }
0x10e: {  	v3 =	vtrunc.f32 v3  }
0x10f: {  	v3 =	vcvt.f32.s32 v3;
	_ =	sdelay $0x1  }
0x110: {  	v4 =	vadd.s32 $0x2, v3  }
0x111: {  	v34 =	vadd.s32 $0x1, v3;
	v33 =	vcvt.s32.f32 v4  }
0x112: {  	v35 =	vcvt.s32.f32 v34  }
0x113: {  	v36 =	vcvt.s32.f32 v3;
	v37 =	vadd.s32 $0xFFFFFFFF, v3;
	v33 =	vmul.f32 $9.999999740e-06, v33  }
0x114: {  	v38 =	vcvt.s32.f32 v37;
	v35 =	vmul.f32 $9.999999740e-06, v35  }
0x115: {  	v39 =	vadd.s32 $0x3, v3;
	v62 =	vmul.f32 $9.999999740e-06, v36;
	vm0 =	vge.f32 v33, v2  }
0x116: {  	v63 =	vmul.f32 $9.999999740e-06, v38;
	vm13 =	vge.f32 v35, v2;
	v4 =	vsel vm0, v4, v39  }
0x117: {  	vm14 =	vge.f32 v62, v2;
	v4 =	vsel vm13, v34, v4  }
0x118: {  	vm15 =	vge.f32 v63, v2;
	v3 =	vsel vm14, v3, v4  }
0x119: {  	v2 =	vadd.s32 s21, v1;
	v3 =	vsel vm15, v37, v3  }
0x11a: {  	vm0 =	vgt.s32 v3, $0x0  }
0x11b: {  	v3 =	vnsel vm0, $0x0, v3  }
0x11c: {  	v3 =	vmin.u32 v3, $0x186A0  }
0x11d: {  	v3 =	vadd.s32 $0x2, v3  }
0x11e: {  	s25 =	simm.s32 $0x1100;
	s23 =	simm.s32 $0x6100;
	[tilespmem:v2+s11+$0x0] =	vst.idx.msk $0xffff, v3  }
0x11f: {  	[tilespmem:s23], [sflag:$0x1] =	stream.indirect.gather [hbm4b:s5+s15], $0x10, s25, s15, $0xb8;
	[tilespmem:$0x1A900] =	vst v63  }
0x120: {  	s26 =	simm.s32 $0x1180;
	s28 =	simm.s32 $0x6900  }
0x121: {  	[tilespmem:s28], [sflag:$0x1] =	stream.indirect.gather [hbm4b:s5+s15], $0x10, s26, s15, $0xb8;
	[tilespmem:$0x1A900] =	vst v63  }
0x122: {  	s29 =	simm.s32 $0x1200;
	s30 =	simm.s32 $0x7100;
	s23 =	simm.s32 $0x40  }
0x123: {  	[tilespmem:s30], [sflag:$0x1] =	stream.indirect.gather [hbm4b:s5+s15], $0x10, s29, s15, $0xb8;
	[tilespmem:$0x1A900] =	vst v63  }
0x124: {  	s21 =	simm.s32 $0x640;
	s25 =	simm.s32 $0x641;
	v2 =	vld [tilespmem:s23+$0x0]  }
.LBB2_11:
0x125: {  	p0 =	sne.s32 s25, $0x658;
	_ =	sdelay $0x3  }
0x126: {  	v3 =	vmul.f32 $1.000000000e+05, v2;
	_ =	sdelay $0x1  }
0x127: {  	v3 =	vtrunc.f32 v3  }
0x128: {  	v3 =	vcvt.f32.s32 v3;
	_ =	sdelay $0x1  }
0x129: {  	v4 =	vadd.s32 $0x2, v3  }
0x12a: {  	v34 =	vadd.s32 $0x1, v3;
	v33 =	vcvt.s32.f32 v4  }
0x12b: {  	v35 =	vcvt.s32.f32 v34  }
0x12c: {  	v36 =	vcvt.s32.f32 v3;
	v37 =	vadd.s32 $0xFFFFFFFF, v3;
	v33 =	vmul.f32 $9.999999740e-06, v33  }
0x12d: {  	v38 =	vcvt.s32.f32 v37;
	v35 =	vmul.f32 $9.999999740e-06, v35  }
0x12e: {  	v39 =	vadd.s32 $0x3, v3;
	vm0 =	vge.f32 v33, v2;
	v33 =	vmul.f32 $9.999999740e-06, v36  }
0x12f: {  	v4 =	vsel vm0, v4, v39;
	vm0 =	vge.f32 v35, v2;
	v35 =	vmul.f32 $9.999999740e-06, v38  }
0x130: {  	v4 =	vsel vm0, v34, v4;
	vm0 =	vge.f32 v33, v2  }
0x131: {  	v3 =	vsel vm0, v3, v4;
	vm0 =	vge.f32 v35, v2  }
0x132: {  	v2 =	vadd.s32 s21, v1;
	s21 =	smov.u32 s25;
	v3 =	vsel vm0, v37, v3  }
0x133: {  	vm0 =	vgt.s32 v3, $0x0  }
.Ltmp4:
0x134: {  	v3 =	vnsel vm0, $0x0, v3;
	(pc) =	sbr.rel @p0 .LBB2_11-.Ltmp4, $4  }
0x135: {  	v3 =	vmin.u32 v3, $0x186A0  }
0x136: {  	v3 =	vadd.s32 $0x2, v3  }
0x137: {  	s23 =	sadd.s32 $0x80, s23;
	[tilespmem:v2+s11+$0x0] =	vst.idx.msk $0xffff, v3  }
0x138: {  	s25 =	sadd.s32 $0x1, s25;
	v2 =	vld [tilespmem:s23+$0x0]  }
0x139: {  	_ =	sdelay $0x3  }
0x13a: {  	v3 =	vmul.f32 $1.000000000e+05, v2;
	_ =	sdelay $0x1  }
0x13b: {  	v3 =	vtrunc.f32 v3  }
0x13c: {  	v3 =	vcvt.f32.s32 v3;
	_ =	sdelay $0x1  }
0x13d: {  	v4 =	vadd.s32 $0x2, v3  }
0x13e: {  	v34 =	vadd.s32 $0x1, v3;
	v33 =	vcvt.s32.f32 v4  }
0x13f: {  	v35 =	vcvt.s32.f32 v34  }
0x140: {  	v36 =	vcvt.s32.f32 v3;
	v37 =	vadd.s32 $0xFFFFFFFF, v3;
	v33 =	vmul.f32 $9.999999740e-06, v33  }
0x141: {  	v38 =	vcvt.s32.f32 v37;
	v35 =	vmul.f32 $9.999999740e-06, v35  }
0x142: {  	v39 =	vadd.s32 $0x3, v3;
	v62 =	vmul.f32 $9.999999740e-06, v36;
	vm0 =	vge.f32 v33, v2  }
0x143: {  	v63 =	vmul.f32 $9.999999740e-06, v38;
	vm13 =	vge.f32 v35, v2;
	v4 =	vsel vm0, v4, v39  }
0x144: {  	vm14 =	vge.f32 v62, v2;
	v4 =	vsel vm13, v34, v4  }
0x145: {  	vm15 =	vge.f32 v63, v2;
	v3 =	vsel vm14, v3, v4  }
0x146: {  	v2 =	vadd.s32 s21, v1;
	v3 =	vsel vm15, v37, v3  }
0x147: {  	vm0 =	vgt.s32 v3, $0x0  }
0x148: {  	v3 =	vnsel vm0, $0x0, v3  }
0x149: {  	v3 =	vmin.u32 v3, $0x186A0  }
0x14a: {  	v3 =	vadd.s32 $0x2, v3  }
0x14b: {  	s25 =	simm.s32 $0x1280;
	s23 =	simm.s32 $0x7900;
	[tilespmem:v2+s11+$0x0] =	vst.idx.msk $0xffff, v3  }
0x14c: {  	[tilespmem:s23], [sflag:$0x1] =	stream.indirect.gather [hbm4b:s5+s15], $0x10, s25, s15, $0xb8;
	[tilespmem:$0x1A900] =	vst v63  }
0x14d: {  	s26 =	simm.s32 $0x1300;
	s28 =	simm.s32 $0x8100  }
0x14e: {  	[tilespmem:s28], [sflag:$0x1] =	stream.indirect.gather [hbm4b:s5+s15], $0x10, s26, s15, $0xb8;
	[tilespmem:$0x1A900] =	vst v63  }
0x14f: {  	s29 =	simm.s32 $0x1380;
	s30 =	simm.s32 $0x8900;
	s23 =	simm.s32 $0x50  }
0x150: {  	[tilespmem:s30], [sflag:$0x1] =	stream.indirect.gather [hbm4b:s5+s15], $0x10, s29, s15, $0xb8;
	[tilespmem:$0x1A900] =	vst v63  }
0x151: {  	s21 =	simm.s32 $0x7D0;
	s25 =	simm.s32 $0x7D1;
	v2 =	vld [tilespmem:s23+$0x0]  }
.LBB2_13:
0x152: {  	p0 =	sne.s32 s25, $0x7E8;
	_ =	sdelay $0x3  }
0x153: {  	v3 =	vmul.f32 $1.000000000e+05, v2;
	_ =	sdelay $0x1  }
0x154: {  	v3 =	vtrunc.f32 v3  }
0x155: {  	v3 =	vcvt.f32.s32 v3;
	_ =	sdelay $0x1  }
0x156: {  	v4 =	vadd.s32 $0x2, v3  }
0x157: {  	v34 =	vadd.s32 $0x1, v3;
	v33 =	vcvt.s32.f32 v4  }
0x158: {  	v35 =	vcvt.s32.f32 v34  }
0x159: {  	v36 =	vcvt.s32.f32 v3;
	v37 =	vadd.s32 $0xFFFFFFFF, v3;
	v33 =	vmul.f32 $9.999999740e-06, v33  }
0x15a: {  	v38 =	vcvt.s32.f32 v37;
	v35 =	vmul.f32 $9.999999740e-06, v35  }
0x15b: {  	v39 =	vadd.s32 $0x3, v3;
	vm0 =	vge.f32 v33, v2;
	v33 =	vmul.f32 $9.999999740e-06, v36  }
0x15c: {  	v4 =	vsel vm0, v4, v39;
	vm0 =	vge.f32 v35, v2;
	v35 =	vmul.f32 $9.999999740e-06, v38  }
0x15d: {  	v4 =	vsel vm0, v34, v4;
	vm0 =	vge.f32 v33, v2  }
0x15e: {  	v3 =	vsel vm0, v3, v4;
	vm0 =	vge.f32 v35, v2  }
0x15f: {  	v2 =	vadd.s32 s21, v1;
	s21 =	smov.u32 s25;
	v3 =	vsel vm0, v37, v3  }
0x160: {  	vm0 =	vgt.s32 v3, $0x0  }
.Ltmp5:
0x161: {  	v3 =	vnsel vm0, $0x0, v3;
	(pc) =	sbr.rel @p0 .LBB2_13-.Ltmp5, $4  }
0x162: {  	v3 =	vmin.u32 v3, $0x186A0  }
0x163: {  	v3 =	vadd.s32 $0x2, v3  }
0x164: {  	s23 =	sadd.s32 $0x80, s23;
	[tilespmem:v2+s11+$0x0] =	vst.idx.msk $0xffff, v3  }
0x165: {  	s25 =	sadd.s32 $0x1, s25;
	v2 =	vld [tilespmem:s23+$0x0]  }
0x166: {  	_ =	sdelay $0x3  }
0x167: {  	v3 =	vmul.f32 $1.000000000e+05, v2;
	_ =	sdelay $0x1  }
0x168: {  	v3 =	vtrunc.f32 v3  }
0x169: {  	v3 =	vcvt.f32.s32 v3;
	_ =	sdelay $0x1  }
0x16a: {  	v4 =	vadd.s32 $0x2, v3  }
0x16b: {  	v34 =	vadd.s32 $0x1, v3;
	v33 =	vcvt.s32.f32 v4  }
0x16c: {  	v35 =	vcvt.s32.f32 v34  }
0x16d: {  	v36 =	vcvt.s32.f32 v3;
	v37 =	vadd.s32 $0xFFFFFFFF, v3;
	v33 =	vmul.f32 $9.999999740e-06, v33  }
0x16e: {  	v38 =	vcvt.s32.f32 v37;
	v35 =	vmul.f32 $9.999999740e-06, v35  }
0x16f: {  	v39 =	vadd.s32 $0x3, v3;
	v62 =	vmul.f32 $9.999999740e-06, v36;
	vm0 =	vge.f32 v33, v2  }
0x170: {  	v63 =	vmul.f32 $9.999999740e-06, v38;
	vm13 =	vge.f32 v35, v2;
	v4 =	vsel vm0, v4, v39  }
0x171: {  	vm14 =	vge.f32 v62, v2;
	v4 =	vsel vm13, v34, v4  }
0x172: {  	vm15 =	vge.f32 v63, v2;
	v3 =	vsel vm14, v3, v4  }
0x173: {  	v2 =	vadd.s32 s21, v1;
	v3 =	vsel vm15, v37, v3  }
0x174: {  	vm0 =	vgt.s32 v3, $0x0  }
0x175: {  	v3 =	vnsel vm0, $0x0, v3  }
0x176: {  	v3 =	vmin.u32 v3, $0x186A0  }
0x177: {  	v3 =	vadd.s32 $0x2, v3  }
0x178: {  	s25 =	simm.s32 $0x1400;
	s23 =	simm.s32 $0x9100;
	[tilespmem:v2+s11+$0x0] =	vst.idx.msk $0xffff, v3  }
0x179: {  	[tilespmem:s23], [sflag:$0x1] =	stream.indirect.gather [hbm4b:s5+s15], $0x10, s25, s15, $0xb8;
	[tilespmem:$0x1A900] =	vst v63  }
0x17a: {  	s26 =	simm.s32 $0x1480;
	s28 =	simm.s32 $0x9900  }
0x17b: {  	[tilespmem:s28], [sflag:$0x1] =	stream.indirect.gather [hbm4b:s5+s15], $0x10, s26, s15, $0xb8;
	[tilespmem:$0x1A900] =	vst v63  }
0x17c: {  	s29 =	simm.s32 $0x1500;
	s30 =	simm.s32 $0xA100;
	s23 =	simm.s32 $0x60  }
0x17d: {  	[tilespmem:s30], [sflag:$0x1] =	stream.indirect.gather [hbm4b:s5+s15], $0x10, s29, s15, $0xb8;
	[tilespmem:$0x1A900] =	vst v63  }
0x17e: {  	s21 =	simm.s32 $0x960;
	s25 =	simm.s32 $0x961;
	v2 =	vld [tilespmem:s23+$0x0]  }
.LBB2_15:
0x17f: {  	p0 =	sne.s32 s25, $0x978;
	_ =	sdelay $0x3  }
0x180: {  	v3 =	vmul.f32 $1.000000000e+05, v2;
	_ =	sdelay $0x1  }
0x181: {  	v3 =	vtrunc.f32 v3  }
0x182: {  	v3 =	vcvt.f32.s32 v3;
	_ =	sdelay $0x1  }
0x183: {  	v4 =	vadd.s32 $0x2, v3  }
0x184: {  	v34 =	vadd.s32 $0x1, v3;
	v33 =	vcvt.s32.f32 v4  }
0x185: {  	v35 =	vcvt.s32.f32 v34  }
0x186: {  	v36 =	vcvt.s32.f32 v3;
	v37 =	vadd.s32 $0xFFFFFFFF, v3;
	v33 =	vmul.f32 $9.999999740e-06, v33  }
0x187: {  	v38 =	vcvt.s32.f32 v37;
	v35 =	vmul.f32 $9.999999740e-06, v35  }
0x188: {  	v39 =	vadd.s32 $0x3, v3;
	vm0 =	vge.f32 v33, v2;
	v33 =	vmul.f32 $9.999999740e-06, v36  }
0x189: {  	v4 =	vsel vm0, v4, v39;
	vm0 =	vge.f32 v35, v2;
	v35 =	vmul.f32 $9.999999740e-06, v38  }
0x18a: {  	v4 =	vsel vm0, v34, v4;
	vm0 =	vge.f32 v33, v2  }
0x18b: {  	v3 =	vsel vm0, v3, v4;
	vm0 =	vge.f32 v35, v2  }
0x18c: {  	v2 =	vadd.s32 s21, v1;
	s21 =	smov.u32 s25;
	v3 =	vsel vm0, v37, v3  }
0x18d: {  	vm0 =	vgt.s32 v3, $0x0  }
.Ltmp6:
0x18e: {  	v3 =	vnsel vm0, $0x0, v3;
	(pc) =	sbr.rel @p0 .LBB2_15-.Ltmp6, $4  }
0x18f: {  	v3 =	vmin.u32 v3, $0x186A0  }
0x190: {  	v3 =	vadd.s32 $0x2, v3  }
0x191: {  	s23 =	sadd.s32 $0x80, s23;
	[tilespmem:v2+s11+$0x0] =	vst.idx.msk $0xffff, v3  }
0x192: {  	s25 =	sadd.s32 $0x1, s25;
	v2 =	vld [tilespmem:s23+$0x0]  }
0x193: {  	_ =	sdelay $0x3  }
0x194: {  	v3 =	vmul.f32 $1.000000000e+05, v2;
	_ =	sdelay $0x1  }
0x195: {  	v3 =	vtrunc.f32 v3  }
0x196: {  	v3 =	vcvt.f32.s32 v3;
	_ =	sdelay $0x1  }
0x197: {  	v4 =	vadd.s32 $0x2, v3  }
0x198: {  	v34 =	vadd.s32 $0x1, v3;
	v33 =	vcvt.s32.f32 v4  }
0x199: {  	v35 =	vcvt.s32.f32 v34  }
0x19a: {  	v36 =	vcvt.s32.f32 v3;
	v37 =	vadd.s32 $0xFFFFFFFF, v3;
	v33 =	vmul.f32 $9.999999740e-06, v33  }
0x19b: {  	v38 =	vcvt.s32.f32 v37;
	v35 =	vmul.f32 $9.999999740e-06, v35  }
0x19c: {  	v39 =	vadd.s32 $0x3, v3;
	v62 =	vmul.f32 $9.999999740e-06, v36;
	vm0 =	vge.f32 v33, v2  }
0x19d: {  	v63 =	vmul.f32 $9.999999740e-06, v38;
	vm13 =	vge.f32 v35, v2;
	v4 =	vsel vm0, v4, v39  }
0x19e: {  	vm14 =	vge.f32 v62, v2;
	v4 =	vsel vm13, v34, v4  }
0x19f: {  	vm15 =	vge.f32 v63, v2;
	v3 =	vsel vm14, v3, v4  }
0x1a0: {  	v2 =	vadd.s32 s21, v1;
	v3 =	vsel vm15, v37, v3  }
0x1a1: {  	vm0 =	vgt.s32 v3, $0x0  }
0x1a2: {  	v3 =	vnsel vm0, $0x0, v3  }
0x1a3: {  	v3 =	vmin.u32 v3, $0x186A0  }
0x1a4: {  	v3 =	vadd.s32 $0x2, v3  }
0x1a5: {  	s29 =	simm.s32 $0x1580;
	s23 =	simm.s32 $0xA900;
	[tilespmem:v2+s11+$0x0] =	vst.idx.msk $0xffff, v3  }
0x1a6: {  	[tilespmem:s23], [sflag:$0x1] =	stream.indirect.gather [hbm4b:s5+s15], $0x10, s29, s15, $0xb8;
	[tilespmem:$0x1A900] =	vst v63  }
0x1a7: {  	s30 =	simm.s32 $0x1600  }
0x1a8: {  	[tilespmem:s31], [sflag:$0x1] =	stream.indirect.gather [hbm4b:s5+s15], $0x10, s30, s15, $0xb8;
	[tilespmem:$0x1A900] =	vst v63  }
0x1a9: {  	s23 =	simm.s32 $0x70  }
0x1aa: {  	[tilespmem:s2], [sflag:$0x1] =	stream.indirect.gather [hbm4b:s5+s15], $0x10, s0, s15, $0xb8;
	[tilespmem:$0x1A900] =	vst v63  }
0x1ab: {  	s25 =	simm.s32 $0xAF1;
	s21 =	simm.s32 $0xAF0;
	v2 =	vld [tilespmem:s23+$0x0]  }
.LBB2_17:
0x1ac: {  	p0 =	sne.s32 s25, $0xB08;
	_ =	sdelay $0x3  }
0x1ad: {  	v3 =	vmul.f32 $1.000000000e+05, v2;
	_ =	sdelay $0x1  }
0x1ae: {  	v3 =	vtrunc.f32 v3  }
0x1af: {  	v3 =	vcvt.f32.s32 v3;
	_ =	sdelay $0x1  }
0x1b0: {  	v4 =	vadd.s32 $0x2, v3  }
0x1b1: {  	v34 =	vadd.s32 $0x1, v3;
	v33 =	vcvt.s32.f32 v4  }
0x1b2: {  	v35 =	vcvt.s32.f32 v34  }
0x1b3: {  	v36 =	vcvt.s32.f32 v3;
	v37 =	vadd.s32 $0xFFFFFFFF, v3;
	v33 =	vmul.f32 $9.999999740e-06, v33  }
0x1b4: {  	v38 =	vcvt.s32.f32 v37;
	v35 =	vmul.f32 $9.999999740e-06, v35  }
0x1b5: {  	v39 =	vadd.s32 $0x3, v3;
	vm0 =	vge.f32 v33, v2;
	v33 =	vmul.f32 $9.999999740e-06, v36  }
0x1b6: {  	v4 =	vsel vm0, v4, v39;
	vm0 =	vge.f32 v35, v2;
	v35 =	vmul.f32 $9.999999740e-06, v38  }
0x1b7: {  	v4 =	vsel vm0, v34, v4;
	vm0 =	vge.f32 v33, v2  }
0x1b8: {  	v3 =	vsel vm0, v3, v4;
	vm0 =	vge.f32 v35, v2  }
0x1b9: {  	v2 =	vadd.s32 s21, v1;
	s21 =	smov.u32 s25;
	v3 =	vsel vm0, v37, v3  }
0x1ba: {  	vm0 =	vgt.s32 v3, $0x0  }
.Ltmp7:
0x1bb: {  	v3 =	vnsel vm0, $0x0, v3;
	(pc) =	sbr.rel @p0 .LBB2_17-.Ltmp7, $4  }
0x1bc: {  	v3 =	vmin.u32 v3, $0x186A0  }
0x1bd: {  	v3 =	vadd.s32 $0x2, v3  }
0x1be: {  	s23 =	sadd.s32 $0x80, s23;
	[tilespmem:v2+s11+$0x0] =	vst.idx.msk $0xffff, v3  }
0x1bf: {  	s25 =	sadd.s32 $0x1, s25;
	v2 =	vld [tilespmem:s23+$0x0]  }
0x1c0: {  	_ =	sdelay $0x3  }
0x1c1: {  	v3 =	vmul.f32 $1.000000000e+05, v2;
	_ =	sdelay $0x1  }
0x1c2: {  	v3 =	vtrunc.f32 v3  }
0x1c3: {  	v3 =	vcvt.f32.s32 v3;
	_ =	sdelay $0x1  }
0x1c4: {  	v4 =	vadd.s32 $0x2, v3  }
0x1c5: {  	v34 =	vadd.s32 $0x1, v3;
	v33 =	vcvt.s32.f32 v4  }
0x1c6: {  	v35 =	vcvt.s32.f32 v34  }
0x1c7: {  	v36 =	vcvt.s32.f32 v3;
	v37 =	vadd.s32 $0xFFFFFFFF, v3;
	v33 =	vmul.f32 $9.999999740e-06, v33  }
0x1c8: {  	v38 =	vcvt.s32.f32 v37;
	v35 =	vmul.f32 $9.999999740e-06, v35  }
0x1c9: {  	v39 =	vadd.s32 $0x3, v3;
	v62 =	vmul.f32 $9.999999740e-06, v36;
	vm0 =	vge.f32 v33, v2  }
0x1ca: {  	v63 =	vmul.f32 $9.999999740e-06, v38;
	vm13 =	vge.f32 v35, v2;
	v4 =	vsel vm0, v4, v39  }
0x1cb: {  	vm14 =	vge.f32 v62, v2;
	v4 =	vsel vm13, v34, v4  }
0x1cc: {  	vm15 =	vge.f32 v63, v2;
	v3 =	vsel vm14, v3, v4  }
0x1cd: {  	v2 =	vadd.s32 s21, v1;
	v3 =	vsel vm15, v37, v3  }
0x1ce: {  	vm0 =	vgt.s32 v3, $0x0  }
0x1cf: {  	v3 =	vnsel vm0, $0x0, v3  }
0x1d0: {  	s21 =	sadd.s32 $0x1, s22;
	v3 =	vmin.u32 v3, $0x186A0  }
0x1d1: {  	p0 =	slt.s32 s21, $0xF;
	s23 =	smov.u32 s21;
	v3 =	vadd.s32 $0x2, v3  }
0x1d2: {  	s23 =	simm.s32 @!p0 $0xF;
	[tilespmem:v2+s11+$0x0] =	vst.idx.msk $0xffff, v3  }
0x1d3: {  	[tilespmem:s9], [sflag:$0x1] =	stream.indirect.gather [hbm4b:s5+s15], $0x10, s7, s15, $0xb8;
	[tilespmem:$0x1A900] =	vst v63  }
0x1d4: {  	s23 =	sshll.u32 s23, $0x7  }
0x1d5: {  	[tilespmem:s10], [sflag:$0x1] =	stream.indirect.gather [hbm4b:s5+s15], $0x10, s1, s15, $0xb8;
	[tilespmem:$0x1A900] =	vst v63  }
0x1d6: {  	s23 =	sor.u32 s6, s23  }
0x1d7: {  	[tilespmem:s14], [sflag:$0x1] =	stream.indirect.gather [hbm4b:s5+s15], $0x10, s13, s15, $0xb8;
	[tilespmem:$0x1A900] =	vst v63  }
0x1d8: {  	s25 =	simm.s32 $0x0;
	s23 =	sshrl.u32 s23, $0x3  }
0x1d9: {  	[tilespmem:s16], [sflag:$0x1] =	stream.indirect.gather [hbm4b:s5+s15], $0x10, s3, s15, $0xb8;
	[tilespmem:$0x1A900] =	vst v63  }
0x1da: {  	s26 =	simm.s32 $0x4000;
	p0 =	seq.s32 s22, $0x0;
	s23 =	sadd.s32 s4, s23  }
0x1db: {  	[tilespmem:s25], [sflag:$0x3] =	stream.strided.gather [hbm4b:s23+s15], $0xC80, s26, s15, $0x38;
	[tilespmem:$0x1A900] =	vst v63  }
0x1dc: {  	s23 =	simm.s32 @!p0 $0x2  }
0x1dd: {  	_ =	swait.ge @!p0 [sflag:s23], $0xC800  }
0x1de: {  	[sflag:s23] =	ssyncset.done @!p0 $0x0  }
0x1df: {  	[sflag:s23] =	ssyncadd.s32 @!p0 $0xFFFF3800  }
0x1e0: {  	_ =	swait.ge [sflag:s17], $0x800  }
0x1e1: {  	[sflag:s17] =	ssyncset.done $0x0  }
0x1e2: {  	[sflag:s17] =	ssyncadd.s32 $0xFFFFF800  }
0x1e3: {  	_ =	swait.ge [sflag:s17], $0x800  }
0x1e4: {  	[sflag:s17] =	ssyncset.done $0x0  }
0x1e5: {  	[sflag:s17] =	ssyncadd.s32 $0xFFFFF800  }
0x1e6: {  	_ =	swait.ge [sflag:s17], $0x800  }
0x1e7: {  	[sflag:s17] =	ssyncset.done $0x0  }
0x1e8: {  	[sflag:s17] =	ssyncadd.s32 $0xFFFFF800  }
0x1e9: {  	_ =	swait.ge [sflag:s17], $0x800  }
0x1ea: {  	[sflag:s17] =	ssyncset.done $0x0  }
0x1eb: {  	[sflag:s17] =	ssyncadd.s32 $0xFFFFF800  }
0x1ec: {  	_ =	swait.ge [sflag:s17], $0x800  }
0x1ed: {  	[sflag:s17] =	ssyncset.done $0x0  }
0x1ee: {  	[sflag:s17] =	ssyncadd.s32 $0xFFFFF800  }
0x1ef: {  	_ =	swait.ge [sflag:s17], $0x800  }
0x1f0: {  	[sflag:s17] =	ssyncset.done $0x0  }
0x1f1: {  	[sflag:s17] =	ssyncadd.s32 $0xFFFFF800  }
0x1f2: {  	_ =	swait.ge [sflag:s17], $0x800  }
0x1f3: {  	[sflag:s17] =	ssyncset.done $0x0  }
0x1f4: {  	[sflag:s17] =	ssyncadd.s32 $0xFFFFF800  }
0x1f5: {  	_ =	swait.ge [sflag:s17], $0x800  }
0x1f6: {  	[sflag:s17] =	ssyncset.done $0x0  }
0x1f7: {  	[sflag:s17] =	ssyncadd.s32 $0xFFFFF800  }
0x1f8: {  	_ =	swait.ge [sflag:s17], $0x800  }
0x1f9: {  	[sflag:s17] =	ssyncset.done $0x0  }
0x1fa: {  	[sflag:s17] =	ssyncadd.s32 $0xFFFFF800  }
0x1fb: {  	_ =	swait.ge [sflag:s17], $0x800  }
0x1fc: {  	[sflag:s17] =	ssyncset.done $0x0  }
0x1fd: {  	[sflag:s17] =	ssyncadd.s32 $0xFFFFF800  }
0x1fe: {  	_ =	swait.ge [sflag:s17], $0x800  }
0x1ff: {  	[sflag:s17] =	ssyncset.done $0x0  }
0x200: {  	[sflag:s17] =	ssyncadd.s32 $0xFFFFF800  }
0x201: {  	_ =	swait.ge [sflag:s17], $0x800  }
0x202: {  	[sflag:s17] =	ssyncset.done $0x0  }
0x203: {  	[sflag:s17] =	ssyncadd.s32 $0xFFFFF800  }
0x204: {  	_ =	swait.ge [sflag:s17], $0x800  }
0x205: {  	[sflag:s17] =	ssyncset.done $0x0  }
0x206: {  	s25 =	simm.s32 $0x0;
	s23 =	simm.s32 $0x0;
	[sflag:s17] =	ssyncadd.s32 $0xFFFFF800  }
.LBB2_19:
0x207: {  	s26 =	sadd.s32 $0x0, s23  }
0x208: {  	v33 =	vmul.u32 $0x190, v0;
	v2 =	vmov s26  }
0x209: {  	v2 =	vshll.u32 v2, $0x4  }
0x20a: {  	v5 =	vld [tilespmem:$0x1FFC0];
	v2 =	vadd.s32 v33, v2  }
0x20b: {  	v3 =	vor.u32 v0, v2;
	_ =	sdelay $0x2  }
0x20c: {  	s28 =	sshll.u32 s25, $0x4;
	v4 =	vcombine.low v19, v18  }
0x20d: {  	s26 =	simm.s32 $0x0;
	v48 =	vor.u32 s28, v5;
	v5 =	vld [tilespmem:$0x1FFD0]  }
0x20e: {  	v34 =	vand.u32 $0xF, v4;
	v35 =	vor.u32 s26, v48;
	v3 =	vld.idx.msk [tilespmem:v3+s12+$0x0], $0xffff  }
0x20f: {  	v4 =	vor.u32 v34, v2;
	_ =	sdelay $0x2  }
0x210: {  	v36 =	vcombine.low v21, v20  }
0x211: {  	v49 =	vor.u32 s28, v5;
	v5 =	vld [tilespmem:$0x1FFE0];
	[tilespmem:v35+s18+$0x0] =	vst.idx.msk $0xffff, v3  }
0x212: {  	v35 =	vand.u32 $0xF, v36;
	v3 =	vld.idx.msk [tilespmem:v4+s12+$0x0], $0xffff;
	v4 =	vor.u32 s26, v49  }
0x213: {  	v36 =	vor.u32 v35, v2;
	_ =	sdelay $0x2  }
0x214: {  	v37 =	vcombine.low v23, v22  }
0x215: {  	v50 =	vor.u32 s28, v5;
	v5 =	vld [tilespmem:$0x1FFF0];
	[tilespmem:v4+s18+$0x0] =	vst.idx.msk $0xffff, v3  }
0x216: {  	v4 =	vor.u32 s26, v50;
	v3 =	vld.idx.msk [tilespmem:v36+s12+$0x0], $0xffff;
	v36 =	vand.u32 $0xF, v37  }
0x217: {  	v37 =	vor.u32 v36, v2;
	_ =	sdelay $0x2  }
0x218: {  	v38 =	vcombine.low v25, v24  }
0x219: {  	v51 =	vor.u32 s28, v5;
	[tilespmem:v4+s18+$0x0] =	vst.idx.msk $0xffff, v3  }
0x21a: {  	v4 =	vor.u32 s26, v51;
	v3 =	vld.idx.msk [tilespmem:v37+s12+$0x0], $0xffff;
	v37 =	vand.u32 $0xF, v38  }
0x21b: {  	v38 =	vor.u32 v37, v2;
	_ =	sdelay $0x2  }
0x21c: {  	v39 =	vcombine.low v27, v26  }
0x21d: {  	v52 =	vor.u32 s28, v6;
	[tilespmem:v4+s18+$0x0] =	vst.idx.msk $0xffff, v3  }
0x21e: {  	v4 =	vor.u32 s26, v52;
	v3 =	vld.idx.msk [tilespmem:v38+s12+$0x0], $0xffff;
	v38 =	vand.u32 $0xF, v39  }
0x21f: {  	v39 =	vor.u32 v38, v2;
	_ =	sdelay $0x2  }
0x220: {  	v40 =	vcombine.low v29, v28  }
0x221: {  	v53 =	vor.u32 s28, v7;
	[tilespmem:v4+s18+$0x0] =	vst.idx.msk $0xffff, v3  }
0x222: {  	v4 =	vor.u32 s26, v53;
	v3 =	vld.idx.msk [tilespmem:v39+s12+$0x0], $0xffff;
	v39 =	vand.u32 $0xF, v40  }
0x223: {  	v40 =	vor.u32 v39, v2;
	_ =	sdelay $0x2  }
0x224: {  	v41 =	vcombine.low v31, v30  }
0x225: {  	v54 =	vor.u32 s28, v8;
	[tilespmem:v4+s18+$0x0] =	vst.idx.msk $0xffff, v3  }
0x226: {  	v4 =	vor.u32 s26, v54;
	v3 =	vld.idx.msk [tilespmem:v40+s12+$0x0], $0xffff;
	v40 =	vand.u32 $0xF, v41  }
0x227: {  	v41 =	vor.u32 v40, v2;
	_ =	sdelay $0x3  }
0x228: {  	v55 =	vor.u32 s28, v9;
	[tilespmem:v4+s18+$0x0] =	vst.idx.msk $0xffff, v3  }
0x229: {  	v4 =	vor.u32 s26, v55;
	v3 =	vld.idx.msk [tilespmem:v41+s12+$0x0], $0xffff  }
0x22a: {  	v63 =	vor.u32 v32, v2;
	_ =	sdelay $0x2  }
0x22b: {  	v42 =	vcombine.low v18, v19  }
0x22c: {  	v56 =	vor.u32 s28, v10;
	[tilespmem:v4+s18+$0x0] =	vst.idx.msk $0xffff, v3  }
0x22d: {  	v41 =	vand.u32 $0xF, v42;
	v4 =	vor.u32 s26, v56;
	v3 =	vld.idx.msk [tilespmem:v63+s12+$0x0], $0xffff  }
0x22e: {  	v42 =	vor.u32 v41, v2;
	_ =	sdelay $0x2  }
0x22f: {  	v43 =	vcombine.low v20, v21  }
0x230: {  	v57 =	vor.u32 s28, v11;
	[tilespmem:v4+s18+$0x0] =	vst.idx.msk $0xffff, v3  }
0x231: {  	v4 =	vor.u32 s26, v57;
	v3 =	vld.idx.msk [tilespmem:v42+s12+$0x0], $0xffff;
	v42 =	vand.u32 $0xF, v43  }
0x232: {  	v43 =	vor.u32 v42, v2;
	_ =	sdelay $0x2  }
0x233: {  	v44 =	vcombine.low v22, v23  }
0x234: {  	v58 =	vor.u32 s28, v12;
	[tilespmem:v4+s18+$0x0] =	vst.idx.msk $0xffff, v3  }
0x235: {  	v4 =	vor.u32 s26, v58;
	v3 =	vld.idx.msk [tilespmem:v43+s12+$0x0], $0xffff;
	v43 =	vand.u32 $0xF, v44  }
0x236: {  	v44 =	vor.u32 v43, v2;
	_ =	sdelay $0x2  }
0x237: {  	v45 =	vcombine.low v24, v25  }
0x238: {  	v59 =	vor.u32 s28, v13;
	[tilespmem:v4+s18+$0x0] =	vst.idx.msk $0xffff, v3  }
0x239: {  	v4 =	vor.u32 s26, v59;
	v3 =	vld.idx.msk [tilespmem:v44+s12+$0x0], $0xffff;
	v44 =	vand.u32 $0xF, v45  }
0x23a: {  	v45 =	vor.u32 v44, v2;
	_ =	sdelay $0x2  }
0x23b: {  	v46 =	vcombine.low v26, v27  }
0x23c: {  	v60 =	vor.u32 s28, v14;
	[tilespmem:v4+s18+$0x0] =	vst.idx.msk $0xffff, v3  }
0x23d: {  	v4 =	vor.u32 s26, v60;
	v3 =	vld.idx.msk [tilespmem:v45+s12+$0x0], $0xffff;
	v45 =	vand.u32 $0xF, v46  }
0x23e: {  	v46 =	vor.u32 v45, v2;
	_ =	sdelay $0x2  }
0x23f: {  	v47 =	vcombine.low v28, v29  }
0x240: {  	v61 =	vor.u32 s28, v15;
	[tilespmem:v4+s18+$0x0] =	vst.idx.msk $0xffff, v3  }
0x241: {  	v4 =	vor.u32 s26, v61;
	v3 =	vld.idx.msk [tilespmem:v46+s12+$0x0], $0xffff;
	v46 =	vand.u32 $0xF, v47  }
0x242: {  	v5 =	vor.u32 v46, v2;
	_ =	sdelay $0x2  }
0x243: {  	v47 =	vcombine.low v30, v31  }
0x244: {  	v63 =	vor.u32 s28, v16;
	[tilespmem:v4+s18+$0x0] =	vst.idx.msk $0xffff, v3  }
0x245: {  	v47 =	vand.u32 $0xF, v47;
	v4 =	vor.u32 s26, v63;
	v3 =	vld.idx.msk [tilespmem:v5+s12+$0x0], $0xffff  }
0x246: {  	v2 =	vor.u32 v47, v2;
	_ =	sdelay $0x2  }
0x247: {  	s30 =	sadd.s32 $0x1, s23;
	s29 =	simm.s32 $0x2;
	v62 =	vor.u32 s28, v17;
	s28 =	simm.s32 $0x1  }
.LBB2_20:
0x248: {  	p0 =	sne.s32 s29, $0x18;
	v5 =	vmov s30;
	[tilespmem:v4+s18+$0x0] =	vst.idx.msk $0xffff, v3  }
0x249: {  	v3 =	vshll.u32 v5, $0x4;
	v4 =	vld.idx.msk [tilespmem:v2+s12+$0x0], $0xffff  }
0x24a: {  	v2 =	vadd.s32 v33, v3;
	v3 =	vor.u32 s26, v62  }
0x24b: {  	v5 =	vor.u32 v0, v2;
	_ =	sdelay $0x3  }
0x24c: {  	[tilespmem:v3+s18+$0x0] =	vst.idx.msk $0xffff, v4  }
0x24d: {  	s26 =	sshll.u32 s28, $0xB;
	s28 =	smov.u32 s29;
	v3 =	vld.idx.msk [tilespmem:v5+s12+$0x0], $0xffff  }
0x24e: {  	v4 =	vor.u32 s26, v48  }
0x24f: {  	v5 =	vor.u32 v34, v2;
	_ =	sdelay $0x3  }
0x250: {  	[tilespmem:v4+s18+$0x0] =	vst.idx.msk $0xffff, v3  }
0x251: {  	v3 =	vld.idx.msk [tilespmem:v5+s12+$0x0], $0xffff  }
0x252: {  	v4 =	vor.u32 s26, v49  }
0x253: {  	v5 =	vor.u32 v35, v2;
	_ =	sdelay $0x3  }
0x254: {  	[tilespmem:v4+s18+$0x0] =	vst.idx.msk $0xffff, v3  }
0x255: {  	v3 =	vld.idx.msk [tilespmem:v5+s12+$0x0], $0xffff  }
0x256: {  	v4 =	vor.u32 s26, v50  }
0x257: {  	v5 =	vor.u32 v36, v2;
	_ =	sdelay $0x3  }
0x258: {  	[tilespmem:v4+s18+$0x0] =	vst.idx.msk $0xffff, v3  }
0x259: {  	v3 =	vld.idx.msk [tilespmem:v5+s12+$0x0], $0xffff  }
0x25a: {  	v4 =	vor.u32 s26, v51  }
0x25b: {  	v5 =	vor.u32 v37, v2;
	_ =	sdelay $0x3  }
0x25c: {  	[tilespmem:v4+s18+$0x0] =	vst.idx.msk $0xffff, v3  }
0x25d: {  	v3 =	vld.idx.msk [tilespmem:v5+s12+$0x0], $0xffff  }
0x25e: {  	v4 =	vor.u32 s26, v52  }
0x25f: {  	v5 =	vor.u32 v38, v2;
	_ =	sdelay $0x3  }
0x260: {  	[tilespmem:v4+s18+$0x0] =	vst.idx.msk $0xffff, v3  }
0x261: {  	v3 =	vld.idx.msk [tilespmem:v5+s12+$0x0], $0xffff  }
0x262: {  	v4 =	vor.u32 s26, v53  }
0x263: {  	v5 =	vor.u32 v39, v2;
	_ =	sdelay $0x3  }
0x264: {  	[tilespmem:v4+s18+$0x0] =	vst.idx.msk $0xffff, v3  }
0x265: {  	v3 =	vld.idx.msk [tilespmem:v5+s12+$0x0], $0xffff  }
0x266: {  	v4 =	vor.u32 s26, v54  }
0x267: {  	v5 =	vor.u32 v40, v2;
	_ =	sdelay $0x3  }
0x268: {  	[tilespmem:v4+s18+$0x0] =	vst.idx.msk $0xffff, v3  }
0x269: {  	v3 =	vld.idx.msk [tilespmem:v5+s12+$0x0], $0xffff  }
0x26a: {  	v4 =	vor.u32 s26, v55  }
0x26b: {  	v5 =	vor.u32 v32, v2;
	_ =	sdelay $0x3  }
0x26c: {  	[tilespmem:v4+s18+$0x0] =	vst.idx.msk $0xffff, v3  }
0x26d: {  	v3 =	vld.idx.msk [tilespmem:v5+s12+$0x0], $0xffff  }
0x26e: {  	v4 =	vor.u32 s26, v56  }
0x26f: {  	v5 =	vor.u32 v41, v2;
	_ =	sdelay $0x3  }
0x270: {  	[tilespmem:v4+s18+$0x0] =	vst.idx.msk $0xffff, v3  }
0x271: {  	v3 =	vld.idx.msk [tilespmem:v5+s12+$0x0], $0xffff  }
0x272: {  	v4 =	vor.u32 s26, v57  }
0x273: {  	v5 =	vor.u32 v42, v2;
	_ =	sdelay $0x3  }
0x274: {  	[tilespmem:v4+s18+$0x0] =	vst.idx.msk $0xffff, v3  }
0x275: {  	v3 =	vld.idx.msk [tilespmem:v5+s12+$0x0], $0xffff  }
0x276: {  	v4 =	vor.u32 s26, v58  }
0x277: {  	v5 =	vor.u32 v43, v2;
	_ =	sdelay $0x3  }
0x278: {  	[tilespmem:v4+s18+$0x0] =	vst.idx.msk $0xffff, v3  }
0x279: {  	v3 =	vld.idx.msk [tilespmem:v5+s12+$0x0], $0xffff  }
0x27a: {  	v4 =	vor.u32 s26, v59  }
0x27b: {  	v5 =	vor.u32 v44, v2;
	_ =	sdelay $0x3  }
0x27c: {  	[tilespmem:v4+s18+$0x0] =	vst.idx.msk $0xffff, v3  }
0x27d: {  	v3 =	vld.idx.msk [tilespmem:v5+s12+$0x0], $0xffff  }
0x27e: {  	v4 =	vor.u32 s26, v60  }
0x27f: {  	v5 =	vor.u32 v45, v2;
	_ =	sdelay $0x3  }
0x280: {  	[tilespmem:v4+s18+$0x0] =	vst.idx.msk $0xffff, v3  }
0x281: {  	v3 =	vld.idx.msk [tilespmem:v5+s12+$0x0], $0xffff  }
0x282: {  	v4 =	vor.u32 s26, v61  }
0x283: {  	v5 =	vor.u32 v46, v2;
	_ =	sdelay $0x3  }
0x284: {  	[tilespmem:v4+s18+$0x0] =	vst.idx.msk $0xffff, v3  }
0x285: {  	v3 =	vld.idx.msk [tilespmem:v5+s12+$0x0], $0xffff  }
.Ltmp8:
0x286: {  	v4 =	vor.u32 s26, v63;
	(pc) =	sbr.rel @p0 .LBB2_20-.Ltmp8, $2  }
0x287: {  	v2 =	vor.u32 v47, v2;
	_ =	sdelay $0x2  }
0x288: {  	s29 =	sadd.s32 $0x1, s29;
	s30 =	sadd.s32 s28, s23  }
0x289: {  	_ =	sdelay $0x2  }
0x28a: {  	v5 =	vmov s30  }
0x28b: {  	[tilespmem:v4+s18+$0x0] =	vst.idx.msk $0xffff, v3;
	v3 =	vshll.u32 v5, $0x4  }
0x28c: {  	v4 =	vor.u32 s26, v62;
	v2 =	vld.idx.msk [tilespmem:v2+s12+$0x0], $0xffff;
	v3 =	vadd.s32 v33, v3  }
0x28d: {  	v5 =	vor.u32 v0, v3;
	_ =	sdelay $0x3  }
0x28e: {  	s30 =	sshll.u32 s28, $0xB;
	[tilespmem:v4+s18+$0x0] =	vst.idx.msk $0xffff, v2  }
0x28f: {  	v4 =	vor.u32 s30, v48;
	v2 =	vld.idx.msk [tilespmem:v5+s12+$0x0], $0xffff  }
0x290: {  	v5 =	vor.u32 v34, v3;
	_ =	sdelay $0x3  }
0x291: {  	[tilespmem:v4+s18+$0x0] =	vst.idx.msk $0xffff, v2  }
0x292: {  	v4 =	vor.u32 s30, v49;
	v2 =	vld.idx.msk [tilespmem:v5+s12+$0x0], $0xffff  }
0x293: {  	v5 =	vor.u32 v35, v3;
	_ =	sdelay $0x3  }
0x294: {  	[tilespmem:v4+s18+$0x0] =	vst.idx.msk $0xffff, v2  }
0x295: {  	v4 =	vor.u32 s30, v50;
	v2 =	vld.idx.msk [tilespmem:v5+s12+$0x0], $0xffff  }
0x296: {  	v5 =	vor.u32 v36, v3;
	_ =	sdelay $0x3  }
0x297: {  	[tilespmem:v4+s18+$0x0] =	vst.idx.msk $0xffff, v2  }
0x298: {  	v4 =	vor.u32 s30, v51;
	v2 =	vld.idx.msk [tilespmem:v5+s12+$0x0], $0xffff  }
0x299: {  	v5 =	vor.u32 v37, v3;
	_ =	sdelay $0x3  }
0x29a: {  	[tilespmem:v4+s18+$0x0] =	vst.idx.msk $0xffff, v2  }
0x29b: {  	v4 =	vor.u32 s30, v52;
	v2 =	vld.idx.msk [tilespmem:v5+s12+$0x0], $0xffff  }
0x29c: {  	v5 =	vor.u32 v38, v3;
	_ =	sdelay $0x3  }
0x29d: {  	[tilespmem:v4+s18+$0x0] =	vst.idx.msk $0xffff, v2  }
0x29e: {  	v4 =	vor.u32 s30, v53;
	v2 =	vld.idx.msk [tilespmem:v5+s12+$0x0], $0xffff  }
0x29f: {  	v5 =	vor.u32 v39, v3;
	_ =	sdelay $0x3  }
0x2a0: {  	[tilespmem:v4+s18+$0x0] =	vst.idx.msk $0xffff, v2  }
0x2a1: {  	v4 =	vor.u32 s30, v54;
	v2 =	vld.idx.msk [tilespmem:v5+s12+$0x0], $0xffff  }
0x2a2: {  	v5 =	vor.u32 v40, v3;
	_ =	sdelay $0x3  }
0x2a3: {  	[tilespmem:v4+s18+$0x0] =	vst.idx.msk $0xffff, v2  }
0x2a4: {  	v4 =	vor.u32 s30, v55;
	v2 =	vld.idx.msk [tilespmem:v5+s12+$0x0], $0xffff  }
0x2a5: {  	v5 =	vor.u32 v32, v3;
	_ =	sdelay $0x3  }
0x2a6: {  	[tilespmem:v4+s18+$0x0] =	vst.idx.msk $0xffff, v2  }
0x2a7: {  	v4 =	vor.u32 s30, v56;
	v2 =	vld.idx.msk [tilespmem:v5+s12+$0x0], $0xffff  }
0x2a8: {  	v5 =	vor.u32 v41, v3;
	_ =	sdelay $0x3  }
0x2a9: {  	[tilespmem:v4+s18+$0x0] =	vst.idx.msk $0xffff, v2  }
0x2aa: {  	v4 =	vor.u32 s30, v57;
	v2 =	vld.idx.msk [tilespmem:v5+s12+$0x0], $0xffff  }
0x2ab: {  	v5 =	vor.u32 v42, v3;
	_ =	sdelay $0x3  }
0x2ac: {  	[tilespmem:v4+s18+$0x0] =	vst.idx.msk $0xffff, v2  }
0x2ad: {  	v4 =	vor.u32 s30, v58;
	v2 =	vld.idx.msk [tilespmem:v5+s12+$0x0], $0xffff  }
0x2ae: {  	v5 =	vor.u32 v43, v3;
	_ =	sdelay $0x3  }
0x2af: {  	[tilespmem:v4+s18+$0x0] =	vst.idx.msk $0xffff, v2  }
0x2b0: {  	v4 =	vor.u32 s30, v59;
	v2 =	vld.idx.msk [tilespmem:v5+s12+$0x0], $0xffff  }
0x2b1: {  	v5 =	vor.u32 v44, v3;
	_ =	sdelay $0x3  }
0x2b2: {  	[tilespmem:v4+s18+$0x0] =	vst.idx.msk $0xffff, v2  }
0x2b3: {  	v4 =	vor.u32 s30, v60;
	v2 =	vld.idx.msk [tilespmem:v5+s12+$0x0], $0xffff  }
0x2b4: {  	v5 =	vor.u32 v45, v3;
	_ =	sdelay $0x3  }
0x2b5: {  	[tilespmem:v4+s18+$0x0] =	vst.idx.msk $0xffff, v2  }
0x2b6: {  	v4 =	vor.u32 s30, v61;
	v2 =	vld.idx.msk [tilespmem:v5+s12+$0x0], $0xffff  }
0x2b7: {  	v5 =	vor.u32 v46, v3;
	_ =	sdelay $0x3  }
0x2b8: {  	[tilespmem:v4+s18+$0x0] =	vst.idx.msk $0xffff, v2  }
0x2b9: {  	v4 =	vor.u32 s30, v63;
	v2 =	vld.idx.msk [tilespmem:v5+s12+$0x0], $0xffff  }
0x2ba: {  	v3 =	vor.u32 v47, v3;
	_ =	sdelay $0x3  }
0x2bb: {  	s25 =	sadd.s32 $0x1, s25;
	[tilespmem:v4+s18+$0x0] =	vst.idx.msk $0xffff, v2  }
0x2bc: {  	p0 =	sne.s32 s25, $0x4;
	v2 =	vld.idx.msk [tilespmem:v3+s12+$0x0], $0xffff;
	v3 =	vor.u32 s30, v62  }
.Ltmp9:
0x2bd: {  	_ = 	snop;
	(pc) =	sbr.rel @p0 .LBB2_19-.Ltmp9, $2  }
0x2be: {  	_ =	sdelay $0x2  }
0x2bf: {  	s23 =	sadd.s32 $0x190, s23;
	[tilespmem:v3+s18+$0x0] =	vst.idx.msk $0xffff, v2  }
0x2c0: {  	_ =	swait.ge [sflag:s17], $0x800  }
0x2c1: {  	[sflag:s17] =	ssyncset.done $0x0  }
0x2c2: {  	[sflag:s17] =	ssyncadd.s32 $0xFFFFF800  }
0x2c3: {  	_ =	swait.ge [sflag:s17], $0x800  }
0x2c4: {  	[sflag:s17] =	ssyncset.done $0x0  }
0x2c5: {  	[sflag:s17] =	ssyncadd.s32 $0xFFFFF800  }
0x2c6: {  	_ =	swait.ge [sflag:s17], $0x800  }
0x2c7: {  	[sflag:s17] =	ssyncset.done $0x0  }
0x2c8: {  	[sflag:s17] =	ssyncadd.s32 $0xFFFFF800  }
0x2c9: {  	_ =	swait.ge [sflag:s17], $0x800  }
0x2ca: {  	[sflag:s17] =	ssyncset.done $0x0  }
0x2cb: {  	[sflag:s17] =	ssyncadd.s32 $0xFFFFF800  }
0x2cc: {  	_ =	swait.ge [sflag:s17], $0x800  }
0x2cd: {  	[sflag:s17] =	ssyncset.done $0x0  }
0x2ce: {  	[sflag:s17] =	ssyncadd.s32 $0xFFFFF800  }
0x2cf: {  	_ =	swait.ge [sflag:s17], $0x800  }
0x2d0: {  	[sflag:s17] =	ssyncset.done $0x0  }
0x2d1: {  	[sflag:s17] =	ssyncadd.s32 $0xFFFFF800  }
0x2d2: {  	_ =	swait.ge [sflag:s17], $0x800  }
0x2d3: {  	[sflag:s17] =	ssyncset.done $0x0  }
0x2d4: {  	[sflag:s17] =	ssyncadd.s32 $0xFFFFF800  }
0x2d5: {  	_ =	swait.ge [sflag:s17], $0x800  }
0x2d6: {  	[sflag:s17] =	ssyncset.done $0x0  }
0x2d7: {  	[sflag:s17] =	ssyncadd.s32 $0xFFFFF800  }
0x2d8: {  	_ =	swait.ge [sflag:s17], $0x800  }
0x2d9: {  	[sflag:s17] =	ssyncset.done $0x0  }
0x2da: {  	[sflag:s17] =	ssyncadd.s32 $0xFFFFF800  }
0x2db: {  	_ =	swait.ge [sflag:s17], $0x800  }
0x2dc: {  	[sflag:s17] =	ssyncset.done $0x0  }
0x2dd: {  	[sflag:s17] =	ssyncadd.s32 $0xFFFFF800  }
0x2de: {  	_ =	swait.ge [sflag:s17], $0x800  }
0x2df: {  	[sflag:s17] =	ssyncset.done $0x0  }
0x2e0: {  	[sflag:s17] =	ssyncadd.s32 $0xFFFFF800  }
0x2e1: {  	_ =	swait.ge [sflag:s17], $0x800  }
0x2e2: {  	[sflag:s17] =	ssyncset.done $0x0  }
0x2e3: {  	s23 =	simm.s32 $0x4;
	s25 =	simm.s32 $0x640;
	[sflag:s17] =	ssyncadd.s32 $0xFFFFF800  }
.LBB2_23:
0x2e4: {  	s26 =	sadd.s32 $0x0, s25  }
0x2e5: {  	v2 =	vmov s26  }
0x2e6: {  	v2 =	vshll.u32 v2, $0x4  }
0x2e7: {  	v4 =	vld [tilespmem:$0x1FFC0];
	v2 =	vadd.s32 v33, v2  }
0x2e8: {  	v3 =	vor.u32 v0, v2;
	_ =	sdelay $0x2  }
0x2e9: {  	s28 =	sshll.u32 s23, $0x4  }
0x2ea: {  	v49 =	vld [tilespmem:$0x1FFD0];
	s26 =	simm.s32 $0x0;
	v48 =	vor.u32 s28, v4  }
0x2eb: {  	v4 =	vor.u32 s26, v48;
	v3 =	vld.idx.msk [tilespmem:v3+s12+$0x0], $0xffff  }
0x2ec: {  	v5 =	vor.u32 v34, v2;
	_ =	sdelay $0x3  }
0x2ed: {  	v50 =	vld [tilespmem:$0x1FFE0];
	v49 =	vor.u32 s28, v49;
	[tilespmem:v4+s18+$0x0] =	vst.idx.msk $0xffff, v3  }
0x2ee: {  	v4 =	vor.u32 s26, v49;
	v3 =	vld.idx.msk [tilespmem:v5+s12+$0x0], $0xffff  }
0x2ef: {  	v5 =	vor.u32 v35, v2;
	_ =	sdelay $0x3  }
0x2f0: {  	v51 =	vld [tilespmem:$0x1FFF0];
	v50 =	vor.u32 s28, v50;
	[tilespmem:v4+s18+$0x0] =	vst.idx.msk $0xffff, v3  }
0x2f1: {  	v4 =	vor.u32 s26, v50;
	v3 =	vld.idx.msk [tilespmem:v5+s12+$0x0], $0xffff  }
0x2f2: {  	v5 =	vor.u32 v36, v2;
	_ =	sdelay $0x3  }
0x2f3: {  	v51 =	vor.u32 s28, v51;
	[tilespmem:v4+s18+$0x0] =	vst.idx.msk $0xffff, v3  }
0x2f4: {  	v4 =	vor.u32 s26, v51;
	v3 =	vld.idx.msk [tilespmem:v5+s12+$0x0], $0xffff  }
0x2f5: {  	v5 =	vor.u32 v37, v2;
	_ =	sdelay $0x3  }
0x2f6: {  	v52 =	vor.u32 s28, v6;
	[tilespmem:v4+s18+$0x0] =	vst.idx.msk $0xffff, v3  }
0x2f7: {  	v4 =	vor.u32 s26, v52;
	v3 =	vld.idx.msk [tilespmem:v5+s12+$0x0], $0xffff  }
0x2f8: {  	v5 =	vor.u32 v38, v2;
	_ =	sdelay $0x3  }
0x2f9: {  	v53 =	vor.u32 s28, v7;
	[tilespmem:v4+s18+$0x0] =	vst.idx.msk $0xffff, v3  }
0x2fa: {  	v4 =	vor.u32 s26, v53;
	v3 =	vld.idx.msk [tilespmem:v5+s12+$0x0], $0xffff  }
0x2fb: {  	v5 =	vor.u32 v39, v2;
	_ =	sdelay $0x3  }
0x2fc: {  	v54 =	vor.u32 s28, v8;
	[tilespmem:v4+s18+$0x0] =	vst.idx.msk $0xffff, v3  }
0x2fd: {  	v4 =	vor.u32 s26, v54;
	v3 =	vld.idx.msk [tilespmem:v5+s12+$0x0], $0xffff  }
0x2fe: {  	v5 =	vor.u32 v40, v2;
	_ =	sdelay $0x3  }
0x2ff: {  	v55 =	vor.u32 s28, v9;
	[tilespmem:v4+s18+$0x0] =	vst.idx.msk $0xffff, v3  }
0x300: {  	v4 =	vor.u32 s26, v55;
	v3 =	vld.idx.msk [tilespmem:v5+s12+$0x0], $0xffff  }
0x301: {  	v5 =	vor.u32 v32, v2;
	_ =	sdelay $0x3  }
0x302: {  	v56 =	vor.u32 s28, v10;
	[tilespmem:v4+s18+$0x0] =	vst.idx.msk $0xffff, v3  }
0x303: {  	v4 =	vor.u32 s26, v56;
	v3 =	vld.idx.msk [tilespmem:v5+s12+$0x0], $0xffff  }
0x304: {  	v5 =	vor.u32 v41, v2;
	_ =	sdelay $0x3  }
0x305: {  	v57 =	vor.u32 s28, v11;
	[tilespmem:v4+s18+$0x0] =	vst.idx.msk $0xffff, v3  }
0x306: {  	v4 =	vor.u32 s26, v57;
	v3 =	vld.idx.msk [tilespmem:v5+s12+$0x0], $0xffff  }
0x307: {  	v5 =	vor.u32 v42, v2;
	_ =	sdelay $0x3  }
0x308: {  	v58 =	vor.u32 s28, v12;
	[tilespmem:v4+s18+$0x0] =	vst.idx.msk $0xffff, v3  }
0x309: {  	v4 =	vor.u32 s26, v58;
	v3 =	vld.idx.msk [tilespmem:v5+s12+$0x0], $0xffff  }
0x30a: {  	v5 =	vor.u32 v43, v2;
	_ =	sdelay $0x3  }
0x30b: {  	v59 =	vor.u32 s28, v13;
	[tilespmem:v4+s18+$0x0] =	vst.idx.msk $0xffff, v3  }
0x30c: {  	v4 =	vor.u32 s26, v59;
	v3 =	vld.idx.msk [tilespmem:v5+s12+$0x0], $0xffff  }
0x30d: {  	v5 =	vor.u32 v44, v2;
	_ =	sdelay $0x3  }
0x30e: {  	v60 =	vor.u32 s28, v14;
	[tilespmem:v4+s18+$0x0] =	vst.idx.msk $0xffff, v3  }
0x30f: {  	v4 =	vor.u32 s26, v60;
	v3 =	vld.idx.msk [tilespmem:v5+s12+$0x0], $0xffff  }
0x310: {  	v5 =	vor.u32 v45, v2;
	_ =	sdelay $0x3  }
0x311: {  	v62 =	vor.u32 s28, v15;
	[tilespmem:v4+s18+$0x0] =	vst.idx.msk $0xffff, v3  }
0x312: {  	v4 =	vor.u32 s26, v62;
	v3 =	vld.idx.msk [tilespmem:v5+s12+$0x0], $0xffff  }
0x313: {  	v5 =	vor.u32 v46, v2;
	_ =	sdelay $0x3  }
0x314: {  	v63 =	vor.u32 s28, v16;
	[tilespmem:v4+s18+$0x0] =	vst.idx.msk $0xffff, v3  }
0x315: {  	v4 =	vor.u32 s26, v63;
	v3 =	vld.idx.msk [tilespmem:v5+s12+$0x0], $0xffff  }
0x316: {  	v2 =	vor.u32 v47, v2;
	_ =	sdelay $0x2  }
0x317: {  	s30 =	sadd.s32 $0x1, s25;
	s29 =	simm.s32 $0x2;
	v61 =	vor.u32 s28, v17;
	s28 =	simm.s32 $0x1  }
.LBB2_24:
0x318: {  	p0 =	sne.s32 s29, $0x18;
	v5 =	vmov s30;
	[tilespmem:v4+s18+$0x0] =	vst.idx.msk $0xffff, v3  }
0x319: {  	v3 =	vshll.u32 v5, $0x4;
	v4 =	vld.idx.msk [tilespmem:v2+s12+$0x0], $0xffff  }
0x31a: {  	v2 =	vadd.s32 v33, v3;
	v3 =	vor.u32 s26, v61  }
0x31b: {  	v5 =	vor.u32 v0, v2;
	_ =	sdelay $0x3  }
0x31c: {  	[tilespmem:v3+s18+$0x0] =	vst.idx.msk $0xffff, v4  }
0x31d: {  	s26 =	sshll.u32 s28, $0xB;
	s28 =	smov.u32 s29;
	v3 =	vld.idx.msk [tilespmem:v5+s12+$0x0], $0xffff  }
0x31e: {  	v4 =	vor.u32 s26, v48  }
0x31f: {  	v5 =	vor.u32 v34, v2;
	_ =	sdelay $0x3  }
0x320: {  	[tilespmem:v4+s18+$0x0] =	vst.idx.msk $0xffff, v3  }
0x321: {  	v3 =	vld.idx.msk [tilespmem:v5+s12+$0x0], $0xffff  }
0x322: {  	v4 =	vor.u32 s26, v49  }
0x323: {  	v5 =	vor.u32 v35, v2;
	_ =	sdelay $0x3  }
0x324: {  	[tilespmem:v4+s18+$0x0] =	vst.idx.msk $0xffff, v3  }
0x325: {  	v3 =	vld.idx.msk [tilespmem:v5+s12+$0x0], $0xffff  }
0x326: {  	v4 =	vor.u32 s26, v50  }
0x327: {  	v5 =	vor.u32 v36, v2;
	_ =	sdelay $0x3  }
0x328: {  	[tilespmem:v4+s18+$0x0] =	vst.idx.msk $0xffff, v3  }
0x329: {  	v3 =	vld.idx.msk [tilespmem:v5+s12+$0x0], $0xffff  }
0x32a: {  	v4 =	vor.u32 s26, v51  }
0x32b: {  	v5 =	vor.u32 v37, v2;
	_ =	sdelay $0x3  }
0x32c: {  	[tilespmem:v4+s18+$0x0] =	vst.idx.msk $0xffff, v3  }
0x32d: {  	v3 =	vld.idx.msk [tilespmem:v5+s12+$0x0], $0xffff  }
0x32e: {  	v4 =	vor.u32 s26, v52  }
0x32f: {  	v5 =	vor.u32 v38, v2;
	_ =	sdelay $0x3  }
0x330: {  	[tilespmem:v4+s18+$0x0] =	vst.idx.msk $0xffff, v3  }
0x331: {  	v3 =	vld.idx.msk [tilespmem:v5+s12+$0x0], $0xffff  }
0x332: {  	v4 =	vor.u32 s26, v53  }
0x333: {  	v5 =	vor.u32 v39, v2;
	_ =	sdelay $0x3  }
0x334: {  	[tilespmem:v4+s18+$0x0] =	vst.idx.msk $0xffff, v3  }
0x335: {  	v3 =	vld.idx.msk [tilespmem:v5+s12+$0x0], $0xffff  }
0x336: {  	v4 =	vor.u32 s26, v54  }
0x337: {  	v5 =	vor.u32 v40, v2;
	_ =	sdelay $0x3  }
0x338: {  	[tilespmem:v4+s18+$0x0] =	vst.idx.msk $0xffff, v3  }
0x339: {  	v3 =	vld.idx.msk [tilespmem:v5+s12+$0x0], $0xffff  }
0x33a: {  	v4 =	vor.u32 s26, v55  }
0x33b: {  	v5 =	vor.u32 v32, v2;
	_ =	sdelay $0x3  }
0x33c: {  	[tilespmem:v4+s18+$0x0] =	vst.idx.msk $0xffff, v3  }
0x33d: {  	v3 =	vld.idx.msk [tilespmem:v5+s12+$0x0], $0xffff  }
0x33e: {  	v4 =	vor.u32 s26, v56  }
0x33f: {  	v5 =	vor.u32 v41, v2;
	_ =	sdelay $0x3  }
0x340: {  	[tilespmem:v4+s18+$0x0] =	vst.idx.msk $0xffff, v3  }
0x341: {  	v3 =	vld.idx.msk [tilespmem:v5+s12+$0x0], $0xffff  }
0x342: {  	v4 =	vor.u32 s26, v57  }
0x343: {  	v5 =	vor.u32 v42, v2;
	_ =	sdelay $0x3  }
0x344: {  	[tilespmem:v4+s18+$0x0] =	vst.idx.msk $0xffff, v3  }
0x345: {  	v3 =	vld.idx.msk [tilespmem:v5+s12+$0x0], $0xffff  }
0x346: {  	v4 =	vor.u32 s26, v58  }
0x347: {  	v5 =	vor.u32 v43, v2;
	_ =	sdelay $0x3  }
0x348: {  	[tilespmem:v4+s18+$0x0] =	vst.idx.msk $0xffff, v3  }
0x349: {  	v3 =	vld.idx.msk [tilespmem:v5+s12+$0x0], $0xffff  }
0x34a: {  	v4 =	vor.u32 s26, v59  }
0x34b: {  	v5 =	vor.u32 v44, v2;
	_ =	sdelay $0x3  }
0x34c: {  	[tilespmem:v4+s18+$0x0] =	vst.idx.msk $0xffff, v3  }
0x34d: {  	v3 =	vld.idx.msk [tilespmem:v5+s12+$0x0], $0xffff  }
0x34e: {  	v4 =	vor.u32 s26, v60  }
0x34f: {  	v5 =	vor.u32 v45, v2;
	_ =	sdelay $0x3  }
0x350: {  	[tilespmem:v4+s18+$0x0] =	vst.idx.msk $0xffff, v3  }
0x351: {  	v3 =	vld.idx.msk [tilespmem:v5+s12+$0x0], $0xffff  }
0x352: {  	v4 =	vor.u32 s26, v62  }
0x353: {  	v5 =	vor.u32 v46, v2;
	_ =	sdelay $0x3  }
0x354: {  	[tilespmem:v4+s18+$0x0] =	vst.idx.msk $0xffff, v3  }
0x355: {  	v3 =	vld.idx.msk [tilespmem:v5+s12+$0x0], $0xffff  }
.Ltmp10:
0x356: {  	v4 =	vor.u32 s26, v63;
	(pc) =	sbr.rel @p0 .LBB2_24-.Ltmp10, $2  }
0x357: {  	v2 =	vor.u32 v47, v2;
	_ =	sdelay $0x2  }
0x358: {  	s29 =	sadd.s32 $0x1, s29;
	s30 =	sadd.s32 s28, s25  }
0x359: {  	_ =	sdelay $0x2  }
0x35a: {  	v5 =	vmov s30  }
0x35b: {  	[tilespmem:v4+s18+$0x0] =	vst.idx.msk $0xffff, v3;
	v3 =	vshll.u32 v5, $0x4  }
0x35c: {  	v4 =	vor.u32 s26, v61;
	v2 =	vld.idx.msk [tilespmem:v2+s12+$0x0], $0xffff;
	v3 =	vadd.s32 v33, v3  }
0x35d: {  	v5 =	vor.u32 v0, v3;
	_ =	sdelay $0x3  }
0x35e: {  	s30 =	sshll.u32 s28, $0xB;
	[tilespmem:v4+s18+$0x0] =	vst.idx.msk $0xffff, v2  }
0x35f: {  	v4 =	vor.u32 s30, v48;
	v2 =	vld.idx.msk [tilespmem:v5+s12+$0x0], $0xffff  }
0x360: {  	v5 =	vor.u32 v34, v3;
	_ =	sdelay $0x3  }
0x361: {  	[tilespmem:v4+s18+$0x0] =	vst.idx.msk $0xffff, v2  }
0x362: {  	v4 =	vor.u32 s30, v49;
	v2 =	vld.idx.msk [tilespmem:v5+s12+$0x0], $0xffff  }
0x363: {  	v5 =	vor.u32 v35, v3;
	_ =	sdelay $0x3  }
0x364: {  	[tilespmem:v4+s18+$0x0] =	vst.idx.msk $0xffff, v2  }
0x365: {  	v4 =	vor.u32 s30, v50;
	v2 =	vld.idx.msk [tilespmem:v5+s12+$0x0], $0xffff  }
0x366: {  	v5 =	vor.u32 v36, v3;
	_ =	sdelay $0x3  }
0x367: {  	[tilespmem:v4+s18+$0x0] =	vst.idx.msk $0xffff, v2  }
0x368: {  	v4 =	vor.u32 s30, v51;
	v2 =	vld.idx.msk [tilespmem:v5+s12+$0x0], $0xffff  }
0x369: {  	v5 =	vor.u32 v37, v3;
	_ =	sdelay $0x3  }
0x36a: {  	[tilespmem:v4+s18+$0x0] =	vst.idx.msk $0xffff, v2  }
0x36b: {  	v4 =	vor.u32 s30, v52;
	v2 =	vld.idx.msk [tilespmem:v5+s12+$0x0], $0xffff  }
0x36c: {  	v5 =	vor.u32 v38, v3;
	_ =	sdelay $0x3  }
0x36d: {  	[tilespmem:v4+s18+$0x0] =	vst.idx.msk $0xffff, v2  }
0x36e: {  	v4 =	vor.u32 s30, v53;
	v2 =	vld.idx.msk [tilespmem:v5+s12+$0x0], $0xffff  }
0x36f: {  	v5 =	vor.u32 v39, v3;
	_ =	sdelay $0x3  }
0x370: {  	[tilespmem:v4+s18+$0x0] =	vst.idx.msk $0xffff, v2  }
0x371: {  	v4 =	vor.u32 s30, v54;
	v2 =	vld.idx.msk [tilespmem:v5+s12+$0x0], $0xffff  }
0x372: {  	v5 =	vor.u32 v40, v3;
	_ =	sdelay $0x3  }
0x373: {  	[tilespmem:v4+s18+$0x0] =	vst.idx.msk $0xffff, v2  }
0x374: {  	v4 =	vor.u32 s30, v55;
	v2 =	vld.idx.msk [tilespmem:v5+s12+$0x0], $0xffff  }
0x375: {  	v5 =	vor.u32 v32, v3;
	_ =	sdelay $0x3  }
0x376: {  	[tilespmem:v4+s18+$0x0] =	vst.idx.msk $0xffff, v2  }
0x377: {  	v4 =	vor.u32 s30, v56;
	v2 =	vld.idx.msk [tilespmem:v5+s12+$0x0], $0xffff  }
0x378: {  	v5 =	vor.u32 v41, v3;
	_ =	sdelay $0x3  }
0x379: {  	[tilespmem:v4+s18+$0x0] =	vst.idx.msk $0xffff, v2  }
0x37a: {  	v4 =	vor.u32 s30, v57;
	v2 =	vld.idx.msk [tilespmem:v5+s12+$0x0], $0xffff  }
0x37b: {  	v5 =	vor.u32 v42, v3;
	_ =	sdelay $0x3  }
0x37c: {  	[tilespmem:v4+s18+$0x0] =	vst.idx.msk $0xffff, v2  }
0x37d: {  	v4 =	vor.u32 s30, v58;
	v2 =	vld.idx.msk [tilespmem:v5+s12+$0x0], $0xffff  }
0x37e: {  	v5 =	vor.u32 v43, v3;
	_ =	sdelay $0x3  }
0x37f: {  	[tilespmem:v4+s18+$0x0] =	vst.idx.msk $0xffff, v2  }
0x380: {  	v4 =	vor.u32 s30, v59;
	v2 =	vld.idx.msk [tilespmem:v5+s12+$0x0], $0xffff  }
0x381: {  	v5 =	vor.u32 v44, v3;
	_ =	sdelay $0x3  }
0x382: {  	[tilespmem:v4+s18+$0x0] =	vst.idx.msk $0xffff, v2  }
0x383: {  	v4 =	vor.u32 s30, v60;
	v2 =	vld.idx.msk [tilespmem:v5+s12+$0x0], $0xffff  }
0x384: {  	v5 =	vor.u32 v45, v3;
	_ =	sdelay $0x3  }
0x385: {  	[tilespmem:v4+s18+$0x0] =	vst.idx.msk $0xffff, v2  }
0x386: {  	v4 =	vor.u32 s30, v62;
	v2 =	vld.idx.msk [tilespmem:v5+s12+$0x0], $0xffff  }
0x387: {  	v5 =	vor.u32 v46, v3;
	_ =	sdelay $0x3  }
0x388: {  	[tilespmem:v4+s18+$0x0] =	vst.idx.msk $0xffff, v2  }
0x389: {  	v4 =	vor.u32 s30, v63;
	v2 =	vld.idx.msk [tilespmem:v5+s12+$0x0], $0xffff  }
0x38a: {  	v3 =	vor.u32 v47, v3;
	_ =	sdelay $0x3  }
0x38b: {  	s23 =	sadd.s32 $0x1, s23;
	[tilespmem:v4+s18+$0x0] =	vst.idx.msk $0xffff, v2  }
0x38c: {  	p0 =	sne.s32 s23, $0x8;
	v2 =	vld.idx.msk [tilespmem:v3+s12+$0x0], $0xffff;
	v3 =	vor.u32 s30, v61  }
.Ltmp11:
0x38d: {  	_ = 	snop;
	(pc) =	sbr.rel @p0 .LBB2_23-.Ltmp11, $2  }
0x38e: {  	_ =	sdelay $0x2  }
0x38f: {  	s25 =	sadd.s32 $0x190, s25;
	[tilespmem:v3+s18+$0x0] =	vst.idx.msk $0xffff, v2  }
0x390: {  	s22 =	sshll.u32 s22, $0xA;
	p0 =	sne.s32 s21, $0x10  }
.Ltmp12:
0x391: {  	s22 =	sadd.s32 s8, s22;
	(pc) =	sbr.rel @p0 .LBB2_2-.Ltmp12, $4  }
0x392: {  	s23 =	rddreg [dreg:$0x1];
	s22 =	sshrl.u32 s22, $0x3  }
0x393: {  	s22 =	sadd.s32 s23, s22  }
0x394: {  	[hbm4b:s22+s19] =	stream.strided.scatter [tilespmem:s18], [sflag:$0x2], $0xC800, s20, s19, $0x38;
	[tilespmem:$0x1A900] =	vst v63  }
0x395: {  	s22 =	smov.u32 s21  }
0x396: {  	_ =	swait.ge [sflag:s24], $0xC80  }
0x397: {  	[sflag:s24] =	ssyncset.done $0x0  }
0x398: {  	s22 =	simm.s32 $0x2;
	[sflag:s24] =	ssyncadd.s32 $0xFFFFF380  }
0x399: {  	_ =	swait.ge [sflag:s22], $0xC800  }
0x39a: {  	s23 =	rddreg [dreg:$0x5]  }
0x39b: {  	s21 =	rddreg [dreg:$0x4];
	s23 =	sadd.s32 $0x1, s23  }
0x39c: {  	p0 =	sne.s32 s23, s21  }
.Ltmp13:
0x39d: {  	_ = 	snop;
	(pc) =	sbr.rel @p0 .LBB2_1-.Ltmp13, $3  }
0x39e: {  	_ =	sdelay $0x1  }
0x39f: {  	[sflag:s22] =	ssyncset.done $0x0  }
0x3a0: {  	[sflag:s22] =	ssyncadd.s32 $0xFFFF3800  }
0x3a1: {  	_ =	sfence.sel $0x180000  }
0x3a2: {  	[bflag:$0x0] =	sbarrier.arrive $0xFFFF  }
0x3a3: {  	_ =	strace $0x90000047  }
0x3a4: {  	s0 =	stileid.u32;
	[bflag:$0x2] =	sbarrier.arrive $0xFFFF  }
0x3a5: {  	p0 =	sne.s32 s0, $0x0;
	s0 =	rddreg [dreg:$0x2]  }
0x3a6: {  	s0 =	sadd.s32 @!p0 $0x100000, s0  }
0x3a7: {  	[sflag:s0] =	ssyncadd.tile.s32 @!p0 $0x1;
	_ =	shalt  }
.Lfunc_end2:
_tile_overlayer_lowered:
.L_overlay_start_2:
0x3a8: {  	(tag) =	ssettag $0x2  }
0x3a9: {  	s0 =	rddreg [dreg:$0x0];
	s2 =	stileid.u32  }
0x3aa: {  	s1 =	rddreg [dreg:$0x1];
	p0 =	sne.s32 s2, $0x0  }
0x3ab: {  	s3 =	rddreg [dreg:$0x2];
	[bflag:$0x3] =	sbarrier.arrive $0xFFFF;
	s2 =	simm.s32 @!p0 $0x1C04  }
0x3ac: {  	[timem:s3], [sflag:s2] =	dma.local @!p0 [hbm:s0], s1  }
0x3ad: {  	s0 =	simm.s32 @!p0 $0x4  }
0x3ae: {  	_ =	swait.ge @!p0 [sflag:s0], s1  }
0x3af: {  	s1 =	ssub.s32 @!p0 $0x0, s1;
	[sflag:s0] =	ssyncset.done @!p0 $0x0  }
0x3b0: {  	[sflag:s0] =	ssyncadd.s32 @!p0 s1  }
0x3b1: {  	[bflag:$0x3] =	sbarrier.arrive $0xFFFF  }
0x3b2: {  	_ =	shalt  }

</sc_bundles>
